<compile_context>
chip_gen: v7x
topology: tpu7x:2x2x1
jax: 0.10.2.dev20260603
libtpu: 0.0.44.dev20260713+nightly
codegen_flags: <defaults>
</compile_context>

<pallas_src>
import functools

import jax
import jax.numpy as jnp
from jax import lax
from jax.experimental import pallas as pl
from jax.experimental.pallas import tpu as pltpu
from jax.experimental.pallas import tpu_sc as plsc

N = 10000
E = 320000
D = 128

NC = 2
NS = 16
SUP = 256
SUPS_PER_TILE = 80
EP = NS * SUPS_PER_TILE * SUP
NCHUNK = EP // SUP
WB = 80
NWB = N // WB

MM_BLOCK = 1000


def _mm_body(x_ref, w_ref, o_ref):
    o_ref[...] = jnp.dot(x_ref[...], w_ref[...],
                         preferred_element_type=jnp.float32)


def _project(x2, W):
    grid = (2 * N) // MM_BLOCK
    return pl.pallas_call(
        _mm_body,
        grid=(grid,),
        in_specs=[
            pl.BlockSpec((MM_BLOCK, D), lambda i: (i, 0)),
            pl.BlockSpec((D, D), lambda i: (0, 0)),
        ],
        out_specs=pl.BlockSpec((MM_BLOCK, D), lambda i: (i, 0)),
        out_shape=jax.ShapeDtypeStruct((2 * N, D), jnp.float32),
    )(x2, W)


def _sc_body(h_hbm, src_hbm, dst_hbm, vals_hbm, out_hbm,
             acc, src_v, dst_v, vals_v, rows_v, sem):
    g = lax.axis_index("c")
    s = lax.axis_index("s")

    zero = jnp.zeros((16,), jnp.float32)

    @pl.loop(0, WB)
    def _zero(i):
        for j in range(D // 16):
            rows_v[i, pl.ds(j * 16, 16)] = zero

    nwb = jnp.where(s < NWB - (NWB // NS) * NS, NWB // NS + 1, NWB // NS)

    @pl.loop(0, nwb)
    def _zacc(t):
        pltpu.sync_copy(rows_v.at[pl.ds(0, WB)],
                        acc.at[pl.ds((s + t * NS) * WB, WB)])

    plsc.subcore_barrier()

    @pl.loop(0, SUPS_PER_TILE)
    def _chunk(k):
        chunk_id = s * SUPS_PER_TILE + k
        base_e = g * EP + chunk_id * SUP
        pltpu.sync_copy(src_hbm.at[g * NCHUNK + chunk_id], src_v)
        pltpu.sync_copy(dst_hbm.at[g * NCHUNK + chunk_id], dst_v)
        pltpu.sync_copy(vals_hbm.at[pl.ds(base_e, SUP)], vals_v)

        cps = [pltpu.async_copy(h_hbm.at[src_v.at[q]],
                                rows_v.at[pl.ds(q * 128, 128)], sem)
               for q in range(SUP // 128)]
        for cp in cps:
            cp.wait()

        @pl.loop(0, SUP // 16)
        def _scale(b):
            vv16 = vals_v[pl.ds(b * 16, 16)]
            for e in range(16):
                i = b * 16 + e
                vv = vv16[e]
                for j in range(D // 16):
                    sl = pl.ds(j * 16, 16)
                    rows_v[i, sl] = rows_v[i, sl] * vv

        for q in range(SUP // 128):
            pltpu.sync_copy(rows_v.at[pl.ds(q * 128, 128)],
                            acc.at[dst_v.at[q]], add=True)

    plsc.subcore_barrier()

    @pl.loop(0, nwb)
    def _wb(t):
        rb = (s + t * NS) * WB
        pltpu.sync_copy(acc.at[pl.ds(rb, WB)], rows_v.at[pl.ds(0, WB)])

        @pl.loop(0, WB)
        def _relu(i):
            for j in range(D // 16):
                sl = pl.ds(j * 16, 16)
                rows_v[i, sl] = jnp.maximum(rows_v[i, sl], 0.0)

        pltpu.sync_copy(rows_v.at[pl.ds(0, WB)],
                        out_hbm.at[pl.ds(g * N + rb, WB)])


_sc_agg = functools.partial(
    pl.kernel,
    out_type=jax.ShapeDtypeStruct((2 * N, D), jnp.float32),
    mesh=plsc.VectorSubcoreMesh(core_axis_name="c", subcore_axis_name="s",
                                num_cores=NC, num_subcores=NS),
    scratch_types=[
        pltpu.VMEM_SHARED((N, D), jnp.float32),
        pltpu.VMEM((SUP // 128, 128), jnp.int32),
        pltpu.VMEM((SUP // 128, 128), jnp.int32),
        pltpu.VMEM((SUP,), jnp.float32),
        pltpu.VMEM((SUP, D), jnp.float32),
        pltpu.SemaphoreType.DMA,
    ],
)(_sc_body)


def _pad_idx(a, pad_val):
    return jnp.concatenate(
        [a, jnp.full((EP - E,), pad_val, dtype=jnp.int32)])


def kernel(inp_s, inp_t, edge_index_s, edge_index_t,
           adj_vals_s, adj_vals_t, W):
    x2 = jnp.concatenate([inp_s, inp_t], axis=0)
    h2 = _project(x2, W)

    src2 = jnp.concatenate([
        _pad_idx(edge_index_s[0], 0),
        _pad_idx(edge_index_t[0], 0) + N,
    ]).reshape(2 * NCHUNK, SUP // 128, 128)
    dst2 = jnp.concatenate([
        _pad_idx(edge_index_s[1], 0),
        _pad_idx(edge_index_t[1], 0),
    ]).reshape(2 * NCHUNK, SUP // 128, 128)
    zpad = jnp.zeros((EP - E,), jnp.float32)
    vals2 = jnp.concatenate([adj_vals_s, zpad, adj_vals_t, zpad])

    out2 = _sc_agg(h2, src2, dst2, vals2)
    return (out2[:N], out2[N:])

# --- scband reference (transcript-rebuilt; emitter-appended) ---
"""Pipeline reference for scband-graph-conv-shared-36129264894620 (READ-ONLY COPY).

The authoritative reference and input builder live on the scoring server;
editing this copy changes nothing except your own understanding.
"""

import jax, jax.numpy as jnp
import numpy as np

N = 10000
E = 320000
D_IN = 128
D_OUT = 128


def setup_inputs(seed: int = 0) -> dict:
    key = jax.random.key(seed)
    ks = jax.random.split(key, 7)
    inp_s = jax.random.normal(ks[0], (N, D_IN), dtype=jnp.float32)
    inp_t = jax.random.normal(ks[1], (N, D_IN), dtype=jnp.float32)
    edge_index_s = jax.random.randint(ks[2], (2, E), 0, N, dtype=jnp.int32)
    edge_index_t = jax.random.randint(ks[3], (2, E), 0, N, dtype=jnp.int32)
    adj_vals_s = jax.random.uniform(ks[4], (E,), dtype=jnp.float32)
    adj_vals_t = jax.random.uniform(ks[5], (E,), dtype=jnp.float32)
    init_range = np.sqrt(6.0 / (D_IN + D_OUT))
    W = jax.random.uniform(ks[6], (D_IN, D_OUT), dtype=jnp.float32, minval=-init_range, maxval=init_range)
    return {
        "inp_s": inp_s,
        "inp_t": inp_t,
        "edge_index_s": edge_index_s,
        "edge_index_t": edge_index_t,
        "adj_vals_s": adj_vals_s,
        "adj_vals_t": adj_vals_t,
        "W": W,
    }


def reference(inp_s, inp_t, edge_index_s, edge_index_t, adj_vals_s, adj_vals_t, W):
    # GraphConvShared: out = relu(A @ (X @ W)), with W shared across the two graphs.
    # Sparse A @ H is implemented as gather over src nodes + scatter-add over dst nodes.
    def gcn(x, edge_index, vals):
        h = jnp.matmul(x, W)                      # dense projection (dropout=0.0 is identity)
        src = edge_index[0]
        dst = edge_index[1]
        msg = jnp.take(h, src, axis=0) * vals[:, None]  # gather + edge weighting
        agg = jax.ops.segment_sum(msg, dst, num_segments=N)  # scatter-add (sparse matmul)
        return jax.nn.relu(agg)

    out_s = gcn(inp_s, edge_index_s, adj_vals_s)
    out_t = gcn(inp_t, edge_index_t, adj_vals_t)
    return (out_s, out_t)

if __name__ == "__main__":
    import jax
    _d = setup_inputs()
    print(jax.jit(kernel)(*tuple(_d.values())))

</pallas_src>

<mosaic_0001>
#map = affine_map<(d0, d1) -> (0, 0)>
#map1 = affine_map<(d0, d1) -> (0, 0, 0)>
#map2 = affine_map<(d0, d1) -> (0)>
module attributes {stable_mosaic.version = 14 : i64} {
  func.func @_sc_body(%arg0: i32, %arg1: i32, %arg2: memref<20000x128xf32, #tpu.memory_space<hbm>>, %arg3: memref<2560x2x128xi32, #tpu.memory_space<hbm>>, %arg4: memref<2560x2x128xi32, #tpu.memory_space<hbm>>, %arg5: memref<655360xf32, #tpu.memory_space<hbm>>, %arg6: memref<20000x128xf32, #tpu.memory_space<hbm>>, %arg7: memref<10000x128xf32, #tpu.memory_space<vmem_shared>>, %arg8: memref<2x128xi32, #tpu.memory_space<vmem>>, %arg9: memref<2x128xi32, #tpu.memory_space<vmem>>, %arg10: memref<256xf32, #tpu.memory_space<vmem>>, %arg11: memref<256x128xf32, #tpu.memory_space<vmem>>, %arg12: memref<!tpu.dma_semaphore, #tpu.memory_space<semaphore_mem>>) attributes {dimension_semantics = [#tpu.dimension_semantics<core_parallel>, #tpu.dimension_semantics<subcore_parallel>], iteration_bounds = array<i64: 2, 16>, scalar_prefetch = 0 : i64, scratch_operands = 6 : i64, tpu.core_type = #tpu.core_type<sc_vector_subcore>, window_params = [{transform_indices = #map}, {transform_indices = #map1}, {transform_indices = #map1}, {transform_indices = #map2}, {transform_indices = #map}]} {
    %broadcast_in_dim3A = arith.constant 0.000000e+00 : f32
    %broadcast_in_dim3A_0 = vector.broadcast %broadcast_in_dim3A : f32 to vector<16xf32>
    %scan3A = arith.constant 0 : i32
    %scan3A_1 = arith.constant 80 : i32
    %scan3A_2 = arith.addi %scan3A, %scan3A_1 : i32
    %scan3A_3 = arith.constant 1 : i32
    scf.for %scan3A_47 = %scan3A to %scan3A_2 step %scan3A_3  : i32 {
      %mul3A = arith.constant 1 : i32
      %mul3A_48 = arith.muli %scan3A_47, %mul3A : i32
      %add3A_49 = arith.constant 0 : i32
      %add3A_50 = arith.addi %add3A_49, %mul3A_48 : i32
      %swap3A = arith.index_cast %add3A_50 : i32 to index
      %swap3A_51 = arith.constant 0 : index
      %swap3A_52 = tpu.vector_load %arg11[%swap3A, %swap3A_51] {strides = array<i32>} : memref<256x128xf32, #tpu.memory_space<vmem>>, vector<1x16xf32>,
      %swap3A_53 = vector.shape_cast %swap3A_52 : vector<1x16xf32> to vector<16xf32>
      %swap3A_54 = vector.shape_cast %broadcast_in_dim3A_0 : vector<16xf32> to vector<1x16xf32>
      tpu.vector_store %arg11[%swap3A, %swap3A_51], %swap3A_54 {strides = array<i32>} : memref<256x128xf32, #tpu.memory_space<vmem>>, vector<1x16xf32>,
      %swap3A_55 = arith.index_cast %add3A_50 : i32 to index
      %swap3A_56 = arith.constant 16 : index
      %swap3A_57 = tpu.vector_load %arg11[%swap3A_55, %swap3A_56] {strides = array<i32>} : memref<256x128xf32, #tpu.memory_space<vmem>>, vector<1x16xf32>,
      %swap3A_58 = vector.shape_cast %swap3A_57 : vector<1x16xf32> to vector<16xf32>
      %swap3A_59 = vector.shape_cast %broadcast_in_dim3A_0 : vector<16xf32> to vector<1x16xf32>
      tpu.vector_store %arg11[%swap3A_55, %swap3A_56], %swap3A_59 {strides = array<i32>} : memref<256x128xf32, #tpu.memory_space<vmem>>, vector<1x16xf32>,
      %swap3A_60 = arith.index_cast %add3A_50 : i32 to index
      %swap3A_61 = arith.constant 32 : index
      %swap3A_62 = tpu.vector_load %arg11[%swap3A_60, %swap3A_61] {strides = array<i32>} : memref<256x128xf32, #tpu.memory_space<vmem>>, vector<1x16xf32>,
      %swap3A_63 = vector.shape_cast %swap3A_62 : vector<1x16xf32> to vector<16xf32>
      %swap3A_64 = vector.shape_cast %broadcast_in_dim3A_0 : vector<16xf32> to vector<1x16xf32>
      tpu.vector_store %arg11[%swap3A_60, %swap3A_61], %swap3A_64 {strides = array<i32>} : memref<256x128xf32, #tpu.memory_space<vmem>>, vector<1x16xf32>,
      %swap3A_65 = arith.index_cast %add3A_50 : i32 to index
      %swap3A_66 = arith.constant 48 : index
      %swap3A_67 = tpu.vector_load %arg11[%swap3A_65, %swap3A_66] {strides = array<i32>} : memref<256x128xf32, #tpu.memory_space<vmem>>, vector<1x16xf32>,
      %swap3A_68 = vector.shape_cast %swap3A_67 : vector<1x16xf32> to vector<16xf32>
      %swap3A_69 = vector.shape_cast %broadcast_in_dim3A_0 : vector<16xf32> to vector<1x16xf32>
      tpu.vector_store %arg11[%swap3A_65, %swap3A_66], %swap3A_69 {strides = array<i32>} : memref<256x128xf32, #tpu.memory_space<vmem>>, vector<1x16xf32>,
      %swap3A_70 = arith.index_cast %add3A_50 : i32 to index
      %swap3A_71 = arith.constant 64 : index
      %swap3A_72 = tpu.vector_load %arg11[%swap3A_70, %swap3A_71] {strides = array<i32>} : memref<256x128xf32, #tpu.memory_space<vmem>>, vector<1x16xf32>,
      %swap3A_73 = vector.shape_cast %swap3A_72 : vector<1x16xf32> to vector<16xf32>
      %swap3A_74 = vector.shape_cast %broadcast_in_dim3A_0 : vector<16xf32> to vector<1x16xf32>
      tpu.vector_store %arg11[%swap3A_70, %swap3A_71], %swap3A_74 {strides = array<i32>} : memref<256x128xf32, #tpu.memory_space<vmem>>, vector<1x16xf32>,
      %swap3A_75 = arith.index_cast %add3A_50 : i32 to index
      %swap3A_76 = arith.constant 80 : index
      %swap3A_77 = tpu.vector_load %arg11[%swap3A_75, %swap3A_76] {strides = array<i32>} : memref<256x128xf32, #tpu.memory_space<vmem>>, vector<1x16xf32>,
      %swap3A_78 = vector.shape_cast %swap3A_77 : vector<1x16xf32> to vector<16xf32>
      %swap3A_79 = vector.shape_cast %broadcast_in_dim3A_0 : vector<16xf32> to vector<1x16xf32>
      tpu.vector_store %arg11[%swap3A_75, %swap3A_76], %swap3A_79 {strides = array<i32>} : memref<256x128xf32, #tpu.memory_space<vmem>>, vector<1x16xf32>,
      %swap3A_80 = arith.index_cast %add3A_50 : i32 to index
      %swap3A_81 = arith.constant 96 : index
      %swap3A_82 = tpu.vector_load %arg11[%swap3A_80, %swap3A_81] {strides = array<i32>} : memref<256x128xf32, #tpu.memory_space<vmem>>, vector<1x16xf32>,
      %swap3A_83 = vector.shape_cast %swap3A_82 : vector<1x16xf32> to vector<16xf32>
      %swap3A_84 = vector.shape_cast %broadcast_in_dim3A_0 : vector<16xf32> to vector<1x16xf32>
      tpu.vector_store %arg11[%swap3A_80, %swap3A_81], %swap3A_84 {strides = array<i32>} : memref<256x128xf32, #tpu.memory_space<vmem>>, vector<1x16xf32>,
      %swap3A_85 = arith.index_cast %add3A_50 : i32 to index
      %swap3A_86 = arith.constant 112 : index
      %swap3A_87 = tpu.vector_load %arg11[%swap3A_85, %swap3A_86] {strides = array<i32>} : memref<256x128xf32, #tpu.memory_space<vmem>>, vector<1x16xf32>,
      %swap3A_88 = vector.shape_cast %swap3A_87 : vector<1x16xf32> to vector<16xf32>
      %swap3A_89 = vector.shape_cast %broadcast_in_dim3A_0 : vector<16xf32> to vector<1x16xf32>
      tpu.vector_store %arg11[%swap3A_85, %swap3A_86], %swap3A_89 {strides = array<i32>} : memref<256x128xf32, #tpu.memory_space<vmem>>, vector<1x16xf32>,
    }
    %scan3A_4 = arith.constant 80 : i32
    %lt3A = arith.constant 13 : i32
    %lt3A_5 = arith.cmpi slt, %arg1, %lt3A : i32
    %jit3A = arith.constant 8 : i32
    %jit3A_6 = arith.constant 7 : i32
    %select_n3A = arith.select %lt3A_5, %jit3A, %jit3A_6 : i32
    %sub3A = arith.constant 0 : i32
    %sub3A_7 = arith.subi %select_n3A, %sub3A : i32
    %sub3A_8 = arith.constant 1 : i32
    %sub3A_9 = arith.constant 1 : i32
    %sub3A_10 = arith.subi %sub3A_8, %sub3A_9 : i32
    %add3A = arith.addi %sub3A_7, %sub3A_10 : i32
    %div3A = arith.constant 1 : i32
    %div3A_11 = arith.divsi %add3A, %div3A : i32
    %while3A = arith.constant 1 : i32
    %while3A_12 = arith.constant 0 : i32
    %while3A_13 = arith.constant 0 : i32
    %while3A_14 = arith.subi %div3A_11, %while3A_13 : i32
    %while3A_15 = arith.addi %while3A_13, %while3A_14 : i32
    %while3A_16 = arith.constant 1 : i32
    %while3A_17 = arith.divsi %while3A_14, %while3A_16 : i32
    %while3A_18 = arith.muli %while3A_17, %while3A_16 : i32
    %while3A_19 = arith.addi %while3A_13, %while3A_18 : i32
    %while3A_20 = arith.constant 1 : i32
    scf.for %while3A_47 = %while3A_13 to %while3A_19 step %while3A_20  : i32 {
      %mul3A = arith.muli %while3A_47, %while3A : i32
      %add3A_48 = arith.addi %while3A_12, %mul3A : i32
      %mul3A_49 = arith.constant 16 : i32
      %mul3A_50 = arith.muli %add3A_48, %mul3A_49 : i32
      %add3A_51 = arith.addi %arg1, %mul3A_50 : i32
      %mul3A_52 = arith.constant 80 : i32
      %mul3A_53 = arith.muli %add3A_51, %mul3A_52 : i32
      "tpu.region"() ({
        %run_scoped3A = tpu.sem_alloc : memref<!tpu.dma_semaphore, #tpu.memory_space<semaphore_mem>>
        %dma_start3A = arith.constant 0 : i32
        %dma_start3A_54 = arith.constant 0 : i32
        %dma_start3A_55 = tpu.memref_slice %arg11[%dma_start3A, %dma_start3A_54] : memref<256x128xf32, #tpu.memory_space<vmem>> -> memref<80x128xf32, #tpu.memory_space<vmem>>
        %dma_start3A_56 = arith.constant 0 : i32
        %dma_start3A_57 = tpu.memref_slice %arg7[%mul3A_53, %dma_start3A_56] : memref<10000x128xf32, #tpu.memory_space<vmem_shared>> -> memref<80x128xf32, #tpu.memory_space<vmem_shared>>
        %dma_start3A_58 = arith.constant 0 : i32
        %dma_start3A_59 = tpu.memref_slice %arg7[%mul3A_53, %dma_start3A_58] : memref<10000x128xf32, #tpu.memory_space<vmem_shared>> -> memref<80x128xf32, #tpu.memory_space<vmem_shared>>
        %dma_start3A_60 = arith.constant 0 : i32
        %dma_start3A_61 = arith.constant 0 : i32
        %dma_start3A_62 = tpu.memref_slice %arg11[%dma_start3A_60, %dma_start3A_61] : memref<256x128xf32, #tpu.memory_space<vmem>> -> memref<80x128xf32, #tpu.memory_space<vmem>>
        tpu.enqueue_dma source(%dma_start3A_62 : memref<80x128xf32, #tpu.memory_space<vmem>>) target(%dma_start3A_59 : memref<80x128xf32, #tpu.memory_space<vmem_shared>>) target_semaphore(%run_scoped3A : memref<!tpu.dma_semaphore, #tpu.memory_space<semaphore_mem>>)
        %dma_wait3A = arith.constant 0 : i32
        %dma_wait3A_63 = arith.constant 0 : i32
        %dma_wait3A_64 = tpu.memref_slice %arg11[%dma_wait3A, %dma_wait3A_63] : memref<256x128xf32, #tpu.memory_space<vmem>> -> memref<80x128xf32, #tpu.memory_space<vmem>>
        %dma_wait3A_65 = arith.constant 0 : i32
        %dma_wait3A_66 = tpu.memref_slice %arg7[%mul3A_53, %dma_wait3A_65] : memref<10000x128xf32, #tpu.memory_space<vmem_shared>> -> memref<80x128xf32, #tpu.memory_space<vmem_shared>>
        %dma_wait3A_67 = arith.constant 0 : i32
        %dma_wait3A_68 = tpu.memref_slice %arg7[%mul3A_53, %dma_wait3A_67] : memref<10000x128xf32, #tpu.memory_space<vmem_shared>> -> memref<80x128xf32, #tpu.memory_space<vmem_shared>>
        %dma_wait3A_69 = arith.constant 0 : i32
        %dma_wait3A_70 = arith.constant 0 : i32
        %dma_wait3A_71 = tpu.memref_slice %arg11[%dma_wait3A_69, %dma_wait3A_70] : memref<256x128xf32, #tpu.memory_space<vmem>> -> memref<80x128xf32, #tpu.memory_space<vmem>>
        tpu.wait_dma2 semaphore(%run_scoped3A : memref<!tpu.dma_semaphore, #tpu.memory_space<semaphore_mem>>) src(%dma_wait3A_71 : memref<80x128xf32, #tpu.memory_space<vmem>>) dst(%dma_wait3A_68 : memref<80x128xf32, #tpu.memory_space<vmem_shared>>)
        tpu.yield
      }) : () -> ()
    }
    %while3A_21 = arith.constant 1 : i32
    scf.for %while3A_47 = %while3A_19 to %while3A_15 step %while3A_21  : i32 {
      %mul3A = arith.muli %while3A_47, %while3A : i32
      %add3A_48 = arith.addi %while3A_12, %mul3A : i32
      %mul3A_49 = arith.constant 16 : i32
      %mul3A_50 = arith.muli %add3A_48, %mul3A_49 : i32
      %add3A_51 = arith.addi %arg1, %mul3A_50 : i32
      %mul3A_52 = arith.constant 80 : i32
      %mul3A_53 = arith.muli %add3A_51, %mul3A_52 : i32
      "tpu.region"() ({
        %run_scoped3A = tpu.sem_alloc : memref<!tpu.dma_semaphore, #tpu.memory_space<semaphore_mem>>
        %dma_start3A = arith.constant 0 : i32
        %dma_start3A_54 = arith.constant 0 : i32
        %dma_start3A_55 = tpu.memref_slice %arg11[%dma_start3A, %dma_start3A_54] : memref<256x128xf32, #tpu.memory_space<vmem>> -> memref<80x128xf32, #tpu.memory_space<vmem>>
        %dma_start3A_56 = arith.constant 0 : i32
        %dma_start3A_57 = tpu.memref_slice %arg7[%mul3A_53, %dma_start3A_56] : memref<10000x128xf32, #tpu.memory_space<vmem_shared>> -> memref<80x128xf32, #tpu.memory_space<vmem_shared>>
        %dma_start3A_58 = arith.constant 0 : i32
        %dma_start3A_59 = tpu.memref_slice %arg7[%mul3A_53, %dma_start3A_58] : memref<10000x128xf32, #tpu.memory_space<vmem_shared>> -> memref<80x128xf32, #tpu.memory_space<vmem_shared>>
        %dma_start3A_60 = arith.constant 0 : i32
        %dma_start3A_61 = arith.constant 0 : i32
        %dma_start3A_62 = tpu.memref_slice %arg11[%dma_start3A_60, %dma_start3A_61] : memref<256x128xf32, #tpu.memory_space<vmem>> -> memref<80x128xf32, #tpu.memory_space<vmem>>
        tpu.enqueue_dma source(%dma_start3A_62 : memref<80x128xf32, #tpu.memory_space<vmem>>) target(%dma_start3A_59 : memref<80x128xf32, #tpu.memory_space<vmem_shared>>) target_semaphore(%run_scoped3A : memref<!tpu.dma_semaphore, #tpu.memory_space<semaphore_mem>>)
        %dma_wait3A = arith.constant 0 : i32
        %dma_wait3A_63 = arith.constant 0 : i32
        %dma_wait3A_64 = tpu.memref_slice %arg11[%dma_wait3A, %dma_wait3A_63] : memref<256x128xf32, #tpu.memory_space<vmem>> -> memref<80x128xf32, #tpu.memory_space<vmem>>
        %dma_wait3A_65 = arith.constant 0 : i32
        %dma_wait3A_66 = tpu.memref_slice %arg7[%mul3A_53, %dma_wait3A_65] : memref<10000x128xf32, #tpu.memory_space<vmem_shared>> -> memref<80x128xf32, #tpu.memory_space<vmem_shared>>
        %dma_wait3A_67 = arith.constant 0 : i32
        %dma_wait3A_68 = tpu.memref_slice %arg7[%mul3A_53, %dma_wait3A_67] : memref<10000x128xf32, #tpu.memory_space<vmem_shared>> -> memref<80x128xf32, #tpu.memory_space<vmem_shared>>
        %dma_wait3A_69 = arith.constant 0 : i32
        %dma_wait3A_70 = arith.constant 0 : i32
        %dma_wait3A_71 = tpu.memref_slice %arg11[%dma_wait3A_69, %dma_wait3A_70] : memref<256x128xf32, #tpu.memory_space<vmem>> -> memref<80x128xf32, #tpu.memory_space<vmem>>
        tpu.wait_dma2 semaphore(%run_scoped3A : memref<!tpu.dma_semaphore, #tpu.memory_space<semaphore_mem>>) src(%dma_wait3A_71 : memref<80x128xf32, #tpu.memory_space<vmem>>) dst(%dma_wait3A_68 : memref<80x128xf32, #tpu.memory_space<vmem_shared>>)
        tpu.yield
      }) : () -> ()
    }
    %barrier3A = arith.constant 0 : index
    tpu.barrier barrier_id(%barrier3A)
    %scan3A_22 = arith.constant 0 : i32
    %scan3A_23 = arith.constant 80 : i32
    %scan3A_24 = arith.addi %scan3A_22, %scan3A_23 : i32
    %scan3A_25 = arith.constant 1 : i32
    scf.for %scan3A_47 = %scan3A_22 to %scan3A_24 step %scan3A_25  : i32 {
      %mul3A = arith.constant 1 : i32
      %mul3A_48 = arith.muli %scan3A_47, %mul3A : i32
      %add3A_49 = arith.constant 0 : i32
      %add3A_50 = arith.addi %add3A_49, %mul3A_48 : i32
      %mul3A_51 = arith.constant 80 : i32
      %mul3A_52 = arith.muli %arg1, %mul3A_51 : i32
      %add3A_53 = arith.addi %mul3A_52, %add3A_50 : i32
      %mul3A_54 = arith.constant 327680 : i32
      %mul3A_55 = arith.muli %arg0, %mul3A_54 : i32
      %mul3A_56 = arith.constant 256 : i32
      %mul3A_57 = arith.muli %add3A_53, %mul3A_56 : i32
      %add3A_58 = arith.addi %mul3A_55, %mul3A_57 : i32
      %mul3A_59 = arith.constant 1280 : i32
      %mul3A_60 = arith.muli %arg0, %mul3A_59 : i32
      %add3A_61 = arith.addi %mul3A_60, %add3A_53 : i32
      "tpu.region"() ({
        %run_scoped3A_109 = tpu.sem_alloc : memref<!tpu.dma_semaphore, #tpu.memory_space<semaphore_mem>>
        %dma_start3A_110 = arith.constant 0 : i32
        %dma_start3A_111 = arith.constant 0 : i32
        %dma_start3A_112 = tpu.memref_slice %arg3[%add3A_61, %dma_start3A_110, %dma_start3A_111] : memref<2560x2x128xi32, #tpu.memory_space<hbm>> -> memref<1x2x128xi32, #tpu.memory_space<hbm>>
        %dma_start3A_113 = tpu.memref_squeeze %dma_start3A_112 : memref<1x2x128xi32, #tpu.memory_space<hbm>> -> memref<2x128xi32, #tpu.memory_space<hbm>>
        %dma_start3A_114 = arith.constant 0 : i32
        %dma_start3A_115 = arith.constant 0 : i32
        %dma_start3A_116 = tpu.memref_slice %arg3[%add3A_61, %dma_start3A_114, %dma_start3A_115] : memref<2560x2x128xi32, #tpu.memory_space<hbm>> -> memref<1x2x128xi32, #tpu.memory_space<hbm>>
        %dma_start3A_117 = tpu.memref_squeeze %dma_start3A_116 : memref<1x2x128xi32, #tpu.memory_space<hbm>> -> memref<2x128xi32, #tpu.memory_space<hbm>>
        tpu.enqueue_dma source(%dma_start3A_117 : memref<2x128xi32, #tpu.memory_space<hbm>>) target(%arg8 : memref<2x128xi32, #tpu.memory_space<vmem>>) target_semaphore(%run_scoped3A_109 : memref<!tpu.dma_semaphore, #tpu.memory_space<semaphore_mem>>)
        %dma_wait3A_118 = arith.constant 0 : i32
        %dma_wait3A_119 = arith.constant 0 : i32
        %dma_wait3A_120 = tpu.memref_slice %arg3[%add3A_61, %dma_wait3A_118, %dma_wait3A_119] : memref<2560x2x128xi32, #tpu.memory_space<hbm>> -> memref<1x2x128xi32, #tpu.memory_space<hbm>>
        %dma_wait3A_121 = tpu.memref_squeeze %dma_wait3A_120 : memref<1x2x128xi32, #tpu.memory_space<hbm>> -> memref<2x128xi32, #tpu.memory_space<hbm>>
        %dma_wait3A_122 = arith.constant 0 : i32
        %dma_wait3A_123 = arith.constant 0 : i32
        %dma_wait3A_124 = tpu.memref_slice %arg3[%add3A_61, %dma_wait3A_122, %dma_wait3A_123] : memref<2560x2x128xi32, #tpu.memory_space<hbm>> -> memref<1x2x128xi32, #tpu.memory_space<hbm>>
        %dma_wait3A_125 = tpu.memref_squeeze %dma_wait3A_124 : memref<1x2x128xi32, #tpu.memory_space<hbm>> -> memref<2x128xi32, #tpu.memory_space<hbm>>
        tpu.wait_dma2 semaphore(%run_scoped3A_109 : memref<!tpu.dma_semaphore, #tpu.memory_space<semaphore_mem>>) src(%dma_wait3A_125 : memref<2x128xi32, #tpu.memory_space<hbm>>) dst(%arg8 : memref<2x128xi32, #tpu.memory_space<vmem>>)
        tpu.yield
      }) : () -> ()
      %mul3A_62 = arith.constant 1280 : i32
      %mul3A_63 = arith.muli %arg0, %mul3A_62 : i32
      %add3A_64 = arith.addi %mul3A_63, %add3A_53 : i32
      "tpu.region"() ({
        %run_scoped3A_109 = tpu.sem_alloc : memref<!tpu.dma_semaphore, #tpu.memory_space<semaphore_mem>>
        %dma_start3A_110 = arith.constant 0 : i32
        %dma_start3A_111 = arith.constant 0 : i32
        %dma_start3A_112 = tpu.memref_slice %arg4[%add3A_64, %dma_start3A_110, %dma_start3A_111] : memref<2560x2x128xi32, #tpu.memory_space<hbm>> -> memref<1x2x128xi32, #tpu.memory_space<hbm>>
        %dma_start3A_113 = tpu.memref_squeeze %dma_start3A_112 : memref<1x2x128xi32, #tpu.memory_space<hbm>> -> memref<2x128xi32, #tpu.memory_space<hbm>>
        %dma_start3A_114 = arith.constant 0 : i32
        %dma_start3A_115 = arith.constant 0 : i32
        %dma_start3A_116 = tpu.memref_slice %arg4[%add3A_64, %dma_start3A_114, %dma_start3A_115] : memref<2560x2x128xi32, #tpu.memory_space<hbm>> -> memref<1x2x128xi32, #tpu.memory_space<hbm>>
        %dma_start3A_117 = tpu.memref_squeeze %dma_start3A_116 : memref<1x2x128xi32, #tpu.memory_space<hbm>> -> memref<2x128xi32, #tpu.memory_space<hbm>>
        tpu.enqueue_dma source(%dma_start3A_117 : memref<2x128xi32, #tpu.memory_space<hbm>>) target(%arg9 : memref<2x128xi32, #tpu.memory_space<vmem>>) target_semaphore(%run_scoped3A_109 : memref<!tpu.dma_semaphore, #tpu.memory_space<semaphore_mem>>)
        %dma_wait3A_118 = arith.constant 0 : i32
        %dma_wait3A_119 = arith.constant 0 : i32
        %dma_wait3A_120 = tpu.memref_slice %arg4[%add3A_64, %dma_wait3A_118, %dma_wait3A_119] : memref<2560x2x128xi32, #tpu.memory_space<hbm>> -> memref<1x2x128xi32, #tpu.memory_space<hbm>>
        %dma_wait3A_121 = tpu.memref_squeeze %dma_wait3A_120 : memref<1x2x128xi32, #tpu.memory_space<hbm>> -> memref<2x128xi32, #tpu.memory_space<hbm>>
        %dma_wait3A_122 = arith.constant 0 : i32
        %dma_wait3A_123 = arith.constant 0 : i32
        %dma_wait3A_124 = tpu.memref_slice %arg4[%add3A_64, %dma_wait3A_122, %dma_wait3A_123] : memref<2560x2x128xi32, #tpu.memory_space<hbm>> -> memref<1x2x128xi32, #tpu.memory_space<hbm>>
        %dma_wait3A_125 = tpu.memref_squeeze %dma_wait3A_124 : memref<1x2x128xi32, #tpu.memory_space<hbm>> -> memref<2x128xi32, #tpu.memory_space<hbm>>
        tpu.wait_dma2 semaphore(%run_scoped3A_109 : memref<!tpu.dma_semaphore, #tpu.memory_space<semaphore_mem>>) src(%dma_wait3A_125 : memref<2x128xi32, #tpu.memory_space<hbm>>) dst(%arg9 : memref<2x128xi32, #tpu.memory_space<vmem>>)
        tpu.yield
      }) : () -> ()
      "tpu.region"() ({
        %run_scoped3A_109 = tpu.sem_alloc : memref<!tpu.dma_semaphore, #tpu.memory_space<semaphore_mem>>
        %dma_start3A_110 = tpu.memref_slice %arg5[%add3A_58] : memref<655360xf32, #tpu.memory_space<hbm>> -> memref<256xf32, #tpu.memory_space<hbm>>
        %dma_start3A_111 = tpu.memref_slice %arg5[%add3A_58] : memref<655360xf32, #tpu.memory_space<hbm>> -> memref<256xf32, #tpu.memory_space<hbm>>
        tpu.enqueue_dma source(%dma_start3A_111 : memref<256xf32, #tpu.memory_space<hbm>>) target(%arg10 : memref<256xf32, #tpu.memory_space<vmem>>) target_semaphore(%run_scoped3A_109 : memref<!tpu.dma_semaphore, #tpu.memory_space<semaphore_mem>>)
        %dma_wait3A_112 = tpu.memref_slice %arg5[%add3A_58] : memref<655360xf32, #tpu.memory_space<hbm>> -> memref<256xf32, #tpu.memory_space<hbm>>
        %dma_wait3A_113 = tpu.memref_slice %arg5[%add3A_58] : memref<655360xf32, #tpu.memory_space<hbm>> -> memref<256xf32, #tpu.memory_space<hbm>>
        tpu.wait_dma2 semaphore(%run_scoped3A_109 : memref<!tpu.dma_semaphore, #tpu.memory_space<semaphore_mem>>) src(%dma_wait3A_113 : memref<256xf32, #tpu.memory_space<hbm>>) dst(%arg10 : memref<256xf32, #tpu.memory_space<vmem>>)
        tpu.yield
      }) : () -> ()
      %dma_start3A = arith.constant 0 : i32
      %dma_start3A_65 = arith.constant 0 : i32
      %dma_start3A_66 = arith.constant 0 : i32
      %dma_start3A_67 = tpu.memref_slice %arg11[%dma_start3A_65, %dma_start3A_66] : memref<256x128xf32, #tpu.memory_space<vmem>> -> memref<128x128xf32, #tpu.memory_space<vmem>>
      %dma_start3A_68 = arith.constant 0 : i32
      %dma_start3A_69 = tpu.memref_slice %arg8[%dma_start3A, %dma_start3A_68] : memref<2x128xi32, #tpu.memory_space<vmem>> -> memref<1x128xi32, #tpu.memory_space<vmem>>
      %dma_start3A_70 = tpu.memref_squeeze %dma_start3A_69 : memref<1x128xi32, #tpu.memory_space<vmem>> -> memref<128xi32, #tpu.memory_space<vmem>>
      %dma_start3A_71 = arith.constant 0 : i32
      %dma_start3A_72 = arith.constant 0 : i32
      %dma_start3A_73 = tpu.memref_slice %arg2[%dma_start3A_71, %dma_start3A_72] : memref<20000x128xf32, #tpu.memory_space<hbm>> -> memref<20000x128xf32, #tpu.memory_space<hbm>>
      tpu.enqueue_indirect_dma source(%dma_start3A_73 : memref<20000x128xf32, #tpu.memory_space<hbm>>) target(%dma_start3A_67 : memref<128x128xf32, #tpu.memory_space<vmem>>) offsets(%dma_start3A_70 : memref<128xi32, #tpu.memory_space<vmem>>) semaphore(%arg12 : memref<!tpu.dma_semaphore, #tpu.memory_space<semaphore_mem>>)
      %dma_start3A_74 = arith.constant 1 : i32
      %dma_start3A_75 = arith.constant 128 : i32
      %dma_start3A_76 = arith.constant 0 : i32
      %dma_start3A_77 = tpu.memref_slice %arg11[%dma_start3A_75, %dma_start3A_76] : memref<256x128xf32, #tpu.memory_space<vmem>> -> memref<128x128xf32, #tpu.memory_space<vmem>>
      %dma_start3A_78 = arith.constant 0 : i32
      %dma_start3A_79 = tpu.memref_slice %arg8[%dma_start3A_74, %dma_start3A_78] : memref<2x128xi32, #tpu.memory_space<vmem>> -> memref<1x128xi32, #tpu.memory_space<vmem>>
      %dma_start3A_80 = tpu.memref_squeeze %dma_start3A_79 : memref<1x128xi32, #tpu.memory_space<vmem>> -> memref<128xi32, #tpu.memory_space<vmem>>
      %dma_start3A_81 = arith.constant 0 : i32
      %dma_start3A_82 = arith.constant 0 : i32
      %dma_start3A_83 = tpu.memref_slice %arg2[%dma_start3A_81, %dma_start3A_82] : memref<20000x128xf32, #tpu.memory_space<hbm>> -> memref<20000x128xf32, #tpu.memory_space<hbm>>
      tpu.enqueue_indirect_dma source(%dma_start3A_83 : memref<20000x128xf32, #tpu.memory_space<hbm>>) target(%dma_start3A_77 : memref<128x128xf32, #tpu.memory_space<vmem>>) offsets(%dma_start3A_80 : memref<128xi32, #tpu.memory_space<vmem>>) semaphore(%arg12 : memref<!tpu.dma_semaphore, #tpu.memory_space<semaphore_mem>>)
      %dma_wait3A = arith.constant 0 : i32
      %dma_wait3A_84 = arith.constant 0 : i32
      %dma_wait3A_85 = arith.constant 0 : i32
      %dma_wait3A_86 = tpu.memref_slice %arg11[%dma_wait3A_84, %dma_wait3A_85] : memref<256x128xf32, #tpu.memory_space<vmem>> -> memref<128x128xf32, #tpu.memory_space<vmem>>
      %dma_wait3A_87 = arith.constant 0 : i32
      %dma_wait3A_88 = tpu.memref_slice %arg8[%dma_wait3A, %dma_wait3A_87] : memref<2x128xi32, #tpu.memory_space<vmem>> -> memref<1x128xi32, #tpu.memory_space<vmem>>
      %dma_wait3A_89 = tpu.memref_squeeze %dma_wait3A_88 : memref<1x128xi32, #tpu.memory_space<vmem>> -> memref<128xi32, #tpu.memory_space<vmem>>
      %dma_wait3A_90 = arith.constant 0 : i32
      %dma_wait3A_91 = arith.constant 0 : i32
      %dma_wait3A_92 = tpu.memref_slice %arg2[%dma_wait3A_90, %dma_wait3A_91] : memref<20000x128xf32, #tpu.memory_space<hbm>> -> memref<20000x128xf32, #tpu.memory_space<hbm>>
      tpu.wait_indirect_dma semaphore(%arg12 : memref<!tpu.dma_semaphore, #tpu.memory_space<semaphore_mem>>) src(%dma_wait3A_92 : memref<20000x128xf32, #tpu.memory_space<hbm>>) dst(%dma_wait3A_86 : memref<128x128xf32, #tpu.memory_space<vmem>>)
      %dma_wait3A_93 = arith.constant 1 : i32
      %dma_wait3A_94 = arith.constant 128 : i32
      %dma_wait3A_95 = arith.constant 0 : i32
      %dma_wait3A_96 = tpu.memref_slice %arg11[%dma_wait3A_94, %dma_wait3A_95] : memref<256x128xf32, #tpu.memory_space<vmem>> -> memref<128x128xf32, #tpu.memory_space<vmem>>
      %dma_wait3A_97 = arith.constant 0 : i32
      %dma_wait3A_98 = tpu.memref_slice %arg8[%dma_wait3A_93, %dma_wait3A_97] : memref<2x128xi32, #tpu.memory_space<vmem>> -> memref<1x128xi32, #tpu.memory_space<vmem>>
      %dma_wait3A_99 = tpu.memref_squeeze %dma_wait3A_98 : memref<1x128xi32, #tpu.memory_space<vmem>> -> memref<128xi32, #tpu.memory_space<vmem>>
      %dma_wait3A_100 = arith.constant 0 : i32
      %dma_wait3A_101 = arith.constant 0 : i32
      %dma_wait3A_102 = tpu.memref_slice %arg2[%dma_wait3A_100, %dma_wait3A_101] : memref<20000x128xf32, #tpu.memory_space<hbm>> -> memref<20000x128xf32, #tpu.memory_space<hbm>>
      tpu.wait_indirect_dma semaphore(%arg12 : memref<!tpu.dma_semaphore, #tpu.memory_space<semaphore_mem>>) src(%dma_wait3A_102 : memref<20000x128xf32, #tpu.memory_space<hbm>>) dst(%dma_wait3A_96 : memref<128x128xf32, #tpu.memory_space<vmem>>)
      %scan3A_103 = arith.constant 0 : i32
      %scan3A_104 = arith.constant 16 : i32
      %scan3A_105 = arith.addi %scan3A_103, %scan3A_104 : i32
      %scan3A_106 = arith.constant 1 : i32
      scf.for %scan3A_109 = %scan3A_103 to %scan3A_105 step %scan3A_106  : i32 {
        %mul3A_110 = arith.constant 1 : i32
        %mul3A_111 = arith.muli %scan3A_109, %mul3A_110 : i32
        %add3A_112 = arith.constant 0 : i32
        %add3A_113 = arith.addi %add3A_112, %mul3A_111 : i32
        %mul3A_114 = arith.constant 16 : i32
        %mul3A_115 = arith.muli %add3A_113, %mul3A_114 : i32
        %get3A = arith.index_cast %mul3A_115 : i32 to index
        %get3A_116 = tpu.vector_load %arg10[%get3A] {strides = array<i32>} : memref<256xf32, #tpu.memory_space<vmem>>, vector<16xf32>,
        %get3A_117 = vector.shape_cast %get3A_116 : vector<16xf32> to vector<16xf32>
        %mul3A_118 = arith.constant 16 : i32
        %mul3A_119 = arith.muli %add3A_113, %mul3A_118 : i32
        %add3A_120 = arith.constant 0 : i32
        %add3A_121 = arith.addi %mul3A_119, %add3A_120 : i32
        %slice3A = vector.extract_strided_slice %get3A_117 {offsets = [0], sizes = [1], strides = [1]} : vector<16xf32> to vector<1xf32>
        %squeeze3A = vector.extract %slice3A[0] : f32 from vector<1xf32>
        %get3A_122 = arith.index_cast %add3A_121 : i32 to index
        %get3A_123 = arith.constant 0 : index
        %get3A_124 = tpu.vector_load %arg11[%get3A_122, %get3A_123] {strides = array<i32>} : memref<256x128xf32, #tpu.memory_space<vmem>>, vector<1x16xf32>,
        %get3A_125 = vector.shape_cast %get3A_124 : vector<1x16xf32> to vector<16xf32>
        %mul3A_126 = vector.broadcast %squeeze3A : f32 to vector<16xf32>
        %mul3A_127 = arith.mulf %get3A_125, %mul3A_126 : vector<16xf32>
        %swap3A = arith.index_cast %add3A_121 : i32 to index
        %swap3A_128 = arith.constant 0 : index
        %swap3A_129 = tpu.vector_load %arg11[%swap3A, %swap3A_128] {strides = array<i32>} : memref<256x128xf32, #tpu.memory_space<vmem>>, vector<1x16xf32>,
        %swap3A_130 = vector.shape_cast %swap3A_129 : vector<1x16xf32> to vector<16xf32>
        %swap3A_131 = vector.shape_cast %mul3A_127 : vector<16xf32> to vector<1x16xf32>
        tpu.vector_store %arg11[%swap3A, %swap3A_128], %swap3A_131 {strides = array<i32>} : memref<256x128xf32, #tpu.memory_space<vmem>>, vector<1x16xf32>,
        %get3A_132 = arith.index_cast %add3A_121 : i32 to index
        %get3A_133 = arith.constant 16 : index
        %get3A_134 = tpu.vector_load %arg11[%get3A_132, %get3A_133] {strides = array<i32>} : memref<256x128xf32, #tpu.memory_space<vmem>>, vector<1x16xf32>,
        %get3A_135 = vector.shape_cast %get3A_134 : vector<1x16xf32> to vector<16xf32>
        %mul3A_136 = vector.broadcast %squeeze3A : f32 to vector<16xf32>
        %mul3A_137 = arith.mulf %get3A_135, %mul3A_136 : vector<16xf32>
        %swap3A_138 = arith.index_cast %add3A_121 : i32 to index
        %swap3A_139 = arith.constant 16 : index
        %swap3A_140 = tpu.vector_load %arg11[%swap3A_138, %swap3A_139] {strides = array<i32>} : memref<256x128xf32, #tpu.memory_space<vmem>>, vector<1x16xf32>,
        %swap3A_141 = vector.shape_cast %swap3A_140 : vector<1x16xf32> to vector<16xf32>
        %swap3A_142 = vector.shape_cast %mul3A_137 : vector<16xf32> to vector<1x16xf32>
        tpu.vector_store %arg11[%swap3A_138, %swap3A_139], %swap3A_142 {strides = array<i32>} : memref<256x128xf32, #tpu.memory_space<vmem>>, vector<1x16xf32>,
        %get3A_143 = arith.index_cast %add3A_121 : i32 to index
        %get3A_144 = arith.constant 32 : index
        %get3A_145 = tpu.vector_load %arg11[%get3A_143, %get3A_144] {strides = array<i32>} : memref<256x128xf32, #tpu.memory_space<vmem>>, vector<1x16xf32>,
        %get3A_146 = vector.shape_cast %get3A_145 : vector<1x16xf32> to vector<16xf32>
        %mul3A_147 = vector.broadcast %squeeze3A : f32 to vector<16xf32>
        %mul3A_148 = arith.mulf %get3A_146, %mul3A_147 : vector<16xf32>
        %swap3A_149 = arith.index_cast %add3A_121 : i32 to index
        %swap3A_150 = arith.constant 32 : index
        %swap3A_151 = tpu.vector_load %arg11[%swap3A_149, %swap3A_150] {strides = array<i32>} : memref<256x128xf32, #tpu.memory_space<vmem>>, vector<1x16xf32>,
        %swap3A_152 = vector.shape_cast %swap3A_151 : vector<1x16xf32> to vector<16xf32>
        %swap3A_153 = vector.shape_cast %mul3A_148 : vector<16xf32> to vector<1x16xf32>
        tpu.vector_store %arg11[%swap3A_149, %swap3A_150], %swap3A_153 {strides = array<i32>} : memref<256x128xf32, #tpu.memory_space<vmem>>, vector<1x16xf32>,
        %get3A_154 = arith.index_cast %add3A_121 : i32 to index
        %get3A_155 = arith.constant 48 : index
        %get3A_156 = tpu.vector_load %arg11[%get3A_154, %get3A_155] {strides = array<i32>} : memref<256x128xf32, #tpu.memory_space<vmem>>, vector<1x16xf32>,
        %get3A_157 = vector.shape_cast %get3A_156 : vector<1x16xf32> to vector<16xf32>
        %mul3A_158 = vector.broadcast %squeeze3A : f32 to vector<16xf32>
        %mul3A_159 = arith.mulf %get3A_157, %mul3A_158 : vector<16xf32>
        %swap3A_160 = arith.index_cast %add3A_121 : i32 to index
        %swap3A_161 = arith.constant 48 : index
        %swap3A_162 = tpu.vector_load %arg11[%swap3A_160, %swap3A_161] {strides = array<i32>} : memref<256x128xf32, #tpu.memory_space<vmem>>, vector<1x16xf32>,
        %swap3A_163 = vector.shape_cast %swap3A_162 : vector<1x16xf32> to vector<16xf32>
        %swap3A_164 = vector.shape_cast %mul3A_159 : vector<16xf32> to vector<1x16xf32>
        tpu.vector_store %arg11[%swap3A_160, %swap3A_161], %swap3A_164 {strides = array<i32>} : memref<256x128xf32, #tpu.memory_space<vmem>>, vector<1x16xf32>,
        %get3A_165 = arith.index_cast %add3A_121 : i32 to index
        %get3A_166 = arith.constant 64 : index
        %get3A_167 = tpu.vector_load %arg11[%get3A_165, %get3A_166] {strides = array<i32>} : memref<256x128xf32, #tpu.memory_space<vmem>>, vector<1x16xf32>,
        %get3A_168 = vector.shape_cast %get3A_167 : vector<1x16xf32> to vector<16xf32>
        %mul3A_169 = vector.broadcast %squeeze3A : f32 to vector<16xf32>
        %mul3A_170 = arith.mulf %get3A_168, %mul3A_169 : vector<16xf32>
        %swap3A_171 = arith.index_cast %add3A_121 : i32 to index
        %swap3A_172 = arith.constant 64 : index
        %swap3A_173 = tpu.vector_load %arg11[%swap3A_171, %swap3A_172] {strides = array<i32>} : memref<256x128xf32, #tpu.memory_space<vmem>>, vector<1x16xf32>,
        %swap3A_174 = vector.shape_cast %swap3A_173 : vector<1x16xf32> to vector<16xf32>
        %swap3A_175 = vector.shape_cast %mul3A_170 : vector<16xf32> to vector<1x16xf32>
        tpu.vector_store %arg11[%swap3A_171, %swap3A_172], %swap3A_175 {strides = array<i32>} : memref<256x128xf32, #tpu.memory_space<vmem>>, vector<1x16xf32>,
        %get3A_176 = arith.index_cast %add3A_121 : i32 to index
        %get3A_177 = arith.constant 80 : index
        %get3A_178 = tpu.vector_load %arg11[%get3A_176, %get3A_177] {strides = array<i32>} : memref<256x128xf32, #tpu.memory_space<vmem>>, vector<1x16xf32>,
        %get3A_179 = vector.shape_cast %get3A_178 : vector<1x16xf32> to vector<16xf32>
        %mul3A_180 = vector.broadcast %squeeze3A : f32 to vector<16xf32>
        %mul3A_181 = arith.mulf %get3A_179, %mul3A_180 : vector<16xf32>
        %swap3A_182 = arith.index_cast %add3A_121 : i32 to index
        %swap3A_183 = arith.constant 80 : index
        %swap3A_184 = tpu.vector_load %arg11[%swap3A_182, %swap3A_183] {strides = array<i32>} : memref<256x128xf32, #tpu.memory_space<vmem>>, vector<1x16xf32>,
        %swap3A_185 = vector.shape_cast %swap3A_184 : vector<1x16xf32> to vector<16xf32>
        %swap3A_186 = vector.shape_cast %mul3A_181 : vector<16xf32> to vector<1x16xf32>
        tpu.vector_store %arg11[%swap3A_182, %swap3A_183], %swap3A_186 {strides = array<i32>} : memref<256x128xf32, #tpu.memory_space<vmem>>, vector<1x16xf32>,
        %get3A_187 = arith.index_cast %add3A_121 : i32 to index
        %get3A_188 = arith.constant 96 : index
        %get3A_189 = tpu.vector_load %arg11[%get3A_187, %get3A_188] {strides = array<i32>} : memref<256x128xf32, #tpu.memory_space<vmem>>, vector<1x16xf32>,
        %get3A_190 = vector.shape_cast %get3A_189 : vector<1x16xf32> to vector<16xf32>
        %mul3A_191 = vector.broadcast %squeeze3A : f32 to vector<16xf32>
        %mul3A_192 = arith.mulf %get3A_190, %mul3A_191 : vector<16xf32>
        %swap3A_193 = arith.index_cast %add3A_121 : i32 to index
        %swap3A_194 = arith.constant 96 : index
        %swap3A_195 = tpu.vector_load %arg11[%swap3A_193, %swap3A_194] {strides = array<i32>} : memref<256x128xf32, #tpu.memory_space<vmem>>, vector<1x16xf32>,
        %swap3A_196 = vector.shape_cast %swap3A_195 : vector<1x16xf32> to vector<16xf32>
        %swap3A_197 = vector.shape_cast %mul3A_192 : vector<16xf32> to vector<1x16xf32>
        tpu.vector_store %arg11[%swap3A_193, %swap3A_194], %swap3A_197 {strides = array<i32>} : memref<256x128xf32, #tpu.memory_space<vmem>>, vector<1x16xf32>,
        %get3A_198 = arith.index_cast %add3A_121 : i32 to index
        %get3A_199 = arith.constant 112 : index
        %get3A_200 = tpu.vector_load %arg11[%get3A_198, %get3A_199] {strides = array<i32>} : memref<256x128xf32, #tpu.memory_space<vmem>>, vector<1x16xf32>,
        %get3A_201 = vector.shape_cast %get3A_200 : vector<1x16xf32> to vector<16xf32>
        %mul3A_202 = vector.broadcast %squeeze3A : f32 to vector<16xf32>
        %mul3A_203 = arith.mulf %get3A_201, %mul3A_202 : vector<16xf32>
        %swap3A_204 = arith.index_cast %add3A_121 : i32 to index
        %swap3A_205 = arith.constant 112 : index
        %swap3A_206 = tpu.vector_load %arg11[%swap3A_204, %swap3A_205] {strides = array<i32>} : memref<256x128xf32, #tpu.memory_space<vmem>>, vector<1x16xf32>,
        %swap3A_207 = vector.shape_cast %swap3A_206 : vector<1x16xf32> to vector<16xf32>
        %swap3A_208 = vector.shape_cast %mul3A_203 : vector<16xf32> to vector<1x16xf32>
        tpu.vector_store %arg11[%swap3A_204, %swap3A_205], %swap3A_208 {strides = array<i32>} : memref<256x128xf32, #tpu.memory_space<vmem>>, vector<1x16xf32>,
        %mul3A_209 = arith.constant 16 : i32
        %mul3A_210 = arith.muli %add3A_113, %mul3A_209 : i32
        %add3A_211 = arith.constant 1 : i32
        %add3A_212 = arith.addi %mul3A_210, %add3A_211 : i32
        %slice3A_213 = vector.extract_strided_slice %get3A_117 {offsets = [1], sizes = [1], strides = [1]} : vector<16xf32> to vector<1xf32>
        %squeeze3A_214 = vector.extract %slice3A_213[0] : f32 from vector<1xf32>
        %get3A_215 = arith.index_cast %add3A_212 : i32 to index
        %get3A_216 = arith.constant 0 : index
        %get3A_217 = tpu.vector_load %arg11[%get3A_215, %get3A_216] {strides = array<i32>} : memref<256x128xf32, #tpu.memory_space<vmem>>, vector<1x16xf32>,
        %get3A_218 = vector.shape_cast %get3A_217 : vector<1x16xf32> to vector<16xf32>
        %mul3A_219 = vector.broadcast %squeeze3A_214 : f32 to vector<16xf32>
        %mul3A_220 = arith.mulf %get3A_218, %mul3A_219 : vector<16xf32>
        %swap3A_221 = arith.index_cast %add3A_212 : i32 to index
        %swap3A_222 = arith.constant 0 : index
        %swap3A_223 = tpu.vector_load %arg11[%swap3A_221, %swap3A_222] {strides = array<i32>} : memref<256x128xf32, #tpu.memory_space<vmem>>, vector<1x16xf32>,
        %swap3A_224 = vector.shape_cast %swap3A_223 : vector<1x16xf32> to vector<16xf32>
        %swap3A_225 = vector.shape_cast %mul3A_220 : vector<16xf32> to vector<1x16xf32>
        tpu.vector_store %arg11[%swap3A_221, %swap3A_222], %swap3A_225 {strides = array<i32>} : memref<256x128xf32, #tpu.memory_space<vmem>>, vector<1x16xf32>,
        %get3A_226 = arith.index_cast %add3A_212 : i32 to index
        %get3A_227 = arith.constant 16 : index
        %get3A_228 = tpu.vector_load %arg11[%get3A_226, %get3A_227] {strides = array<i32>} : memref<256x128xf32, #tpu.memory_space<vmem>>, vector<1x16xf32>,
        %get3A_229 = vector.shape_cast %get3A_228 : vector<1x16xf32> to vector<16xf32>
        %mul3A_230 = vector.broadcast %squeeze3A_214 : f32 to vector<16xf32>
        %mul3A_231 = arith.mulf %get3A_229, %mul3A_230 : vector<16xf32>
        %swap3A_232 = arith.index_cast %add3A_212 : i32 to index
        %swap3A_233 = arith.constant 16 : index
        %swap3A_234 = tpu.vector_load %arg11[%swap3A_232, %swap3A_233] {strides = array<i32>} : memref<256x128xf32, #tpu.memory_space<vmem>>, vector<1x16xf32>,
        %swap3A_235 = vector.shape_cast %swap3A_234 : vector<1x16xf32> to vector<16xf32>
        %swap3A_236 = vector.shape_cast %mul3A_231 : vector<16xf32> to vector<1x16xf32>
        tpu.vector_store %arg11[%swap3A_232, %swap3A_233], %swap3A_236 {strides = array<i32>} : memref<256x128xf32, #tpu.memory_space<vmem>>, vector<1x16xf32>,
        %get3A_237 = arith.index_cast %add3A_212 : i32 to index
        %get3A_238 = arith.constant 32 : index
        %get3A_239 = tpu.vector_load %arg11[%get3A_237, %get3A_238] {strides = array<i32>} : memref<256x128xf32, #tpu.memory_space<vmem>>, vector<1x16xf32>,
        %get3A_240 = vector.shape_cast %get3A_239 : vector<1x16xf32> to vector<16xf32>
        %mul3A_241 = vector.broadcast %squeeze3A_214 : f32 to vector<16xf32>
        %mul3A_242 = arith.mulf %get3A_240, %mul3A_241 : vector<16xf32>
        %swap3A_243 = arith.index_cast %add3A_212 : i32 to index
        %swap3A_244 = arith.constant 32 : index
        %swap3A_245 = tpu.vector_load %arg11[%swap3A_243, %swap3A_244] {strides = array<i32>} : memref<256x128xf32, #tpu.memory_space<vmem>>, vector<1x16xf32>,
        %swap3A_246 = vector.shape_cast %swap3A_245 : vector<1x16xf32> to vector<16xf32>
        %swap3A_247 = vector.shape_cast %mul3A_242 : vector<16xf32> to vector<1x16xf32>
        tpu.vector_store %arg11[%swap3A_243, %swap3A_244], %swap3A_247 {strides = array<i32>} : memref<256x128xf32, #tpu.memory_space<vmem>>, vector<1x16xf32>,
        %get3A_248 = arith.index_cast %add3A_212 : i32 to index
        %get3A_249 = arith.constant 48 : index
        %get3A_250 = tpu.vector_load %arg11[%get3A_248, %get3A_249] {strides = array<i32>} : memref<256x128xf32, #tpu.memory_space<vmem>>, vector<1x16xf32>,
        %get3A_251 = vector.shape_cast %get3A_250 : vector<1x16xf32> to vector<16xf32>
        %mul3A_252 = vector.broadcast %squeeze3A_214 : f32 to vector<16xf32>
        %mul3A_253 = arith.mulf %get3A_251, %mul3A_252 : vector<16xf32>
        %swap3A_254 = arith.index_cast %add3A_212 : i32 to index
        %swap3A_255 = arith.constant 48 : index
        %swap3A_256 = tpu.vector_load %arg11[%swap3A_254, %swap3A_255] {strides = array<i32>} : memref<256x128xf32, #tpu.memory_space<vmem>>, vector<1x16xf32>,
        %swap3A_257 = vector.shape_cast %swap3A_256 : vector<1x16xf32> to vector<16xf32>
        %swap3A_258 = vector.shape_cast %mul3A_253 : vector<16xf32> to vector<1x16xf32>
        tpu.vector_store %arg11[%swap3A_254, %swap3A_255], %swap3A_258 {strides = array<i32>} : memref<256x128xf32, #tpu.memory_space<vmem>>, vector<1x16xf32>,
        %get3A_259 = arith.index_cast %add3A_212 : i32 to index
        %get3A_260 = arith.constant 64 : index
        %get3A_261 = tpu.vector_load %arg11[%get3A_259, %get3A_260] {strides = array<i32>} : memref<256x128xf32, #tpu.memory_space<vmem>>, vector<1x16xf32>,
        %get3A_262 = vector.shape_cast %get3A_261 : vector<1x16xf32> to vector<16xf32>
        %mul3A_263 = vector.broadcast %squeeze3A_214 : f32 to vector<16xf32>
        %mul3A_264 = arith.mulf %get3A_262, %mul3A_263 : vector<16xf32>
        %swap3A_265 = arith.index_cast %add3A_212 : i32 to index
        %swap3A_266 = arith.constant 64 : index
        %swap3A_267 = tpu.vector_load %arg11[%swap3A_265, %swap3A_266] {strides = array<i32>} : memref<256x128xf32, #tpu.memory_space<vmem>>, vector<1x16xf32>,
        %swap3A_268 = vector.shape_cast %swap3A_267 : vector<1x16xf32> to vector<16xf32>
        %swap3A_269 = vector.shape_cast %mul3A_264 : vector<16xf32> to vector<1x16xf32>
        tpu.vector_store %arg11[%swap3A_265, %swap3A_266], %swap3A_269 {strides = array<i32>} : memref<256x128xf32, #tpu.memory_space<vmem>>, vector<1x16xf32>,
        %get3A_270 = arith.index_cast %add3A_212 : i32 to index
        %get3A_271 = arith.constant 80 : index
        %get3A_272 = tpu.vector_load %arg11[%get3A_270, %get3A_271] {strides = array<i32>} : memref<256x128xf32, #tpu.memory_space<vmem>>, vector<1x16xf32>,
        %get3A_273 = vector.shape_cast %get3A_272 : vector<1x16xf32> to vector<16xf32>
        %mul3A_274 = vector.broadcast %squeeze3A_214 : f32 to vector<16xf32>
        %mul3A_275 = arith.mulf %get3A_273, %mul3A_274 : vector<16xf32>
        %swap3A_276 = arith.index_cast %add3A_212 : i32 to index
        %swap3A_277 = arith.constant 80 : index
        %swap3A_278 = tpu.vector_load %arg11[%swap3A_276, %swap3A_277] {strides = array<i32>} : memref<256x128xf32, #tpu.memory_space<vmem>>, vector<1x16xf32>,
        %swap3A_279 = vector.shape_cast %swap3A_278 : vector<1x16xf32> to vector<16xf32>
        %swap3A_280 = vector.shape_cast %mul3A_275 : vector<16xf32> to vector<1x16xf32>
        tpu.vector_store %arg11[%swap3A_276, %swap3A_277], %swap3A_280 {strides = array<i32>} : memref<256x128xf32, #tpu.memory_space<vmem>>, vector<1x16xf32>,
        %get3A_281 = arith.index_cast %add3A_212 : i32 to index
        %get3A_282 = arith.constant 96 : index
        %get3A_283 = tpu.vector_load %arg11[%get3A_281, %get3A_282] {strides = array<i32>} : memref<256x128xf32, #tpu.memory_space<vmem>>, vector<1x16xf32>,
        %get3A_284 = vector.shape_cast %get3A_283 : vector<1x16xf32> to vector<16xf32>
        %mul3A_285 = vector.broadcast %squeeze3A_214 : f32 to vector<16xf32>
        %mul3A_286 = arith.mulf %get3A_284, %mul3A_285 : vector<16xf32>
        %swap3A_287 = arith.index_cast %add3A_212 : i32 to index
        %swap3A_288 = arith.constant 96 : index
        %swap3A_289 = tpu.vector_load %arg11[%swap3A_287, %swap3A_288] {strides = array<i32>} : memref<256x128xf32, #tpu.memory_space<vmem>>, vector<1x16xf32>,
        %swap3A_290 = vector.shape_cast %swap3A_289 : vector<1x16xf32> to vector<16xf32>
        %swap3A_291 = vector.shape_cast %mul3A_286 : vector<16xf32> to vector<1x16xf32>
        tpu.vector_store %arg11[%swap3A_287, %swap3A_288], %swap3A_291 {strides = array<i32>} : memref<256x128xf32, #tpu.memory_space<vmem>>, vector<1x16xf32>,
        %get3A_292 = arith.index_cast %add3A_212 : i32 to index
        %get3A_293 = arith.constant 112 : index
        %get3A_294 = tpu.vector_load %arg11[%get3A_292, %get3A_293] {strides = array<i32>} : memref<256x128xf32, #tpu.memory_space<vmem>>, vector<1x16xf32>,
        %get3A_295 = vector.shape_cast %get3A_294 : vector<1x16xf32> to vector<16xf32>
        %mul3A_296 = vector.broadcast %squeeze3A_214 : f32 to vector<16xf32>
        %mul3A_297 = arith.mulf %get3A_295, %mul3A_296 : vector<16xf32>
        %swap3A_298 = arith.index_cast %add3A_212 : i32 to index
        %swap3A_299 = arith.constant 112 : index
        %swap3A_300 = tpu.vector_load %arg11[%swap3A_298, %swap3A_299] {strides = array<i32>} : memref<256x128xf32, #tpu.memory_space<vmem>>, vector<1x16xf32>,
        %swap3A_301 = vector.shape_cast %swap3A_300 : vector<1x16xf32> to vector<16xf32>
        %swap3A_302 = vector.shape_cast %mul3A_297 : vector<16xf32> to vector<1x16xf32>
        tpu.vector_store %arg11[%swap3A_298, %swap3A_299], %swap3A_302 {strides = array<i32>} : memref<256x128xf32, #tpu.memory_space<vmem>>, vector<1x16xf32>,
        %mul3A_303 = arith.constant 16 : i32
        %mul3A_304 = arith.muli %add3A_113, %mul3A_303 : i32
        %add3A_305 = arith.constant 2 : i32
        %add3A_306 = arith.addi %mul3A_304, %add3A_305 : i32
        %slice3A_307 = vector.extract_strided_slice %get3A_117 {offsets = [2], sizes = [1], strides = [1]} : vector<16xf32> to vector<1xf32>
        %squeeze3A_308 = vector.extract %slice3A_307[0] : f32 from vector<1xf32>
        %get3A_309 = arith.index_cast %add3A_306 : i32 to index
        %get3A_310 = arith.constant 0 : index
        %get3A_311 = tpu.vector_load %arg11[%get3A_309, %get3A_310] {strides = array<i32>} : memref<256x128xf32, #tpu.memory_space<vmem>>, vector<1x16xf32>,
        %get3A_312 = vector.shape_cast %get3A_311 : vector<1x16xf32> to vector<16xf32>
        %mul3A_313 = vector.broadcast %squeeze3A_308 : f32 to vector<16xf32>
        %mul3A_314 = arith.mulf %get3A_312, %mul3A_313 : vector<16xf32>
        %swap3A_315 = arith.index_cast %add3A_306 : i32 to index
        %swap3A_316 = arith.constant 0 : index
        %swap3A_317 = tpu.vector_load %arg11[%swap3A_315, %swap3A_316] {strides = array<i32>} : memref<256x128xf32, #tpu.memory_space<vmem>>, vector<1x16xf32>,
        %swap3A_318 = vector.shape_cast %swap3A_317 : vector<1x16xf32> to vector<16xf32>
        %swap3A_319 = vector.shape_cast %mul3A_314 : vector<16xf32> to vector<1x16xf32>
        tpu.vector_store %arg11[%swap3A_315, %swap3A_316], %swap3A_319 {strides = array<i32>} : memref<256x128xf32, #tpu.memory_space<vmem>>, vector<1x16xf32>,
        %get3A_320 = arith.index_cast %add3A_306 : i32 to index
        %get3A_321 = arith.constant 16 : index
        %get3A_322 = tpu.vector_load %arg11[%get3A_320, %get3A_321] {strides = array<i32>} : memref<256x128xf32, #tpu.memory_space<vmem>>, vector<1x16xf32>,
        %get3A_323 = vector.shape_cast %get3A_322 : vector<1x16xf32> to vector<16xf32>
        %mul3A_324 = vector.broadcast %squeeze3A_308 : f32 to vector<16xf32>
        %mul3A_325 = arith.mulf %get3A_323, %mul3A_324 : vector<16xf32>
        %swap3A_326 = arith.index_cast %add3A_306 : i32 to index
        %swap3A_327 = arith.constant 16 : index
        %swap3A_328 = tpu.vector_load %arg11[%swap3A_326, %swap3A_327] {strides = array<i32>} : memref<256x128xf32, #tpu.memory_space<vmem>>, vector<1x16xf32>,
        %swap3A_329 = vector.shape_cast %swap3A_328 : vector<1x16xf32> to vector<16xf32>
        %swap3A_330 = vector.shape_cast %mul3A_325 : vector<16xf32> to vector<1x16xf32>
        tpu.vector_store %arg11[%swap3A_326, %swap3A_327], %swap3A_330 {strides = array<i32>} : memref<256x128xf32, #tpu.memory_space<vmem>>, vector<1x16xf32>,
        %get3A_331 = arith.index_cast %add3A_306 : i32 to index
        %get3A_332 = arith.constant 32 : index
        %get3A_333 = tpu.vector_load %arg11[%get3A_331, %get3A_332] {strides = array<i32>} : memref<256x128xf32, #tpu.memory_space<vmem>>, vector<1x16xf32>,
        %get3A_334 = vector.shape_cast %get3A_333 : vector<1x16xf32> to vector<16xf32>
        %mul3A_335 = vector.broadcast %squeeze3A_308 : f32 to vector<16xf32>
        %mul3A_336 = arith.mulf %get3A_334, %mul3A_335 : vector<16xf32>
        %swap3A_337 = arith.index_cast %add3A_306 : i32 to index
        %swap3A_338 = arith.constant 32 : index
        %swap3A_339 = tpu.vector_load %arg11[%swap3A_337, %swap3A_338] {strides = array<i32>} : memref<256x128xf32, #tpu.memory_space<vmem>>, vector<1x16xf32>,
        %swap3A_340 = vector.shape_cast %swap3A_339 : vector<1x16xf32> to vector<16xf32>
        %swap3A_341 = vector.shape_cast %mul3A_336 : vector<16xf32> to vector<1x16xf32>
        tpu.vector_store %arg11[%swap3A_337, %swap3A_338], %swap3A_341 {strides = array<i32>} : memref<256x128xf32, #tpu.memory_space<vmem>>, vector<1x16xf32>,
        %get3A_342 = arith.index_cast %add3A_306 : i32 to index
        %get3A_343 = arith.constant 48 : index
        %get3A_344 = tpu.vector_load %arg11[%get3A_342, %get3A_343] {strides = array<i32>} : memref<256x128xf32, #tpu.memory_space<vmem>>, vector<1x16xf32>,
        %get3A_345 = vector.shape_cast %get3A_344 : vector<1x16xf32> to vector<16xf32>
        %mul3A_346 = vector.broadcast %squeeze3A_308 : f32 to vector<16xf32>
        %mul3A_347 = arith.mulf %get3A_345, %mul3A_346 : vector<16xf32>
        %swap3A_348 = arith.index_cast %add3A_306 : i32 to index
        %swap3A_349 = arith.constant 48 : index
        %swap3A_350 = tpu.vector_load %arg11[%swap3A_348, %swap3A_349] {strides = array<i32>} : memref<256x128xf32, #tpu.memory_space<vmem>>, vector<1x16xf32>,
        %swap3A_351 = vector.shape_cast %swap3A_350 : vector<1x16xf32> to vector<16xf32>
        %swap3A_352 = vector.shape_cast %mul3A_347 : vector<16xf32> to vector<1x16xf32>
        tpu.vector_store %arg11[%swap3A_348, %swap3A_349], %swap3A_352 {strides = array<i32>} : memref<256x128xf32, #tpu.memory_space<vmem>>, vector<1x16xf32>,
        %get3A_353 = arith.index_cast %add3A_306 : i32 to index
        %get3A_354 = arith.constant 64 : index
        %get3A_355 = tpu.vector_load %arg11[%get3A_353, %get3A_354] {strides = array<i32>} : memref<256x128xf32, #tpu.memory_space<vmem>>, vector<1x16xf32>,
        %get3A_356 = vector.shape_cast %get3A_355 : vector<1x16xf32> to vector<16xf32>
        %mul3A_357 = vector.broadcast %squeeze3A_308 : f32 to vector<16xf32>
        %mul3A_358 = arith.mulf %get3A_356, %mul3A_357 : vector<16xf32>
        %swap3A_359 = arith.index_cast %add3A_306 : i32 to index
        %swap3A_360 = arith.constant 64 : index
        %swap3A_361 = tpu.vector_load %arg11[%swap3A_359, %swap3A_360] {strides = array<i32>} : memref<256x128xf32, #tpu.memory_space<vmem>>, vector<1x16xf32>,
        %swap3A_362 = vector.shape_cast %swap3A_361 : vector<1x16xf32> to vector<16xf32>
        %swap3A_363 = vector.shape_cast %mul3A_358 : vector<16xf32> to vector<1x16xf32>
        tpu.vector_store %arg11[%swap3A_359, %swap3A_360], %swap3A_363 {strides = array<i32>} : memref<256x128xf32, #tpu.memory_space<vmem>>, vector<1x16xf32>,
        %get3A_364 = arith.index_cast %add3A_306 : i32 to index
        %get3A_365 = arith.constant 80 : index
        %get3A_366 = tpu.vector_load %arg11[%get3A_364, %get3A_365] {strides = array<i32>} : memref<256x128xf32, #tpu.memory_space<vmem>>, vector<1x16xf32>,
        %get3A_367 = vector.shape_cast %get3A_366 : vector<1x16xf32> to vector<16xf32>
        %mul3A_368 = vector.broadcast %squeeze3A_308 : f32 to vector<16xf32>
        %mul3A_369 = arith.mulf %get3A_367, %mul3A_368 : vector<16xf32>
        %swap3A_370 = arith.index_cast %add3A_306 : i32 to index
        %swap3A_371 = arith.constant 80 : index
        %swap3A_372 = tpu.vector_load %arg11[%swap3A_370, %swap3A_371] {strides = array<i32>} : memref<256x128xf32, #tpu.memory_space<vmem>>, vector<1x16xf32>,
        %swap3A_373 = vector.shape_cast %swap3A_372 : vector<1x16xf32> to vector<16xf32>
        %swap3A_374 = vector.shape_cast %mul3A_369 : vector<16xf32> to vector<1x16xf32>
        tpu.vector_store %arg11[%swap3A_370, %swap3A_371], %swap3A_374 {strides = array<i32>} : memref<256x128xf32, #tpu.memory_space<vmem>>, vector<1x16xf32>,
        %get3A_375 = arith.index_cast %add3A_306 : i32 to index
        %get3A_376 = arith.constant 96 : index
        %get3A_377 = tpu.vector_load %arg11[%get3A_375, %get3A_376] {strides = array<i32>} : memref<256x128xf32, #tpu.memory_space<vmem>>, vector<1x16xf32>,
        %get3A_378 = vector.shape_cast %get3A_377 : vector<1x16xf32> to vector<16xf32>
        %mul3A_379 = vector.broadcast %squeeze3A_308 : f32 to vector<16xf32>
        %mul3A_380 = arith.mulf %get3A_378, %mul3A_379 : vector<16xf32>
        %swap3A_381 = arith.index_cast %add3A_306 : i32 to index
        %swap3A_382 = arith.constant 96 : index
        %swap3A_383 = tpu.vector_load %arg11[%swap3A_381, %swap3A_382] {strides = array<i32>} : memref<256x128xf32, #tpu.memory_space<vmem>>, vector<1x16xf32>,
        %swap3A_384 = vector.shape_cast %swap3A_383 : vector<1x16xf32> to vector<16xf32>
        %swap3A_385 = vector.shape_cast %mul3A_380 : vector<16xf32> to vector<1x16xf32>
        tpu.vector_store %arg11[%swap3A_381, %swap3A_382], %swap3A_385 {strides = array<i32>} : memref<256x128xf32, #tpu.memory_space<vmem>>, vector<1x16xf32>,
        %get3A_386 = arith.index_cast %add3A_306 : i32 to index
        %get3A_387 = arith.constant 112 : index
        %get3A_388 = tpu.vector_load %arg11[%get3A_386, %get3A_387] {strides = array<i32>} : memref<256x128xf32, #tpu.memory_space<vmem>>, vector<1x16xf32>,
        %get3A_389 = vector.shape_cast %get3A_388 : vector<1x16xf32> to vector<16xf32>
        %mul3A_390 = vector.broadcast %squeeze3A_308 : f32 to vector<16xf32>
        %mul3A_391 = arith.mulf %get3A_389, %mul3A_390 : vector<16xf32>
        %swap3A_392 = arith.index_cast %add3A_306 : i32 to index
        %swap3A_393 = arith.constant 112 : index
        %swap3A_394 = tpu.vector_load %arg11[%swap3A_392, %swap3A_393] {strides = array<i32>} : memref<256x128xf32, #tpu.memory_space<vmem>>, vector<1x16xf32>,
        %swap3A_395 = vector.shape_cast %swap3A_394 : vector<1x16xf32> to vector<16xf32>
        %swap3A_396 = vector.shape_cast %mul3A_391 : vector<16xf32> to vector<1x16xf32>
        tpu.vector_store %arg11[%swap3A_392, %swap3A_393], %swap3A_396 {strides = array<i32>} : memref<256x128xf32, #tpu.memory_space<vmem>>, vector<1x16xf32>,
        %mul3A_397 = arith.constant 16 : i32
        %mul3A_398 = arith.muli %add3A_113, %mul3A_397 : i32
        %add3A_399 = arith.constant 3 : i32
        %add3A_400 = arith.addi %mul3A_398, %add3A_399 : i32
        %slice3A_401 = vector.extract_strided_slice %get3A_117 {offsets = [3], sizes = [1], strides = [1]} : vector<16xf32> to vector<1xf32>
        %squeeze3A_402 = vector.extract %slice3A_401[0] : f32 from vector<1xf32>
        %get3A_403 = arith.index_cast %add3A_400 : i32 to index
        %get3A_404 = arith.constant 0 : index
        %get3A_405 = tpu.vector_load %arg11[%get3A_403, %get3A_404] {strides = array<i32>} : memref<256x128xf32, #tpu.memory_space<vmem>>, vector<1x16xf32>,
        %get3A_406 = vector.shape_cast %get3A_405 : vector<1x16xf32> to vector<16xf32>
        %mul3A_407 = vector.broadcast %squeeze3A_402 : f32 to vector<16xf32>
        %mul3A_408 = arith.mulf %get3A_406, %mul3A_407 : vector<16xf32>
        %swap3A_409 = arith.index_cast %add3A_400 : i32 to index
        %swap3A_410 = arith.constant 0 : index
        %swap3A_411 = tpu.vector_load %arg11[%swap3A_409, %swap3A_410] {strides = array<i32>} : memref<256x128xf32, #tpu.memory_space<vmem>>, vector<1x16xf32>,
        %swap3A_412 = vector.shape_cast %swap3A_411 : vector<1x16xf32> to vector<16xf32>
        %swap3A_413 = vector.shape_cast %mul3A_408 : vector<16xf32> to vector<1x16xf32>
        tpu.vector_store %arg11[%swap3A_409, %swap3A_410], %swap3A_413 {strides = array<i32>} : memref<256x128xf32, #tpu.memory_space<vmem>>, vector<1x16xf32>,
        %get3A_414 = arith.index_cast %add3A_400 : i32 to index
        %get3A_415 = arith.constant 16 : index
        %get3A_416 = tpu.vector_load %arg11[%get3A_414, %get3A_415] {strides = array<i32>} : memref<256x128xf32, #tpu.memory_space<vmem>>, vector<1x16xf32>,
        %get3A_417 = vector.shape_cast %get3A_416 : vector<1x16xf32> to vector<16xf32>
        %mul3A_418 = vector.broadcast %squeeze3A_402 : f32 to vector<16xf32>
        %mul3A_419 = arith.mulf %get3A_417, %mul3A_418 : vector<16xf32>
        %swap3A_420 = arith.index_cast %add3A_400 : i32 to index
        %swap3A_421 = arith.constant 16 : index
        %swap3A_422 = tpu.vector_load %arg11[%swap3A_420, %swap3A_421] {strides = array<i32>} : memref<256x128xf32, #tpu.memory_space<vmem>>, vector<1x16xf32>,
        %swap3A_423 = vector.shape_cast %swap3A_422 : vector<1x16xf32> to vector<16xf32>
        %swap3A_424 = vector.shape_cast %mul3A_419 : vector<16xf32> to vector<1x16xf32>
        tpu.vector_store %arg11[%swap3A_420, %swap3A_421], %swap3A_424 {strides = array<i32>} : memref<256x128xf32, #tpu.memory_space<vmem>>, vector<1x16xf32>,
        %get3A_425 = arith.index_cast %add3A_400 : i32 to index
        %get3A_426 = arith.constant 32 : index
        %get3A_427 = tpu.vector_load %arg11[%get3A_425, %get3A_426] {strides = array<i32>} : memref<256x128xf32, #tpu.memory_space<vmem>>, vector<1x16xf32>,
        %get3A_428 = vector.shape_cast %get3A_427 : vector<1x16xf32> to vector<16xf32>
        %mul3A_429 = vector.broadcast %squeeze3A_402 : f32 to vector<16xf32>
        %mul3A_430 = arith.mulf %get3A_428, %mul3A_429 : vector<16xf32>
        %swap3A_431 = arith.index_cast %add3A_400 : i32 to index
        %swap3A_432 = arith.constant 32 : index
        %swap3A_433 = tpu.vector_load %arg11[%swap3A_431, %swap3A_432] {strides = array<i32>} : memref<256x128xf32, #tpu.memory_space<vmem>>, vector<1x16xf32>,
        %swap3A_434 = vector.shape_cast %swap3A_433 : vector<1x16xf32> to vector<16xf32>
        %swap3A_435 = vector.shape_cast %mul3A_430 : vector<16xf32> to vector<1x16xf32>
        tpu.vector_store %arg11[%swap3A_431, %swap3A_432], %swap3A_435 {strides = array<i32>} : memref<256x128xf32, #tpu.memory_space<vmem>>, vector<1x16xf32>,
        %get3A_436 = arith.index_cast %add3A_400 : i32 to index
        %get3A_437 = arith.constant 48 : index
        %get3A_438 = tpu.vector_load %arg11[%get3A_436, %get3A_437] {strides = array<i32>} : memref<256x128xf32, #tpu.memory_space<vmem>>, vector<1x16xf32>,
        %get3A_439 = vector.shape_cast %get3A_438 : vector<1x16xf32> to vector<16xf32>
        %mul3A_440 = vector.broadcast %squeeze3A_402 : f32 to vector<16xf32>
        %mul3A_441 = arith.mulf %get3A_439, %mul3A_440 : vector<16xf32>
        %swap3A_442 = arith.index_cast %add3A_400 : i32 to index
        %swap3A_443 = arith.constant 48 : index
        %swap3A_444 = tpu.vector_load %arg11[%swap3A_442, %swap3A_443] {strides = array<i32>} : memref<256x128xf32, #tpu.memory_space<vmem>>, vector<1x16xf32>,
        %swap3A_445 = vector.shape_cast %swap3A_444 : vector<1x16xf32> to vector<16xf32>
        %swap3A_446 = vector.shape_cast %mul3A_441 : vector<16xf32> to vector<1x16xf32>
        tpu.vector_store %arg11[%swap3A_442, %swap3A_443], %swap3A_446 {strides = array<i32>} : memref<256x128xf32, #tpu.memory_space<vmem>>, vector<1x16xf32>,
        %get3A_447 = arith.index_cast %add3A_400 : i32 to index
        %get3A_448 = arith.constant 64 : index
        %get3A_449 = tpu.vector_load %arg11[%get3A_447, %get3A_448] {strides = array<i32>} : memref<256x128xf32, #tpu.memory_space<vmem>>, vector<1x16xf32>,
        %get3A_450 = vector.shape_cast %get3A_449 : vector<1x16xf32> to vector<16xf32>
        %mul3A_451 = vector.broadcast %squeeze3A_402 : f32 to vector<16xf32>
        %mul3A_452 = arith.mulf %get3A_450, %mul3A_451 : vector<16xf32>
        %swap3A_453 = arith.index_cast %add3A_400 : i32 to index
        %swap3A_454 = arith.constant 64 : index
        %swap3A_455 = tpu.vector_load %arg11[%swap3A_453, %swap3A_454] {strides = array<i32>} : memref<256x128xf32, #tpu.memory_space<vmem>>, vector<1x16xf32>,
        %swap3A_456 = vector.shape_cast %swap3A_455 : vector<1x16xf32> to vector<16xf32>
        %swap3A_457 = vector.shape_cast %mul3A_452 : vector<16xf32> to vector<1x16xf32>
        tpu.vector_store %arg11[%swap3A_453, %swap3A_454], %swap3A_457 {strides = array<i32>} : memref<256x128xf32, #tpu.memory_space<vmem>>, vector<1x16xf32>,
        %get3A_458 = arith.index_cast %add3A_400 : i32 to index
        %get3A_459 = arith.constant 80 : index
        %get3A_460 = tpu.vector_load %arg11[%get3A_458, %get3A_459] {strides = array<i32>} : memref<256x128xf32, #tpu.memory_space<vmem>>, vector<1x16xf32>,
        %get3A_461 = vector.shape_cast %get3A_460 : vector<1x16xf32> to vector<16xf32>
        %mul3A_462 = vector.broadcast %squeeze3A_402 : f32 to vector<16xf32>
        %mul3A_463 = arith.mulf %get3A_461, %mul3A_462 : vector<16xf32>
        %swap3A_464 = arith.index_cast %add3A_400 : i32 to index
        %swap3A_465 = arith.constant 80 : index
        %swap3A_466 = tpu.vector_load %arg11[%swap3A_464, %swap3A_465] {strides = array<i32>} : memref<256x128xf32, #tpu.memory_space<vmem>>, vector<1x16xf32>,
        %swap3A_467 = vector.shape_cast %swap3A_466 : vector<1x16xf32> to vector<16xf32>
        %swap3A_468 = vector.shape_cast %mul3A_463 : vector<16xf32> to vector<1x16xf32>
        tpu.vector_store %arg11[%swap3A_464, %swap3A_465], %swap3A_468 {strides = array<i32>} : memref<256x128xf32, #tpu.memory_space<vmem>>, vector<1x16xf32>,
        %get3A_469 = arith.index_cast %add3A_400 : i32 to index
        %get3A_470 = arith.constant 96 : index
        %get3A_471 = tpu.vector_load %arg11[%get3A_469, %get3A_470] {strides = array<i32>} : memref<256x128xf32, #tpu.memory_space<vmem>>, vector<1x16xf32>,
        %get3A_472 = vector.shape_cast %get3A_471 : vector<1x16xf32> to vector<16xf32>
        %mul3A_473 = vector.broadcast %squeeze3A_402 : f32 to vector<16xf32>
        %mul3A_474 = arith.mulf %get3A_472, %mul3A_473 : vector<16xf32>
        %swap3A_475 = arith.index_cast %add3A_400 : i32 to index
        %swap3A_476 = arith.constant 96 : index
        %swap3A_477 = tpu.vector_load %arg11[%swap3A_475, %swap3A_476] {strides = array<i32>} : memref<256x128xf32, #tpu.memory_space<vmem>>, vector<1x16xf32>,
        %swap3A_478 = vector.shape_cast %swap3A_477 : vector<1x16xf32> to vector<16xf32>
        %swap3A_479 = vector.shape_cast %mul3A_474 : vector<16xf32> to vector<1x16xf32>
        tpu.vector_store %arg11[%swap3A_475, %swap3A_476], %swap3A_479 {strides = array<i32>} : memref<256x128xf32, #tpu.memory_space<vmem>>, vector<1x16xf32>,
        %get3A_480 = arith.index_cast %add3A_400 : i32 to index
        %get3A_481 = arith.constant 112 : index
        %get3A_482 = tpu.vector_load %arg11[%get3A_480, %get3A_481] {strides = array<i32>} : memref<256x128xf32, #tpu.memory_space<vmem>>, vector<1x16xf32>,
        %get3A_483 = vector.shape_cast %get3A_482 : vector<1x16xf32> to vector<16xf32>
        %mul3A_484 = vector.broadcast %squeeze3A_402 : f32 to vector<16xf32>
        %mul3A_485 = arith.mulf %get3A_483, %mul3A_484 : vector<16xf32>
        %swap3A_486 = arith.index_cast %add3A_400 : i32 to index
        %swap3A_487 = arith.constant 112 : index
        %swap3A_488 = tpu.vector_load %arg11[%swap3A_486, %swap3A_487] {strides = array<i32>} : memref<256x128xf32, #tpu.memory_space<vmem>>, vector<1x16xf32>,
        %swap3A_489 = vector.shape_cast %swap3A_488 : vector<1x16xf32> to vector<16xf32>
        %swap3A_490 = vector.shape_cast %mul3A_485 : vector<16xf32> to vector<1x16xf32>
        tpu.vector_store %arg11[%swap3A_486, %swap3A_487], %swap3A_490 {strides = array<i32>} : memref<256x128xf32, #tpu.memory_space<vmem>>, vector<1x16xf32>,
        %mul3A_491 = arith.constant 16 : i32
        %mul3A_492 = arith.muli %add3A_113, %mul3A_491 : i32
        %add3A_493 = arith.constant 4 : i32
        %add3A_494 = arith.addi %mul3A_492, %add3A_493 : i32
        %slice3A_495 = vector.extract_strided_slice %get3A_117 {offsets = [4], sizes = [1], strides = [1]} : vector<16xf32> to vector<1xf32>
        %squeeze3A_496 = vector.extract %slice3A_495[0] : f32 from vector<1xf32>
        %get3A_497 = arith.index_cast %add3A_494 : i32 to index
        %get3A_498 = arith.constant 0 : index
        %get3A_499 = tpu.vector_load %arg11[%get3A_497, %get3A_498] {strides = array<i32>} : memref<256x128xf32, #tpu.memory_space<vmem>>, vector<1x16xf32>,
        %get3A_500 = vector.shape_cast %get3A_499 : vector<1x16xf32> to vector<16xf32>
        %mul3A_501 = vector.broadcast %squeeze3A_496 : f32 to vector<16xf32>
        %mul3A_502 = arith.mulf %get3A_500, %mul3A_501 : vector<16xf32>
        %swap3A_503 = arith.index_cast %add3A_494 : i32 to index
        %swap3A_504 = arith.constant 0 : index
        %swap3A_505 = tpu.vector_load %arg11[%swap3A_503, %swap3A_504] {strides = array<i32>} : memref<256x128xf32, #tpu.memory_space<vmem>>, vector<1x16xf32>,
        %swap3A_506 = vector.shape_cast %swap3A_505 : vector<1x16xf32> to vector<16xf32>
        %swap3A_507 = vector.shape_cast %mul3A_502 : vector<16xf32> to vector<1x16xf32>
        tpu.vector_store %arg11[%swap3A_503, %swap3A_504], %swap3A_507 {strides = array<i32>} : memref<256x128xf32, #tpu.memory_space<vmem>>, vector<1x16xf32>,
        %get3A_508 = arith.index_cast %add3A_494 : i32 to index
        %get3A_509 = arith.constant 16 : index
        %get3A_510 = tpu.vector_load %arg11[%get3A_508, %get3A_509] {strides = array<i32>} : memref<256x128xf32, #tpu.memory_space<vmem>>, vector<1x16xf32>,
        %get3A_511 = vector.shape_cast %get3A_510 : vector<1x16xf32> to vector<16xf32>
        %mul3A_512 = vector.broadcast %squeeze3A_496 : f32 to vector<16xf32>
        %mul3A_513 = arith.mulf %get3A_511, %mul3A_512 : vector<16xf32>
        %swap3A_514 = arith.index_cast %add3A_494 : i32 to index
        %swap3A_515 = arith.constant 16 : index
        %swap3A_516 = tpu.vector_load %arg11[%swap3A_514, %swap3A_515] {strides = array<i32>} : memref<256x128xf32, #tpu.memory_space<vmem>>, vector<1x16xf32>,
        %swap3A_517 = vector.shape_cast %swap3A_516 : vector<1x16xf32> to vector<16xf32>
        %swap3A_518 = vector.shape_cast %mul3A_513 : vector<16xf32> to vector<1x16xf32>
        tpu.vector_store %arg11[%swap3A_514, %swap3A_515], %swap3A_518 {strides = array<i32>} : memref<256x128xf32, #tpu.memory_space<vmem>>, vector<1x16xf32>,
        %get3A_519 = arith.index_cast %add3A_494 : i32 to index
        %get3A_520 = arith.constant 32 : index
        %get3A_521 = tpu.vector_load %arg11[%get3A_519, %get3A_520] {strides = array<i32>} : memref<256x128xf32, #tpu.memory_space<vmem>>, vector<1x16xf32>,
        %get3A_522 = vector.shape_cast %get3A_521 : vector<1x16xf32> to vector<16xf32>
        %mul3A_523 = vector.broadcast %squeeze3A_496 : f32 to vector<16xf32>
        %mul3A_524 = arith.mulf %get3A_522, %mul3A_523 : vector<16xf32>
        %swap3A_525 = arith.index_cast %add3A_494 : i32 to index
        %swap3A_526 = arith.constant 32 : index
        %swap3A_527 = tpu.vector_load %arg11[%swap3A_525, %swap3A_526] {strides = array<i32>} : memref<256x128xf32, #tpu.memory_space<vmem>>, vector<1x16xf32>,
        %swap3A_528 = vector.shape_cast %swap3A_527 : vector<1x16xf32> to vector<16xf32>
        %swap3A_529 = vector.shape_cast %mul3A_524 : vector<16xf32> to vector<1x16xf32>
        tpu.vector_store %arg11[%swap3A_525, %swap3A_526], %swap3A_529 {strides = array<i32>} : memref<256x128xf32, #tpu.memory_space<vmem>>, vector<1x16xf32>,
        %get3A_530 = arith.index_cast %add3A_494 : i32 to index
        %get3A_531 = arith.constant 48 : index
        %get3A_532 = tpu.vector_load %arg11[%get3A_530, %get3A_531] {strides = array<i32>} : memref<256x128xf32, #tpu.memory_space<vmem>>, vector<1x16xf32>,
        %get3A_533 = vector.shape_cast %get3A_532 : vector<1x16xf32> to vector<16xf32>
        %mul3A_534 = vector.broadcast %squeeze3A_496 : f32 to vector<16xf32>
        %mul3A_535 = arith.mulf %get3A_533, %mul3A_534 : vector<16xf32>
        %swap3A_536 = arith.index_cast %add3A_494 : i32 to index
        %swap3A_537 = arith.constant 48 : index
        %swap3A_538 = tpu.vector_load %arg11[%swap3A_536, %swap3A_537] {strides = array<i32>} : memref<256x128xf32, #tpu.memory_space<vmem>>, vector<1x16xf32>,
        %swap3A_539 = vector.shape_cast %swap3A_538 : vector<1x16xf32> to vector<16xf32>
        %swap3A_540 = vector.shape_cast %mul3A_535 : vector<16xf32> to vector<1x16xf32>
        tpu.vector_store %arg11[%swap3A_536, %swap3A_537], %swap3A_540 {strides = array<i32>} : memref<256x128xf32, #tpu.memory_space<vmem>>, vector<1x16xf32>,
        %get3A_541 = arith.index_cast %add3A_494 : i32 to index
        %get3A_542 = arith.constant 64 : index
        %get3A_543 = tpu.vector_load %arg11[%get3A_541, %get3A_542] {strides = array<i32>} : memref<256x128xf32, #tpu.memory_space<vmem>>, vector<1x16xf32>,
        %get3A_544 = vector.shape_cast %get3A_543 : vector<1x16xf32> to vector<16xf32>
        %mul3A_545 = vector.broadcast %squeeze3A_496 : f32 to vector<16xf32>
        %mul3A_546 = arith.mulf %get3A_544, %mul3A_545 : vector<16xf32>
        %swap3A_547 = arith.index_cast %add3A_494 : i32 to index
        %swap3A_548 = arith.constant 64 : index
        %swap3A_549 = tpu.vector_load %arg11[%swap3A_547, %swap3A_548] {strides = array<i32>} : memref<256x128xf32, #tpu.memory_space<vmem>>, vector<1x16xf32>,
        %swap3A_550 = vector.shape_cast %swap3A_549 : vector<1x16xf32> to vector<16xf32>
        %swap3A_551 = vector.shape_cast %mul3A_546 : vector<16xf32> to vector<1x16xf32>
        tpu.vector_store %arg11[%swap3A_547, %swap3A_548], %swap3A_551 {strides = array<i32>} : memref<256x128xf32, #tpu.memory_space<vmem>>, vector<1x16xf32>,
        %get3A_552 = arith.index_cast %add3A_494 : i32 to index
        %get3A_553 = arith.constant 80 : index
        %get3A_554 = tpu.vector_load %arg11[%get3A_552, %get3A_553] {strides = array<i32>} : memref<256x128xf32, #tpu.memory_space<vmem>>, vector<1x16xf32>,
        %get3A_555 = vector.shape_cast %get3A_554 : vector<1x16xf32> to vector<16xf32>
        %mul3A_556 = vector.broadcast %squeeze3A_496 : f32 to vector<16xf32>
        %mul3A_557 = arith.mulf %get3A_555, %mul3A_556 : vector<16xf32>
        %swap3A_558 = arith.index_cast %add3A_494 : i32 to index
        %swap3A_559 = arith.constant 80 : index
        %swap3A_560 = tpu.vector_load %arg11[%swap3A_558, %swap3A_559] {strides = array<i32>} : memref<256x128xf32, #tpu.memory_space<vmem>>, vector<1x16xf32>,
        %swap3A_561 = vector.shape_cast %swap3A_560 : vector<1x16xf32> to vector<16xf32>
        %swap3A_562 = vector.shape_cast %mul3A_557 : vector<16xf32> to vector<1x16xf32>
        tpu.vector_store %arg11[%swap3A_558, %swap3A_559], %swap3A_562 {strides = array<i32>} : memref<256x128xf32, #tpu.memory_space<vmem>>, vector<1x16xf32>,
        %get3A_563 = arith.index_cast %add3A_494 : i32 to index
        %get3A_564 = arith.constant 96 : index
        %get3A_565 = tpu.vector_load %arg11[%get3A_563, %get3A_564] {strides = array<i32>} : memref<256x128xf32, #tpu.memory_space<vmem>>, vector<1x16xf32>,
        %get3A_566 = vector.shape_cast %get3A_565 : vector<1x16xf32> to vector<16xf32>
        %mul3A_567 = vector.broadcast %squeeze3A_496 : f32 to vector<16xf32>
        %mul3A_568 = arith.mulf %get3A_566, %mul3A_567 : vector<16xf32>
        %swap3A_569 = arith.index_cast %add3A_494 : i32 to index
        %swap3A_570 = arith.constant 96 : index
        %swap3A_571 = tpu.vector_load %arg11[%swap3A_569, %swap3A_570] {strides = array<i32>} : memref<256x128xf32, #tpu.memory_space<vmem>>, vector<1x16xf32>,
        %swap3A_572 = vector.shape_cast %swap3A_571 : vector<1x16xf32> to vector<16xf32>
        %swap3A_573 = vector.shape_cast %mul3A_568 : vector<16xf32> to vector<1x16xf32>
        tpu.vector_store %arg11[%swap3A_569, %swap3A_570], %swap3A_573 {strides = array<i32>} : memref<256x128xf32, #tpu.memory_space<vmem>>, vector<1x16xf32>,
        %get3A_574 = arith.index_cast %add3A_494 : i32 to index
        %get3A_575 = arith.constant 112 : index
        %get3A_576 = tpu.vector_load %arg11[%get3A_574, %get3A_575] {strides = array<i32>} : memref<256x128xf32, #tpu.memory_space<vmem>>, vector<1x16xf32>,
        %get3A_577 = vector.shape_cast %get3A_576 : vector<1x16xf32> to vector<16xf32>
        %mul3A_578 = vector.broadcast %squeeze3A_496 : f32 to vector<16xf32>
        %mul3A_579 = arith.mulf %get3A_577, %mul3A_578 : vector<16xf32>
        %swap3A_580 = arith.index_cast %add3A_494 : i32 to index
        %swap3A_581 = arith.constant 112 : index
        %swap3A_582 = tpu.vector_load %arg11[%swap3A_580, %swap3A_581] {strides = array<i32>} : memref<256x128xf32, #tpu.memory_space<vmem>>, vector<1x16xf32>,
        %swap3A_583 = vector.shape_cast %swap3A_582 : vector<1x16xf32> to vector<16xf32>
        %swap3A_584 = vector.shape_cast %mul3A_579 : vector<16xf32> to vector<1x16xf32>
        tpu.vector_store %arg11[%swap3A_580, %swap3A_581], %swap3A_584 {strides = array<i32>} : memref<256x128xf32, #tpu.memory_space<vmem>>, vector<1x16xf32>,
        %mul3A_585 = arith.constant 16 : i32
        %mul3A_586 = arith.muli %add3A_113, %mul3A_585 : i32
        %add3A_587 = arith.constant 5 : i32
        %add3A_588 = arith.addi %mul3A_586, %add3A_587 : i32
        %slice3A_589 = vector.extract_strided_slice %get3A_117 {offsets = [5], sizes = [1], strides = [1]} : vector<16xf32> to vector<1xf32>
        %squeeze3A_590 = vector.extract %slice3A_589[0] : f32 from vector<1xf32>
        %get3A_591 = arith.index_cast %add3A_588 : i32 to index
        %get3A_592 = arith.constant 0 : index
        %get3A_593 = tpu.vector_load %arg11[%get3A_591, %get3A_592] {strides = array<i32>} : memref<256x128xf32, #tpu.memory_space<vmem>>, vector<1x16xf32>,
        %get3A_594 = vector.shape_cast %get3A_593 : vector<1x16xf32> to vector<16xf32>
        %mul3A_595 = vector.broadcast %squeeze3A_590 : f32 to vector<16xf32>
        %mul3A_596 = arith.mulf %get3A_594, %mul3A_595 : vector<16xf32>
        %swap3A_597 = arith.index_cast %add3A_588 : i32 to index
        %swap3A_598 = arith.constant 0 : index
        %swap3A_599 = tpu.vector_load %arg11[%swap3A_597, %swap3A_598] {strides = array<i32>} : memref<256x128xf32, #tpu.memory_space<vmem>>, vector<1x16xf32>,
        %swap3A_600 = vector.shape_cast %swap3A_599 : vector<1x16xf32> to vector<16xf32>
        %swap3A_601 = vector.shape_cast %mul3A_596 : vector<16xf32> to vector<1x16xf32>
        tpu.vector_store %arg11[%swap3A_597, %swap3A_598], %swap3A_601 {strides = array<i32>} : memref<256x128xf32, #tpu.memory_space<vmem>>, vector<1x16xf32>,
        %get3A_602 = arith.index_cast %add3A_588 : i32 to index
        %get3A_603 = arith.constant 16 : index
        %get3A_604 = tpu.vector_load %arg11[%get3A_602, %get3A_603] {strides = array<i32>} : memref<256x128xf32, #tpu.memory_space<vmem>>, vector<1x16xf32>,
        %get3A_605 = vector.shape_cast %get3A_604 : vector<1x16xf32> to vector<16xf32>
        %mul3A_606 = vector.broadcast %squeeze3A_590 : f32 to vector<16xf32>
        %mul3A_607 = arith.mulf %get3A_605, %mul3A_606 : vector<16xf32>
        %swap3A_608 = arith.index_cast %add3A_588 : i32 to index
        %swap3A_609 = arith.constant 16 : index
        %swap3A_610 = tpu.vector_load %arg11[%swap3A_608, %swap3A_609] {strides = array<i32>} : memref<256x128xf32, #tpu.memory_space<vmem>>, vector<1x16xf32>,
        %swap3A_611 = vector.shape_cast %swap3A_610 : vector<1x16xf32> to vector<16xf32>
        %swap3A_612 = vector.shape_cast %mul3A_607 : vector<16xf32> to vector<1x16xf32>
        tpu.vector_store %arg11[%swap3A_608, %swap3A_609], %swap3A_612 {strides = array<i32>} : memref<256x128xf32, #tpu.memory_space<vmem>>, vector<1x16xf32>,
        %get3A_613 = arith.index_cast %add3A_588 : i32 to index
        %get3A_614 = arith.constant 32 : index
        %get3A_615 = tpu.vector_load %arg11[%get3A_613, %get3A_614] {strides = array<i32>} : memref<256x128xf32, #tpu.memory_space<vmem>>, vector<1x16xf32>,
        %get3A_616 = vector.shape_cast %get3A_615 : vector<1x16xf32> to vector<16xf32>
        %mul3A_617 = vector.broadcast %squeeze3A_590 : f32 to vector<16xf32>
        %mul3A_618 = arith.mulf %get3A_616, %mul3A_617 : vector<16xf32>
        %swap3A_619 = arith.index_cast %add3A_588 : i32 to index
        %swap3A_620 = arith.constant 32 : index
        %swap3A_621 = tpu.vector_load %arg11[%swap3A_619, %swap3A_620] {strides = array<i32>} : memref<256x128xf32, #tpu.memory_space<vmem>>, vector<1x16xf32>,
        %swap3A_622 = vector.shape_cast %swap3A_621 : vector<1x16xf32> to vector<16xf32>
        %swap3A_623 = vector.shape_cast %mul3A_618 : vector<16xf32> to vector<1x16xf32>
        tpu.vector_store %arg11[%swap3A_619, %swap3A_620], %swap3A_623 {strides = array<i32>} : memref<256x128xf32, #tpu.memory_space<vmem>>, vector<1x16xf32>,
        %get3A_624 = arith.index_cast %add3A_588 : i32 to index
        %get3A_625 = arith.constant 48 : index
        %get3A_626 = tpu.vector_load %arg11[%get3A_624, %get3A_625] {strides = array<i32>} : memref<256x128xf32, #tpu.memory_space<vmem>>, vector<1x16xf32>,
        %get3A_627 = vector.shape_cast %get3A_626 : vector<1x16xf32> to vector<16xf32>
        %mul3A_628 = vector.broadcast %squeeze3A_590 : f32 to vector<16xf32>
        %mul3A_629 = arith.mulf %get3A_627, %mul3A_628 : vector<16xf32>
        %swap3A_630 = arith.index_cast %add3A_588 : i32 to index
        %swap3A_631 = arith.constant 48 : index
        %swap3A_632 = tpu.vector_load %arg11[%swap3A_630, %swap3A_631] {strides = array<i32>} : memref<256x128xf32, #tpu.memory_space<vmem>>, vector<1x16xf32>,
        %swap3A_633 = vector.shape_cast %swap3A_632 : vector<1x16xf32> to vector<16xf32>
        %swap3A_634 = vector.shape_cast %mul3A_629 : vector<16xf32> to vector<1x16xf32>
        tpu.vector_store %arg11[%swap3A_630, %swap3A_631], %swap3A_634 {strides = array<i32>} : memref<256x128xf32, #tpu.memory_space<vmem>>, vector<1x16xf32>,
        %get3A_635 = arith.index_cast %add3A_588 : i32 to index
        %get3A_636 = arith.constant 64 : index
        %get3A_637 = tpu.vector_load %arg11[%get3A_635, %get3A_636] {strides = array<i32>} : memref<256x128xf32, #tpu.memory_space<vmem>>, vector<1x16xf32>,
        %get3A_638 = vector.shape_cast %get3A_637 : vector<1x16xf32> to vector<16xf32>
        %mul3A_639 = vector.broadcast %squeeze3A_590 : f32 to vector<16xf32>
        %mul3A_640 = arith.mulf %get3A_638, %mul3A_639 : vector<16xf32>
        %swap3A_641 = arith.index_cast %add3A_588 : i32 to index
        %swap3A_642 = arith.constant 64 : index
        %swap3A_643 = tpu.vector_load %arg11[%swap3A_641, %swap3A_642] {strides = array<i32>} : memref<256x128xf32, #tpu.memory_space<vmem>>, vector<1x16xf32>,
        %swap3A_644 = vector.shape_cast %swap3A_643 : vector<1x16xf32> to vector<16xf32>
        %swap3A_645 = vector.shape_cast %mul3A_640 : vector<16xf32> to vector<1x16xf32>
        tpu.vector_store %arg11[%swap3A_641, %swap3A_642], %swap3A_645 {strides = array<i32>} : memref<256x128xf32, #tpu.memory_space<vmem>>, vector<1x16xf32>,
        %get3A_646 = arith.index_cast %add3A_588 : i32 to index
        %get3A_647 = arith.constant 80 : index
        %get3A_648 = tpu.vector_load %arg11[%get3A_646, %get3A_647] {strides = array<i32>} : memref<256x128xf32, #tpu.memory_space<vmem>>, vector<1x16xf32>,
        %get3A_649 = vector.shape_cast %get3A_648 : vector<1x16xf32> to vector<16xf32>
        %mul3A_650 = vector.broadcast %squeeze3A_590 : f32 to vector<16xf32>
        %mul3A_651 = arith.mulf %get3A_649, %mul3A_650 : vector<16xf32>
        %swap3A_652 = arith.index_cast %add3A_588 : i32 to index
        %swap3A_653 = arith.constant 80 : index
        %swap3A_654 = tpu.vector_load %arg11[%swap3A_652, %swap3A_653] {strides = array<i32>} : memref<256x128xf32, #tpu.memory_space<vmem>>, vector<1x16xf32>,
        %swap3A_655 = vector.shape_cast %swap3A_654 : vector<1x16xf32> to vector<16xf32>
        %swap3A_656 = vector.shape_cast %mul3A_651 : vector<16xf32> to vector<1x16xf32>
        tpu.vector_store %arg11[%swap3A_652, %swap3A_653], %swap3A_656 {strides = array<i32>} : memref<256x128xf32, #tpu.memory_space<vmem>>, vector<1x16xf32>,
        %get3A_657 = arith.index_cast %add3A_588 : i32 to index
        %get3A_658 = arith.constant 96 : index
        %get3A_659 = tpu.vector_load %arg11[%get3A_657, %get3A_658] {strides = array<i32>} : memref<256x128xf32, #tpu.memory_space<vmem>>, vector<1x16xf32>,
        %get3A_660 = vector.shape_cast %get3A_659 : vector<1x16xf32> to vector<16xf32>
        %mul3A_661 = vector.broadcast %squeeze3A_590 : f32 to vector<16xf32>
        %mul3A_662 = arith.mulf %get3A_660, %mul3A_661 : vector<16xf32>
        %swap3A_663 = arith.index_cast %add3A_588 : i32 to index
        %swap3A_664 = arith.constant 96 : index
        %swap3A_665 = tpu.vector_load %arg11[%swap3A_663, %swap3A_664] {strides = array<i32>} : memref<256x128xf32, #tpu.memory_space<vmem>>, vector<1x16xf32>,
        %swap3A_666 = vector.shape_cast %swap3A_665 : vector<1x16xf32> to vector<16xf32>
        %swap3A_667 = vector.shape_cast %mul3A_662 : vector<16xf32> to vector<1x16xf32>
        tpu.vector_store %arg11[%swap3A_663, %swap3A_664], %swap3A_667 {strides = array<i32>} : memref<256x128xf32, #tpu.memory_space<vmem>>, vector<1x16xf32>,
        %get3A_668 = arith.index_cast %add3A_588 : i32 to index
        %get3A_669 = arith.constant 112 : index
        %get3A_670 = tpu.vector_load %arg11[%get3A_668, %get3A_669] {strides = array<i32>} : memref<256x128xf32, #tpu.memory_space<vmem>>, vector<1x16xf32>,
        %get3A_671 = vector.shape_cast %get3A_670 : vector<1x16xf32> to vector<16xf32>
        %mul3A_672 = vector.broadcast %squeeze3A_590 : f32 to vector<16xf32>
        %mul3A_673 = arith.mulf %get3A_671, %mul3A_672 : vector<16xf32>
        %swap3A_674 = arith.index_cast %add3A_588 : i32 to index
        %swap3A_675 = arith.constant 112 : index
        %swap3A_676 = tpu.vector_load %arg11[%swap3A_674, %swap3A_675] {strides = array<i32>} : memref<256x128xf32, #tpu.memory_space<vmem>>, vector<1x16xf32>,
        %swap3A_677 = vector.shape_cast %swap3A_676 : vector<1x16xf32> to vector<16xf32>
        %swap3A_678 = vector.shape_cast %mul3A_673 : vector<16xf32> to vector<1x16xf32>
        tpu.vector_store %arg11[%swap3A_674, %swap3A_675], %swap3A_678 {strides = array<i32>} : memref<256x128xf32, #tpu.memory_space<vmem>>, vector<1x16xf32>,
        %mul3A_679 = arith.constant 16 : i32
        %mul3A_680 = arith.muli %add3A_113, %mul3A_679 : i32
        %add3A_681 = arith.constant 6 : i32
        %add3A_682 = arith.addi %mul3A_680, %add3A_681 : i32
        %slice3A_683 = vector.extract_strided_slice %get3A_117 {offsets = [6], sizes = [1], strides = [1]} : vector<16xf32> to vector<1xf32>
        %squeeze3A_684 = vector.extract %slice3A_683[0] : f32 from vector<1xf32>
        %get3A_685 = arith.index_cast %add3A_682 : i32 to index
        %get3A_686 = arith.constant 0 : index
        %get3A_687 = tpu.vector_load %arg11[%get3A_685, %get3A_686] {strides = array<i32>} : memref<256x128xf32, #tpu.memory_space<vmem>>, vector<1x16xf32>,
        %get3A_688 = vector.shape_cast %get3A_687 : vector<1x16xf32> to vector<16xf32>
        %mul3A_689 = vector.broadcast %squeeze3A_684 : f32 to vector<16xf32>
        %mul3A_690 = arith.mulf %get3A_688, %mul3A_689 : vector<16xf32>
        %swap3A_691 = arith.index_cast %add3A_682 : i32 to index
        %swap3A_692 = arith.constant 0 : index
        %swap3A_693 = tpu.vector_load %arg11[%swap3A_691, %swap3A_692] {strides = array<i32>} : memref<256x128xf32, #tpu.memory_space<vmem>>, vector<1x16xf32>,
        %swap3A_694 = vector.shape_cast %swap3A_693 : vector<1x16xf32> to vector<16xf32>
        %swap3A_695 = vector.shape_cast %mul3A_690 : vector<16xf32> to vector<1x16xf32>
        tpu.vector_store %arg11[%swap3A_691, %swap3A_692], %swap3A_695 {strides = array<i32>} : memref<256x128xf32, #tpu.memory_space<vmem>>, vector<1x16xf32>,
        %get3A_696 = arith.index_cast %add3A_682 : i32 to index
        %get3A_697 = arith.constant 16 : index
        %get3A_698 = tpu.vector_load %arg11[%get3A_696, %get3A_697] {strides = array<i32>} : memref<256x128xf32, #tpu.memory_space<vmem>>, vector<1x16xf32>,
        %get3A_699 = vector.shape_cast %get3A_698 : vector<1x16xf32> to vector<16xf32>
        %mul3A_700 = vector.broadcast %squeeze3A_684 : f32 to vector<16xf32>
        %mul3A_701 = arith.mulf %get3A_699, %mul3A_700 : vector<16xf32>
        %swap3A_702 = arith.index_cast %add3A_682 : i32 to index
        %swap3A_703 = arith.constant 16 : index
        %swap3A_704 = tpu.vector_load %arg11[%swap3A_702, %swap3A_703] {strides = array<i32>} : memref<256x128xf32, #tpu.memory_space<vmem>>, vector<1x16xf32>,
        %swap3A_705 = vector.shape_cast %swap3A_704 : vector<1x16xf32> to vector<16xf32>
        %swap3A_706 = vector.shape_cast %mul3A_701 : vector<16xf32> to vector<1x16xf32>
        tpu.vector_store %arg11[%swap3A_702, %swap3A_703], %swap3A_706 {strides = array<i32>} : memref<256x128xf32, #tpu.memory_space<vmem>>, vector<1x16xf32>,
        %get3A_707 = arith.index_cast %add3A_682 : i32 to index
        %get3A_708 = arith.constant 32 : index
        %get3A_709 = tpu.vector_load %arg11[%get3A_707, %get3A_708] {strides = array<i32>} : memref<256x128xf32, #tpu.memory_space<vmem>>, vector<1x16xf32>,
        %get3A_710 = vector.shape_cast %get3A_709 : vector<1x16xf32> to vector<16xf32>
        %mul3A_711 = vector.broadcast %squeeze3A_684 : f32 to vector<16xf32>
        %mul3A_712 = arith.mulf %get3A_710, %mul3A_711 : vector<16xf32>
        %swap3A_713 = arith.index_cast %add3A_682 : i32 to index
        %swap3A_714 = arith.constant 32 : index
        %swap3A_715 = tpu.vector_load %arg11[%swap3A_713, %swap3A_714] {strides = array<i32>} : memref<256x128xf32, #tpu.memory_space<vmem>>, vector<1x16xf32>,
        %swap3A_716 = vector.shape_cast %swap3A_715 : vector<1x16xf32> to vector<16xf32>
        %swap3A_717 = vector.shape_cast %mul3A_712 : vector<16xf32> to vector<1x16xf32>
        tpu.vector_store %arg11[%swap3A_713, %swap3A_714], %swap3A_717 {strides = array<i32>} : memref<256x128xf32, #tpu.memory_space<vmem>>, vector<1x16xf32>,
        %get3A_718 = arith.index_cast %add3A_682 : i32 to index
        %get3A_719 = arith.constant 48 : index
        %get3A_720 = tpu.vector_load %arg11[%get3A_718, %get3A_719] {strides = array<i32>} : memref<256x128xf32, #tpu.memory_space<vmem>>, vector<1x16xf32>,
        %get3A_721 = vector.shape_cast %get3A_720 : vector<1x16xf32> to vector<16xf32>
        %mul3A_722 = vector.broadcast %squeeze3A_684 : f32 to vector<16xf32>
        %mul3A_723 = arith.mulf %get3A_721, %mul3A_722 : vector<16xf32>
        %swap3A_724 = arith.index_cast %add3A_682 : i32 to index
        %swap3A_725 = arith.constant 48 : index
        %swap3A_726 = tpu.vector_load %arg11[%swap3A_724, %swap3A_725] {strides = array<i32>} : memref<256x128xf32, #tpu.memory_space<vmem>>, vector<1x16xf32>,
        %swap3A_727 = vector.shape_cast %swap3A_726 : vector<1x16xf32> to vector<16xf32>
        %swap3A_728 = vector.shape_cast %mul3A_723 : vector<16xf32> to vector<1x16xf32>
        tpu.vector_store %arg11[%swap3A_724, %swap3A_725], %swap3A_728 {strides = array<i32>} : memref<256x128xf32, #tpu.memory_space<vmem>>, vector<1x16xf32>,
        %get3A_729 = arith.index_cast %add3A_682 : i32 to index
        %get3A_730 = arith.constant 64 : index
        %get3A_731 = tpu.vector_load %arg11[%get3A_729, %get3A_730] {strides = array<i32>} : memref<256x128xf32, #tpu.memory_space<vmem>>, vector<1x16xf32>,
        %get3A_732 = vector.shape_cast %get3A_731 : vector<1x16xf32> to vector<16xf32>
        %mul3A_733 = vector.broadcast %squeeze3A_684 : f32 to vector<16xf32>
        %mul3A_734 = arith.mulf %get3A_732, %mul3A_733 : vector<16xf32>
        %swap3A_735 = arith.index_cast %add3A_682 : i32 to index
        %swap3A_736 = arith.constant 64 : index
        %swap3A_737 = tpu.vector_load %arg11[%swap3A_735, %swap3A_736] {strides = array<i32>} : memref<256x128xf32, #tpu.memory_space<vmem>>, vector<1x16xf32>,
        %swap3A_738 = vector.shape_cast %swap3A_737 : vector<1x16xf32> to vector<16xf32>
        %swap3A_739 = vector.shape_cast %mul3A_734 : vector<16xf32> to vector<1x16xf32>
        tpu.vector_store %arg11[%swap3A_735, %swap3A_736], %swap3A_739 {strides = array<i32>} : memref<256x128xf32, #tpu.memory_space<vmem>>, vector<1x16xf32>,
        %get3A_740 = arith.index_cast %add3A_682 : i32 to index
        %get3A_741 = arith.constant 80 : index
        %get3A_742 = tpu.vector_load %arg11[%get3A_740, %get3A_741] {strides = array<i32>} : memref<256x128xf32, #tpu.memory_space<vmem>>, vector<1x16xf32>,
        %get3A_743 = vector.shape_cast %get3A_742 : vector<1x16xf32> to vector<16xf32>
        %mul3A_744 = vector.broadcast %squeeze3A_684 : f32 to vector<16xf32>
        %mul3A_745 = arith.mulf %get3A_743, %mul3A_744 : vector<16xf32>
        %swap3A_746 = arith.index_cast %add3A_682 : i32 to index
        %swap3A_747 = arith.constant 80 : index
        %swap3A_748 = tpu.vector_load %arg11[%swap3A_746, %swap3A_747] {strides = array<i32>} : memref<256x128xf32, #tpu.memory_space<vmem>>, vector<1x16xf32>,
        %swap3A_749 = vector.shape_cast %swap3A_748 : vector<1x16xf32> to vector<16xf32>
        %swap3A_750 = vector.shape_cast %mul3A_745 : vector<16xf32> to vector<1x16xf32>
        tpu.vector_store %arg11[%swap3A_746, %swap3A_747], %swap3A_750 {strides = array<i32>} : memref<256x128xf32, #tpu.memory_space<vmem>>, vector<1x16xf32>,
        %get3A_751 = arith.index_cast %add3A_682 : i32 to index
        %get3A_752 = arith.constant 96 : index
        %get3A_753 = tpu.vector_load %arg11[%get3A_751, %get3A_752] {strides = array<i32>} : memref<256x128xf32, #tpu.memory_space<vmem>>, vector<1x16xf32>,
        %get3A_754 = vector.shape_cast %get3A_753 : vector<1x16xf32> to vector<16xf32>
        %mul3A_755 = vector.broadcast %squeeze3A_684 : f32 to vector<16xf32>
        %mul3A_756 = arith.mulf %get3A_754, %mul3A_755 : vector<16xf32>
        %swap3A_757 = arith.index_cast %add3A_682 : i32 to index
        %swap3A_758 = arith.constant 96 : index
        %swap3A_759 = tpu.vector_load %arg11[%swap3A_757, %swap3A_758] {strides = array<i32>} : memref<256x128xf32, #tpu.memory_space<vmem>>, vector<1x16xf32>,
        %swap3A_760 = vector.shape_cast %swap3A_759 : vector<1x16xf32> to vector<16xf32>
        %swap3A_761 = vector.shape_cast %mul3A_756 : vector<16xf32> to vector<1x16xf32>
        tpu.vector_store %arg11[%swap3A_757, %swap3A_758], %swap3A_761 {strides = array<i32>} : memref<256x128xf32, #tpu.memory_space<vmem>>, vector<1x16xf32>,
        %get3A_762 = arith.index_cast %add3A_682 : i32 to index
        %get3A_763 = arith.constant 112 : index
        %get3A_764 = tpu.vector_load %arg11[%get3A_762, %get3A_763] {strides = array<i32>} : memref<256x128xf32, #tpu.memory_space<vmem>>, vector<1x16xf32>,
        %get3A_765 = vector.shape_cast %get3A_764 : vector<1x16xf32> to vector<16xf32>
        %mul3A_766 = vector.broadcast %squeeze3A_684 : f32 to vector<16xf32>
        %mul3A_767 = arith.mulf %get3A_765, %mul3A_766 : vector<16xf32>
        %swap3A_768 = arith.index_cast %add3A_682 : i32 to index
        %swap3A_769 = arith.constant 112 : index
        %swap3A_770 = tpu.vector_load %arg11[%swap3A_768, %swap3A_769] {strides = array<i32>} : memref<256x128xf32, #tpu.memory_space<vmem>>, vector<1x16xf32>,
        %swap3A_771 = vector.shape_cast %swap3A_770 : vector<1x16xf32> to vector<16xf32>
        %swap3A_772 = vector.shape_cast %mul3A_767 : vector<16xf32> to vector<1x16xf32>
        tpu.vector_store %arg11[%swap3A_768, %swap3A_769], %swap3A_772 {strides = array<i32>} : memref<256x128xf32, #tpu.memory_space<vmem>>, vector<1x16xf32>,
        %mul3A_773 = arith.constant 16 : i32
        %mul3A_774 = arith.muli %add3A_113, %mul3A_773 : i32
        %add3A_775 = arith.constant 7 : i32
        %add3A_776 = arith.addi %mul3A_774, %add3A_775 : i32
        %slice3A_777 = vector.extract_strided_slice %get3A_117 {offsets = [7], sizes = [1], strides = [1]} : vector<16xf32> to vector<1xf32>
        %squeeze3A_778 = vector.extract %slice3A_777[0] : f32 from vector<1xf32>
        %get3A_779 = arith.index_cast %add3A_776 : i32 to index
        %get3A_780 = arith.constant 0 : index
        %get3A_781 = tpu.vector_load %arg11[%get3A_779, %get3A_780] {strides = array<i32>} : memref<256x128xf32, #tpu.memory_space<vmem>>, vector<1x16xf32>,
        %get3A_782 = vector.shape_cast %get3A_781 : vector<1x16xf32> to vector<16xf32>
        %mul3A_783 = vector.broadcast %squeeze3A_778 : f32 to vector<16xf32>
        %mul3A_784 = arith.mulf %get3A_782, %mul3A_783 : vector<16xf32>
        %swap3A_785 = arith.index_cast %add3A_776 : i32 to index
        %swap3A_786 = arith.constant 0 : index
        %swap3A_787 = tpu.vector_load %arg11[%swap3A_785, %swap3A_786] {strides = array<i32>} : memref<256x128xf32, #tpu.memory_space<vmem>>, vector<1x16xf32>,
        %swap3A_788 = vector.shape_cast %swap3A_787 : vector<1x16xf32> to vector<16xf32>
        %swap3A_789 = vector.shape_cast %mul3A_784 : vector<16xf32> to vector<1x16xf32>
        tpu.vector_store %arg11[%swap3A_785, %swap3A_786], %swap3A_789 {strides = array<i32>} : memref<256x128xf32, #tpu.memory_space<vmem>>, vector<1x16xf32>,
        %get3A_790 = arith.index_cast %add3A_776 : i32 to index
        %get3A_791 = arith.constant 16 : index
        %get3A_792 = tpu.vector_load %arg11[%get3A_790, %get3A_791] {strides = array<i32>} : memref<256x128xf32, #tpu.memory_space<vmem>>, vector<1x16xf32>,
        %get3A_793 = vector.shape_cast %get3A_792 : vector<1x16xf32> to vector<16xf32>
        %mul3A_794 = vector.broadcast %squeeze3A_778 : f32 to vector<16xf32>
        %mul3A_795 = arith.mulf %get3A_793, %mul3A_794 : vector<16xf32>
        %swap3A_796 = arith.index_cast %add3A_776 : i32 to index
        %swap3A_797 = arith.constant 16 : index
        %swap3A_798 = tpu.vector_load %arg11[%swap3A_796, %swap3A_797] {strides = array<i32>} : memref<256x128xf32, #tpu.memory_space<vmem>>, vector<1x16xf32>,
        %swap3A_799 = vector.shape_cast %swap3A_798 : vector<1x16xf32> to vector<16xf32>
        %swap3A_800 = vector.shape_cast %mul3A_795 : vector<16xf32> to vector<1x16xf32>
        tpu.vector_store %arg11[%swap3A_796, %swap3A_797], %swap3A_800 {strides = array<i32>} : memref<256x128xf32, #tpu.memory_space<vmem>>, vector<1x16xf32>,
        %get3A_801 = arith.index_cast %add3A_776 : i32 to index
        %get3A_802 = arith.constant 32 : index
        %get3A_803 = tpu.vector_load %arg11[%get3A_801, %get3A_802] {strides = array<i32>} : memref<256x128xf32, #tpu.memory_space<vmem>>, vector<1x16xf32>,
        %get3A_804 = vector.shape_cast %get3A_803 : vector<1x16xf32> to vector<16xf32>
        %mul3A_805 = vector.broadcast %squeeze3A_778 : f32 to vector<16xf32>
        %mul3A_806 = arith.mulf %get3A_804, %mul3A_805 : vector<16xf32>
        %swap3A_807 = arith.index_cast %add3A_776 : i32 to index
        %swap3A_808 = arith.constant 32 : index
        %swap3A_809 = tpu.vector_load %arg11[%swap3A_807, %swap3A_808] {strides = array<i32>} : memref<256x128xf32, #tpu.memory_space<vmem>>, vector<1x16xf32>,
        %swap3A_810 = vector.shape_cast %swap3A_809 : vector<1x16xf32> to vector<16xf32>
        %swap3A_811 = vector.shape_cast %mul3A_806 : vector<16xf32> to vector<1x16xf32>
        tpu.vector_store %arg11[%swap3A_807, %swap3A_808], %swap3A_811 {strides = array<i32>} : memref<256x128xf32, #tpu.memory_space<vmem>>, vector<1x16xf32>,
        %get3A_812 = arith.index_cast %add3A_776 : i32 to index
        %get3A_813 = arith.constant 48 : index
        %get3A_814 = tpu.vector_load %arg11[%get3A_812, %get3A_813] {strides = array<i32>} : memref<256x128xf32, #tpu.memory_space<vmem>>, vector<1x16xf32>,
        %get3A_815 = vector.shape_cast %get3A_814 : vector<1x16xf32> to vector<16xf32>
        %mul3A_816 = vector.broadcast %squeeze3A_778 : f32 to vector<16xf32>
        %mul3A_817 = arith.mulf %get3A_815, %mul3A_816 : vector<16xf32>
        %swap3A_818 = arith.index_cast %add3A_776 : i32 to index
        %swap3A_819 = arith.constant 48 : index
        %swap3A_820 = tpu.vector_load %arg11[%swap3A_818, %swap3A_819] {strides = array<i32>} : memref<256x128xf32, #tpu.memory_space<vmem>>, vector<1x16xf32>,
        %swap3A_821 = vector.shape_cast %swap3A_820 : vector<1x16xf32> to vector<16xf32>
        %swap3A_822 = vector.shape_cast %mul3A_817 : vector<16xf32> to vector<1x16xf32>
        tpu.vector_store %arg11[%swap3A_818, %swap3A_819], %swap3A_822 {strides = array<i32>} : memref<256x128xf32, #tpu.memory_space<vmem>>, vector<1x16xf32>,
        %get3A_823 = arith.index_cast %add3A_776 : i32 to index
        %get3A_824 = arith.constant 64 : index
        %get3A_825 = tpu.vector_load %arg11[%get3A_823, %get3A_824] {strides = array<i32>} : memref<256x128xf32, #tpu.memory_space<vmem>>, vector<1x16xf32>,
        %get3A_826 = vector.shape_cast %get3A_825 : vector<1x16xf32> to vector<16xf32>
        %mul3A_827 = vector.broadcast %squeeze3A_778 : f32 to vector<16xf32>
        %mul3A_828 = arith.mulf %get3A_826, %mul3A_827 : vector<16xf32>
        %swap3A_829 = arith.index_cast %add3A_776 : i32 to index
        %swap3A_830 = arith.constant 64 : index
        %swap3A_831 = tpu.vector_load %arg11[%swap3A_829, %swap3A_830] {strides = array<i32>} : memref<256x128xf32, #tpu.memory_space<vmem>>, vector<1x16xf32>,
        %swap3A_832 = vector.shape_cast %swap3A_831 : vector<1x16xf32> to vector<16xf32>
        %swap3A_833 = vector.shape_cast %mul3A_828 : vector<16xf32> to vector<1x16xf32>
        tpu.vector_store %arg11[%swap3A_829, %swap3A_830], %swap3A_833 {strides = array<i32>} : memref<256x128xf32, #tpu.memory_space<vmem>>, vector<1x16xf32>,
        %get3A_834 = arith.index_cast %add3A_776 : i32 to index
        %get3A_835 = arith.constant 80 : index
        %get3A_836 = tpu.vector_load %arg11[%get3A_834, %get3A_835] {strides = array<i32>} : memref<256x128xf32, #tpu.memory_space<vmem>>, vector<1x16xf32>,
        %get3A_837 = vector.shape_cast %get3A_836 : vector<1x16xf32> to vector<16xf32>
        %mul3A_838 = vector.broadcast %squeeze3A_778 : f32 to vector<16xf32>
        %mul3A_839 = arith.mulf %get3A_837, %mul3A_838 : vector<16xf32>
        %swap3A_840 = arith.index_cast %add3A_776 : i32 to index
        %swap3A_841 = arith.constant 80 : index
        %swap3A_842 = tpu.vector_load %arg11[%swap3A_840, %swap3A_841] {strides = array<i32>} : memref<256x128xf32, #tpu.memory_space<vmem>>, vector<1x16xf32>,
        %swap3A_843 = vector.shape_cast %swap3A_842 : vector<1x16xf32> to vector<16xf32>
        %swap3A_844 = vector.shape_cast %mul3A_839 : vector<16xf32> to vector<1x16xf32>
        tpu.vector_store %arg11[%swap3A_840, %swap3A_841], %swap3A_844 {strides = array<i32>} : memref<256x128xf32, #tpu.memory_space<vmem>>, vector<1x16xf32>,
        %get3A_845 = arith.index_cast %add3A_776 : i32 to index
        %get3A_846 = arith.constant 96 : index
        %get3A_847 = tpu.vector_load %arg11[%get3A_845, %get3A_846] {strides = array<i32>} : memref<256x128xf32, #tpu.memory_space<vmem>>, vector<1x16xf32>,
        %get3A_848 = vector.shape_cast %get3A_847 : vector<1x16xf32> to vector<16xf32>
        %mul3A_849 = vector.broadcast %squeeze3A_778 : f32 to vector<16xf32>
        %mul3A_850 = arith.mulf %get3A_848, %mul3A_849 : vector<16xf32>
        %swap3A_851 = arith.index_cast %add3A_776 : i32 to index
        %swap3A_852 = arith.constant 96 : index
        %swap3A_853 = tpu.vector_load %arg11[%swap3A_851, %swap3A_852] {strides = array<i32>} : memref<256x128xf32, #tpu.memory_space<vmem>>, vector<1x16xf32>,
        %swap3A_854 = vector.shape_cast %swap3A_853 : vector<1x16xf32> to vector<16xf32>
        %swap3A_855 = vector.shape_cast %mul3A_850 : vector<16xf32> to vector<1x16xf32>
        tpu.vector_store %arg11[%swap3A_851, %swap3A_852], %swap3A_855 {strides = array<i32>} : memref<256x128xf32, #tpu.memory_space<vmem>>, vector<1x16xf32>,
        %get3A_856 = arith.index_cast %add3A_776 : i32 to index
        %get3A_857 = arith.constant 112 : index
        %get3A_858 = tpu.vector_load %arg11[%get3A_856, %get3A_857] {strides = array<i32>} : memref<256x128xf32, #tpu.memory_space<vmem>>, vector<1x16xf32>,
        %get3A_859 = vector.shape_cast %get3A_858 : vector<1x16xf32> to vector<16xf32>
        %mul3A_860 = vector.broadcast %squeeze3A_778 : f32 to vector<16xf32>
        %mul3A_861 = arith.mulf %get3A_859, %mul3A_860 : vector<16xf32>
        %swap3A_862 = arith.index_cast %add3A_776 : i32 to index
        %swap3A_863 = arith.constant 112 : index
        %swap3A_864 = tpu.vector_load %arg11[%swap3A_862, %swap3A_863] {strides = array<i32>} : memref<256x128xf32, #tpu.memory_space<vmem>>, vector<1x16xf32>,
        %swap3A_865 = vector.shape_cast %swap3A_864 : vector<1x16xf32> to vector<16xf32>
        %swap3A_866 = vector.shape_cast %mul3A_861 : vector<16xf32> to vector<1x16xf32>
        tpu.vector_store %arg11[%swap3A_862, %swap3A_863], %swap3A_866 {strides = array<i32>} : memref<256x128xf32, #tpu.memory_space<vmem>>, vector<1x16xf32>,
        %mul3A_867 = arith.constant 16 : i32
        %mul3A_868 = arith.muli %add3A_113, %mul3A_867 : i32
        %add3A_869 = arith.constant 8 : i32
        %add3A_870 = arith.addi %mul3A_868, %add3A_869 : i32
        %slice3A_871 = vector.extract_strided_slice %get3A_117 {offsets = [8], sizes = [1], strides = [1]} : vector<16xf32> to vector<1xf32>
        %squeeze3A_872 = vector.extract %slice3A_871[0] : f32 from vector<1xf32>
        %get3A_873 = arith.index_cast %add3A_870 : i32 to index
        %get3A_874 = arith.constant 0 : index
        %get3A_875 = tpu.vector_load %arg11[%get3A_873, %get3A_874] {strides = array<i32>} : memref<256x128xf32, #tpu.memory_space<vmem>>, vector<1x16xf32>,
        %get3A_876 = vector.shape_cast %get3A_875 : vector<1x16xf32> to vector<16xf32>
        %mul3A_877 = vector.broadcast %squeeze3A_872 : f32 to vector<16xf32>
        %mul3A_878 = arith.mulf %get3A_876, %mul3A_877 : vector<16xf32>
        %swap3A_879 = arith.index_cast %add3A_870 : i32 to index
        %swap3A_880 = arith.constant 0 : index
        %swap3A_881 = tpu.vector_load %arg11[%swap3A_879, %swap3A_880] {strides = array<i32>} : memref<256x128xf32, #tpu.memory_space<vmem>>, vector<1x16xf32>,
        %swap3A_882 = vector.shape_cast %swap3A_881 : vector<1x16xf32> to vector<16xf32>
        %swap3A_883 = vector.shape_cast %mul3A_878 : vector<16xf32> to vector<1x16xf32>
        tpu.vector_store %arg11[%swap3A_879, %swap3A_880], %swap3A_883 {strides = array<i32>} : memref<256x128xf32, #tpu.memory_space<vmem>>, vector<1x16xf32>,
        %get3A_884 = arith.index_cast %add3A_870 : i32 to index
        %get3A_885 = arith.constant 16 : index
        %get3A_886 = tpu.vector_load %arg11[%get3A_884, %get3A_885] {strides = array<i32>} : memref<256x128xf32, #tpu.memory_space<vmem>>, vector<1x16xf32>,
        %get3A_887 = vector.shape_cast %get3A_886 : vector<1x16xf32> to vector<16xf32>
        %mul3A_888 = vector.broadcast %squeeze3A_872 : f32 to vector<16xf32>
        %mul3A_889 = arith.mulf %get3A_887, %mul3A_888 : vector<16xf32>
        %swap3A_890 = arith.index_cast %add3A_870 : i32 to index
        %swap3A_891 = arith.constant 16 : index
        %swap3A_892 = tpu.vector_load %arg11[%swap3A_890, %swap3A_891] {strides = array<i32>} : memref<256x128xf32, #tpu.memory_space<vmem>>, vector<1x16xf32>,
        %swap3A_893 = vector.shape_cast %swap3A_892 : vector<1x16xf32> to vector<16xf32>
        %swap3A_894 = vector.shape_cast %mul3A_889 : vector<16xf32> to vector<1x16xf32>
        tpu.vector_store %arg11[%swap3A_890, %swap3A_891], %swap3A_894 {strides = array<i32>} : memref<256x128xf32, #tpu.memory_space<vmem>>, vector<1x16xf32>,
        %get3A_895 = arith.index_cast %add3A_870 : i32 to index
        %get3A_896 = arith.constant 32 : index
        %get3A_897 = tpu.vector_load %arg11[%get3A_895, %get3A_896] {strides = array<i32>} : memref<256x128xf32, #tpu.memory_space<vmem>>, vector<1x16xf32>,
        %get3A_898 = vector.shape_cast %get3A_897 : vector<1x16xf32> to vector<16xf32>
        %mul3A_899 = vector.broadcast %squeeze3A_872 : f32 to vector<16xf32>
        %mul3A_900 = arith.mulf %get3A_898, %mul3A_899 : vector<16xf32>
        %swap3A_901 = arith.index_cast %add3A_870 : i32 to index
        %swap3A_902 = arith.constant 32 : index
        %swap3A_903 = tpu.vector_load %arg11[%swap3A_901, %swap3A_902] {strides = array<i32>} : memref<256x128xf32, #tpu.memory_space<vmem>>, vector<1x16xf32>,
        %swap3A_904 = vector.shape_cast %swap3A_903 : vector<1x16xf32> to vector<16xf32>
        %swap3A_905 = vector.shape_cast %mul3A_900 : vector<16xf32> to vector<1x16xf32>
        tpu.vector_store %arg11[%swap3A_901, %swap3A_902], %swap3A_905 {strides = array<i32>} : memref<256x128xf32, #tpu.memory_space<vmem>>, vector<1x16xf32>,
        %get3A_906 = arith.index_cast %add3A_870 : i32 to index
        %get3A_907 = arith.constant 48 : index
        %get3A_908 = tpu.vector_load %arg11[%get3A_906, %get3A_907] {strides = array<i32>} : memref<256x128xf32, #tpu.memory_space<vmem>>, vector<1x16xf32>,
        %get3A_909 = vector.shape_cast %get3A_908 : vector<1x16xf32> to vector<16xf32>
        %mul3A_910 = vector.broadcast %squeeze3A_872 : f32 to vector<16xf32>
        %mul3A_911 = arith.mulf %get3A_909, %mul3A_910 : vector<16xf32>
        %swap3A_912 = arith.index_cast %add3A_870 : i32 to index
        %swap3A_913 = arith.constant 48 : index
        %swap3A_914 = tpu.vector_load %arg11[%swap3A_912, %swap3A_913] {strides = array<i32>} : memref<256x128xf32, #tpu.memory_space<vmem>>, vector<1x16xf32>,
        %swap3A_915 = vector.shape_cast %swap3A_914 : vector<1x16xf32> to vector<16xf32>
        %swap3A_916 = vector.shape_cast %mul3A_911 : vector<16xf32> to vector<1x16xf32>
        tpu.vector_store %arg11[%swap3A_912, %swap3A_913], %swap3A_916 {strides = array<i32>} : memref<256x128xf32, #tpu.memory_space<vmem>>, vector<1x16xf32>,
        %get3A_917 = arith.index_cast %add3A_870 : i32 to index
        %get3A_918 = arith.constant 64 : index
        %get3A_919 = tpu.vector_load %arg11[%get3A_917, %get3A_918] {strides = array<i32>} : memref<256x128xf32, #tpu.memory_space<vmem>>, vector<1x16xf32>,
        %get3A_920 = vector.shape_cast %get3A_919 : vector<1x16xf32> to vector<16xf32>
        %mul3A_921 = vector.broadcast %squeeze3A_872 : f32 to vector<16xf32>
        %mul3A_922 = arith.mulf %get3A_920, %mul3A_921 : vector<16xf32>
        %swap3A_923 = arith.index_cast %add3A_870 : i32 to index
        %swap3A_924 = arith.constant 64 : index
        %swap3A_925 = tpu.vector_load %arg11[%swap3A_923, %swap3A_924] {strides = array<i32>} : memref<256x128xf32, #tpu.memory_space<vmem>>, vector<1x16xf32>,
        %swap3A_926 = vector.shape_cast %swap3A_925 : vector<1x16xf32> to vector<16xf32>
        %swap3A_927 = vector.shape_cast %mul3A_922 : vector<16xf32> to vector<1x16xf32>
        tpu.vector_store %arg11[%swap3A_923, %swap3A_924], %swap3A_927 {strides = array<i32>} : memref<256x128xf32, #tpu.memory_space<vmem>>, vector<1x16xf32>,
        %get3A_928 = arith.index_cast %add3A_870 : i32 to index
        %get3A_929 = arith.constant 80 : index
        %get3A_930 = tpu.vector_load %arg11[%get3A_928, %get3A_929] {strides = array<i32>} : memref<256x128xf32, #tpu.memory_space<vmem>>, vector<1x16xf32>,
        %get3A_931 = vector.shape_cast %get3A_930 : vector<1x16xf32> to vector<16xf32>
        %mul3A_932 = vector.broadcast %squeeze3A_872 : f32 to vector<16xf32>
        %mul3A_933 = arith.mulf %get3A_931, %mul3A_932 : vector<16xf32>
        %swap3A_934 = arith.index_cast %add3A_870 : i32 to index
        %swap3A_935 = arith.constant 80 : index
        %swap3A_936 = tpu.vector_load %arg11[%swap3A_934, %swap3A_935] {strides = array<i32>} : memref<256x128xf32, #tpu.memory_space<vmem>>, vector<1x16xf32>,
        %swap3A_937 = vector.shape_cast %swap3A_936 : vector<1x16xf32> to vector<16xf32>
        %swap3A_938 = vector.shape_cast %mul3A_933 : vector<16xf32> to vector<1x16xf32>
        tpu.vector_store %arg11[%swap3A_934, %swap3A_935], %swap3A_938 {strides = array<i32>} : memref<256x128xf32, #tpu.memory_space<vmem>>, vector<1x16xf32>,
        %get3A_939 = arith.index_cast %add3A_870 : i32 to index
        %get3A_940 = arith.constant 96 : index
        %get3A_941 = tpu.vector_load %arg11[%get3A_939, %get3A_940] {strides = array<i32>} : memref<256x128xf32, #tpu.memory_space<vmem>>, vector<1x16xf32>,
        %get3A_942 = vector.shape_cast %get3A_941 : vector<1x16xf32> to vector<16xf32>
        %mul3A_943 = vector.broadcast %squeeze3A_872 : f32 to vector<16xf32>
        %mul3A_944 = arith.mulf %get3A_942, %mul3A_943 : vector<16xf32>
        %swap3A_945 = arith.index_cast %add3A_870 : i32 to index
        %swap3A_946 = arith.constant 96 : index
        %swap3A_947 = tpu.vector_load %arg11[%swap3A_945, %swap3A_946] {strides = array<i32>} : memref<256x128xf32, #tpu.memory_space<vmem>>, vector<1x16xf32>,
        %swap3A_948 = vector.shape_cast %swap3A_947 : vector<1x16xf32> to vector<16xf32>
        %swap3A_949 = vector.shape_cast %mul3A_944 : vector<16xf32> to vector<1x16xf32>
        tpu.vector_store %arg11[%swap3A_945, %swap3A_946], %swap3A_949 {strides = array<i32>} : memref<256x128xf32, #tpu.memory_space<vmem>>, vector<1x16xf32>,
        %get3A_950 = arith.index_cast %add3A_870 : i32 to index
        %get3A_951 = arith.constant 112 : index
        %get3A_952 = tpu.vector_load %arg11[%get3A_950, %get3A_951] {strides = array<i32>} : memref<256x128xf32, #tpu.memory_space<vmem>>, vector<1x16xf32>,
        %get3A_953 = vector.shape_cast %get3A_952 : vector<1x16xf32> to vector<16xf32>
        %mul3A_954 = vector.broadcast %squeeze3A_872 : f32 to vector<16xf32>
        %mul3A_955 = arith.mulf %get3A_953, %mul3A_954 : vector<16xf32>
        %swap3A_956 = arith.index_cast %add3A_870 : i32 to index
        %swap3A_957 = arith.constant 112 : index
        %swap3A_958 = tpu.vector_load %arg11[%swap3A_956, %swap3A_957] {strides = array<i32>} : memref<256x128xf32, #tpu.memory_space<vmem>>, vector<1x16xf32>,
        %swap3A_959 = vector.shape_cast %swap3A_958 : vector<1x16xf32> to vector<16xf32>
        %swap3A_960 = vector.shape_cast %mul3A_955 : vector<16xf32> to vector<1x16xf32>
        tpu.vector_store %arg11[%swap3A_956, %swap3A_957], %swap3A_960 {strides = array<i32>} : memref<256x128xf32, #tpu.memory_space<vmem>>, vector<1x16xf32>,
        %mul3A_961 = arith.constant 16 : i32
        %mul3A_962 = arith.muli %add3A_113, %mul3A_961 : i32
        %add3A_963 = arith.constant 9 : i32
        %add3A_964 = arith.addi %mul3A_962, %add3A_963 : i32
        %slice3A_965 = vector.extract_strided_slice %get3A_117 {offsets = [9], sizes = [1], strides = [1]} : vector<16xf32> to vector<1xf32>
        %squeeze3A_966 = vector.extract %slice3A_965[0] : f32 from vector<1xf32>
        %get3A_967 = arith.index_cast %add3A_964 : i32 to index
        %get3A_968 = arith.constant 0 : index
        %get3A_969 = tpu.vector_load %arg11[%get3A_967, %get3A_968] {strides = array<i32>} : memref<256x128xf32, #tpu.memory_space<vmem>>, vector<1x16xf32>,
        %get3A_970 = vector.shape_cast %get3A_969 : vector<1x16xf32> to vector<16xf32>
        %mul3A_971 = vector.broadcast %squeeze3A_966 : f32 to vector<16xf32>
        %mul3A_972 = arith.mulf %get3A_970, %mul3A_971 : vector<16xf32>
        %swap3A_973 = arith.index_cast %add3A_964 : i32 to index
        %swap3A_974 = arith.constant 0 : index
        %swap3A_975 = tpu.vector_load %arg11[%swap3A_973, %swap3A_974] {strides = array<i32>} : memref<256x128xf32, #tpu.memory_space<vmem>>, vector<1x16xf32>,
        %swap3A_976 = vector.shape_cast %swap3A_975 : vector<1x16xf32> to vector<16xf32>
        %swap3A_977 = vector.shape_cast %mul3A_972 : vector<16xf32> to vector<1x16xf32>
        tpu.vector_store %arg11[%swap3A_973, %swap3A_974], %swap3A_977 {strides = array<i32>} : memref<256x128xf32, #tpu.memory_space<vmem>>, vector<1x16xf32>,
        %get3A_978 = arith.index_cast %add3A_964 : i32 to index
        %get3A_979 = arith.constant 16 : index
        %get3A_980 = tpu.vector_load %arg11[%get3A_978, %get3A_979] {strides = array<i32>} : memref<256x128xf32, #tpu.memory_space<vmem>>, vector<1x16xf32>,
        %get3A_981 = vector.shape_cast %get3A_980 : vector<1x16xf32> to vector<16xf32>
        %mul3A_982 = vector.broadcast %squeeze3A_966 : f32 to vector<16xf32>
        %mul3A_983 = arith.mulf %get3A_981, %mul3A_982 : vector<16xf32>
        %swap3A_984 = arith.index_cast %add3A_964 : i32 to index
        %swap3A_985 = arith.constant 16 : index
        %swap3A_986 = tpu.vector_load %arg11[%swap3A_984, %swap3A_985] {strides = array<i32>} : memref<256x128xf32, #tpu.memory_space<vmem>>, vector<1x16xf32>,
        %swap3A_987 = vector.shape_cast %swap3A_986 : vector<1x16xf32> to vector<16xf32>
        %swap3A_988 = vector.shape_cast %mul3A_983 : vector<16xf32> to vector<1x16xf32>
        tpu.vector_store %arg11[%swap3A_984, %swap3A_985], %swap3A_988 {strides = array<i32>} : memref<256x128xf32, #tpu.memory_space<vmem>>, vector<1x16xf32>,
        %get3A_989 = arith.index_cast %add3A_964 : i32 to index
        %get3A_990 = arith.constant 32 : index
        %get3A_991 = tpu.vector_load %arg11[%get3A_989, %get3A_990] {strides = array<i32>} : memref<256x128xf32, #tpu.memory_space<vmem>>, vector<1x16xf32>,
        %get3A_992 = vector.shape_cast %get3A_991 : vector<1x16xf32> to vector<16xf32>
        %mul3A_993 = vector.broadcast %squeeze3A_966 : f32 to vector<16xf32>
        %mul3A_994 = arith.mulf %get3A_992, %mul3A_993 : vector<16xf32>
        %swap3A_995 = arith.index_cast %add3A_964 : i32 to index
        %swap3A_996 = arith.constant 32 : index
        %swap3A_997 = tpu.vector_load %arg11[%swap3A_995, %swap3A_996] {strides = array<i32>} : memref<256x128xf32, #tpu.memory_space<vmem>>, vector<1x16xf32>,
        %swap3A_998 = vector.shape_cast %swap3A_997 : vector<1x16xf32> to vector<16xf32>
        %swap3A_999 = vector.shape_cast %mul3A_994 : vector<16xf32> to vector<1x16xf32>
        tpu.vector_store %arg11[%swap3A_995, %swap3A_996], %swap3A_999 {strides = array<i32>} : memref<256x128xf32, #tpu.memory_space<vmem>>, vector<1x16xf32>,
        %get3A_1000 = arith.index_cast %add3A_964 : i32 to index
        %get3A_1001 = arith.constant 48 : index
        %get3A_1002 = tpu.vector_load %arg11[%get3A_1000, %get3A_1001] {strides = array<i32>} : memref<256x128xf32, #tpu.memory_space<vmem>>, vector<1x16xf32>,
        %get3A_1003 = vector.shape_cast %get3A_1002 : vector<1x16xf32> to vector<16xf32>
        %mul3A_1004 = vector.broadcast %squeeze3A_966 : f32 to vector<16xf32>
        %mul3A_1005 = arith.mulf %get3A_1003, %mul3A_1004 : vector<16xf32>
        %swap3A_1006 = arith.index_cast %add3A_964 : i32 to index
        %swap3A_1007 = arith.constant 48 : index
        %swap3A_1008 = tpu.vector_load %arg11[%swap3A_1006, %swap3A_1007] {strides = array<i32>} : memref<256x128xf32, #tpu.memory_space<vmem>>, vector<1x16xf32>,
        %swap3A_1009 = vector.shape_cast %swap3A_1008 : vector<1x16xf32> to vector<16xf32>
        %swap3A_1010 = vector.shape_cast %mul3A_1005 : vector<16xf32> to vector<1x16xf32>
        tpu.vector_store %arg11[%swap3A_1006, %swap3A_1007], %swap3A_1010 {strides = array<i32>} : memref<256x128xf32, #tpu.memory_space<vmem>>, vector<1x16xf32>,
        %get3A_1011 = arith.index_cast %add3A_964 : i32 to index
        %get3A_1012 = arith.constant 64 : index
        %get3A_1013 = tpu.vector_load %arg11[%get3A_1011, %get3A_1012] {strides = array<i32>} : memref<256x128xf32, #tpu.memory_space<vmem>>, vector<1x16xf32>,
        %get3A_1014 = vector.shape_cast %get3A_1013 : vector<1x16xf32> to vector<16xf32>
        %mul3A_1015 = vector.broadcast %squeeze3A_966 : f32 to vector<16xf32>
        %mul3A_1016 = arith.mulf %get3A_1014, %mul3A_1015 : vector<16xf32>
        %swap3A_1017 = arith.index_cast %add3A_964 : i32 to index
        %swap3A_1018 = arith.constant 64 : index
        %swap3A_1019 = tpu.vector_load %arg11[%swap3A_1017, %swap3A_1018] {strides = array<i32>} : memref<256x128xf32, #tpu.memory_space<vmem>>, vector<1x16xf32>,
        %swap3A_1020 = vector.shape_cast %swap3A_1019 : vector<1x16xf32> to vector<16xf32>
        %swap3A_1021 = vector.shape_cast %mul3A_1016 : vector<16xf32> to vector<1x16xf32>
        tpu.vector_store %arg11[%swap3A_1017, %swap3A_1018], %swap3A_1021 {strides = array<i32>} : memref<256x128xf32, #tpu.memory_space<vmem>>, vector<1x16xf32>,
        %get3A_1022 = arith.index_cast %add3A_964 : i32 to index
        %get3A_1023 = arith.constant 80 : index
        %get3A_1024 = tpu.vector_load %arg11[%get3A_1022, %get3A_1023] {strides = array<i32>} : memref<256x128xf32, #tpu.memory_space<vmem>>, vector<1x16xf32>,
        %get3A_1025 = vector.shape_cast %get3A_1024 : vector<1x16xf32> to vector<16xf32>
        %mul3A_1026 = vector.broadcast %squeeze3A_966 : f32 to vector<16xf32>
        %mul3A_1027 = arith.mulf %get3A_1025, %mul3A_1026 : vector<16xf32>
        %swap3A_1028 = arith.index_cast %add3A_964 : i32 to index
        %swap3A_1029 = arith.constant 80 : index
        %swap3A_1030 = tpu.vector_load %arg11[%swap3A_1028, %swap3A_1029] {strides = array<i32>} : memref<256x128xf32, #tpu.memory_space<vmem>>, vector<1x16xf32>,
        %swap3A_1031 = vector.shape_cast %swap3A_1030 : vector<1x16xf32> to vector<16xf32>
        %swap3A_1032 = vector.shape_cast %mul3A_1027 : vector<16xf32> to vector<1x16xf32>
        tpu.vector_store %arg11[%swap3A_1028, %swap3A_1029], %swap3A_1032 {strides = array<i32>} : memref<256x128xf32, #tpu.memory_space<vmem>>, vector<1x16xf32>,
        %get3A_1033 = arith.index_cast %add3A_964 : i32 to index
        %get3A_1034 = arith.constant 96 : index
        %get3A_1035 = tpu.vector_load %arg11[%get3A_1033, %get3A_1034] {strides = array<i32>} : memref<256x128xf32, #tpu.memory_space<vmem>>, vector<1x16xf32>,
        %get3A_1036 = vector.shape_cast %get3A_1035 : vector<1x16xf32> to vector<16xf32>
        %mul3A_1037 = vector.broadcast %squeeze3A_966 : f32 to vector<16xf32>
        %mul3A_1038 = arith.mulf %get3A_1036, %mul3A_1037 : vector<16xf32>
        %swap3A_1039 = arith.index_cast %add3A_964 : i32 to index
        %swap3A_1040 = arith.constant 96 : index
        %swap3A_1041 = tpu.vector_load %arg11[%swap3A_1039, %swap3A_1040] {strides = array<i32>} : memref<256x128xf32, #tpu.memory_space<vmem>>, vector<1x16xf32>,
        %swap3A_1042 = vector.shape_cast %swap3A_1041 : vector<1x16xf32> to vector<16xf32>
        %swap3A_1043 = vector.shape_cast %mul3A_1038 : vector<16xf32> to vector<1x16xf32>
        tpu.vector_store %arg11[%swap3A_1039, %swap3A_1040], %swap3A_1043 {strides = array<i32>} : memref<256x128xf32, #tpu.memory_space<vmem>>, vector<1x16xf32>,
        %get3A_1044 = arith.index_cast %add3A_964 : i32 to index
        %get3A_1045 = arith.constant 112 : index
        %get3A_1046 = tpu.vector_load %arg11[%get3A_1044, %get3A_1045] {strides = array<i32>} : memref<256x128xf32, #tpu.memory_space<vmem>>, vector<1x16xf32>,
        %get3A_1047 = vector.shape_cast %get3A_1046 : vector<1x16xf32> to vector<16xf32>
        %mul3A_1048 = vector.broadcast %squeeze3A_966 : f32 to vector<16xf32>
        %mul3A_1049 = arith.mulf %get3A_1047, %mul3A_1048 : vector<16xf32>
        %swap3A_1050 = arith.index_cast %add3A_964 : i32 to index
        %swap3A_1051 = arith.constant 112 : index
        %swap3A_1052 = tpu.vector_load %arg11[%swap3A_1050, %swap3A_1051] {strides = array<i32>} : memref<256x128xf32, #tpu.memory_space<vmem>>, vector<1x16xf32>,
        %swap3A_1053 = vector.shape_cast %swap3A_1052 : vector<1x16xf32> to vector<16xf32>
        %swap3A_1054 = vector.shape_cast %mul3A_1049 : vector<16xf32> to vector<1x16xf32>
        tpu.vector_store %arg11[%swap3A_1050, %swap3A_1051], %swap3A_1054 {strides = array<i32>} : memref<256x128xf32, #tpu.memory_space<vmem>>, vector<1x16xf32>,
        %mul3A_1055 = arith.constant 16 : i32
        %mul3A_1056 = arith.muli %add3A_113, %mul3A_1055 : i32
        %add3A_1057 = arith.constant 10 : i32
        %add3A_1058 = arith.addi %mul3A_1056, %add3A_1057 : i32
        %slice3A_1059 = vector.extract_strided_slice %get3A_117 {offsets = [10], sizes = [1], strides = [1]} : vector<16xf32> to vector<1xf32>
        %squeeze3A_1060 = vector.extract %slice3A_1059[0] : f32 from vector<1xf32>
        %get3A_1061 = arith.index_cast %add3A_1058 : i32 to index
        %get3A_1062 = arith.constant 0 : index
        %get3A_1063 = tpu.vector_load %arg11[%get3A_1061, %get3A_1062] {strides = array<i32>} : memref<256x128xf32, #tpu.memory_space<vmem>>, vector<1x16xf32>,
        %get3A_1064 = vector.shape_cast %get3A_1063 : vector<1x16xf32> to vector<16xf32>
        %mul3A_1065 = vector.broadcast %squeeze3A_1060 : f32 to vector<16xf32>
        %mul3A_1066 = arith.mulf %get3A_1064, %mul3A_1065 : vector<16xf32>
        %swap3A_1067 = arith.index_cast %add3A_1058 : i32 to index
        %swap3A_1068 = arith.constant 0 : index
        %swap3A_1069 = tpu.vector_load %arg11[%swap3A_1067, %swap3A_1068] {strides = array<i32>} : memref<256x128xf32, #tpu.memory_space<vmem>>, vector<1x16xf32>,
        %swap3A_1070 = vector.shape_cast %swap3A_1069 : vector<1x16xf32> to vector<16xf32>
        %swap3A_1071 = vector.shape_cast %mul3A_1066 : vector<16xf32> to vector<1x16xf32>
        tpu.vector_store %arg11[%swap3A_1067, %swap3A_1068], %swap3A_1071 {strides = array<i32>} : memref<256x128xf32, #tpu.memory_space<vmem>>, vector<1x16xf32>,
        %get3A_1072 = arith.index_cast %add3A_1058 : i32 to index
        %get3A_1073 = arith.constant 16 : index
        %get3A_1074 = tpu.vector_load %arg11[%get3A_1072, %get3A_1073] {strides = array<i32>} : memref<256x128xf32, #tpu.memory_space<vmem>>, vector<1x16xf32>,
        %get3A_1075 = vector.shape_cast %get3A_1074 : vector<1x16xf32> to vector<16xf32>
        %mul3A_1076 = vector.broadcast %squeeze3A_1060 : f32 to vector<16xf32>
        %mul3A_1077 = arith.mulf %get3A_1075, %mul3A_1076 : vector<16xf32>
        %swap3A_1078 = arith.index_cast %add3A_1058 : i32 to index
        %swap3A_1079 = arith.constant 16 : index
        %swap3A_1080 = tpu.vector_load %arg11[%swap3A_1078, %swap3A_1079] {strides = array<i32>} : memref<256x128xf32, #tpu.memory_space<vmem>>, vector<1x16xf32>,
        %swap3A_1081 = vector.shape_cast %swap3A_1080 : vector<1x16xf32> to vector<16xf32>
        %swap3A_1082 = vector.shape_cast %mul3A_1077 : vector<16xf32> to vector<1x16xf32>
        tpu.vector_store %arg11[%swap3A_1078, %swap3A_1079], %swap3A_1082 {strides = array<i32>} : memref<256x128xf32, #tpu.memory_space<vmem>>, vector<1x16xf32>,
        %get3A_1083 = arith.index_cast %add3A_1058 : i32 to index
        %get3A_1084 = arith.constant 32 : index
        %get3A_1085 = tpu.vector_load %arg11[%get3A_1083, %get3A_1084] {strides = array<i32>} : memref<256x128xf32, #tpu.memory_space<vmem>>, vector<1x16xf32>,
        %get3A_1086 = vector.shape_cast %get3A_1085 : vector<1x16xf32> to vector<16xf32>
        %mul3A_1087 = vector.broadcast %squeeze3A_1060 : f32 to vector<16xf32>
        %mul3A_1088 = arith.mulf %get3A_1086, %mul3A_1087 : vector<16xf32>
        %swap3A_1089 = arith.index_cast %add3A_1058 : i32 to index
        %swap3A_1090 = arith.constant 32 : index
        %swap3A_1091 = tpu.vector_load %arg11[%swap3A_1089, %swap3A_1090] {strides = array<i32>} : memref<256x128xf32, #tpu.memory_space<vmem>>, vector<1x16xf32>,
        %swap3A_1092 = vector.shape_cast %swap3A_1091 : vector<1x16xf32> to vector<16xf32>
        %swap3A_1093 = vector.shape_cast %mul3A_1088 : vector<16xf32> to vector<1x16xf32>
        tpu.vector_store %arg11[%swap3A_1089, %swap3A_1090], %swap3A_1093 {strides = array<i32>} : memref<256x128xf32, #tpu.memory_space<vmem>>, vector<1x16xf32>,
        %get3A_1094 = arith.index_cast %add3A_1058 : i32 to index
        %get3A_1095 = arith.constant 48 : index
        %get3A_1096 = tpu.vector_load %arg11[%get3A_1094, %get3A_1095] {strides = array<i32>} : memref<256x128xf32, #tpu.memory_space<vmem>>, vector<1x16xf32>,
        %get3A_1097 = vector.shape_cast %get3A_1096 : vector<1x16xf32> to vector<16xf32>
        %mul3A_1098 = vector.broadcast %squeeze3A_1060 : f32 to vector<16xf32>
        %mul3A_1099 = arith.mulf %get3A_1097, %mul3A_1098 : vector<16xf32>
        %swap3A_1100 = arith.index_cast %add3A_1058 : i32 to index
        %swap3A_1101 = arith.constant 48 : index
        %swap3A_1102 = tpu.vector_load %arg11[%swap3A_1100, %swap3A_1101] {strides = array<i32>} : memref<256x128xf32, #tpu.memory_space<vmem>>, vector<1x16xf32>,
        %swap3A_1103 = vector.shape_cast %swap3A_1102 : vector<1x16xf32> to vector<16xf32>
        %swap3A_1104 = vector.shape_cast %mul3A_1099 : vector<16xf32> to vector<1x16xf32>
        tpu.vector_store %arg11[%swap3A_1100, %swap3A_1101], %swap3A_1104 {strides = array<i32>} : memref<256x128xf32, #tpu.memory_space<vmem>>, vector<1x16xf32>,
        %get3A_1105 = arith.index_cast %add3A_1058 : i32 to index
        %get3A_1106 = arith.constant 64 : index
        %get3A_1107 = tpu.vector_load %arg11[%get3A_1105, %get3A_1106] {strides = array<i32>} : memref<256x128xf32, #tpu.memory_space<vmem>>, vector<1x16xf32>,
        %get3A_1108 = vector.shape_cast %get3A_1107 : vector<1x16xf32> to vector<16xf32>
        %mul3A_1109 = vector.broadcast %squeeze3A_1060 : f32 to vector<16xf32>
        %mul3A_1110 = arith.mulf %get3A_1108, %mul3A_1109 : vector<16xf32>
        %swap3A_1111 = arith.index_cast %add3A_1058 : i32 to index
        %swap3A_1112 = arith.constant 64 : index
        %swap3A_1113 = tpu.vector_load %arg11[%swap3A_1111, %swap3A_1112] {strides = array<i32>} : memref<256x128xf32, #tpu.memory_space<vmem>>, vector<1x16xf32>,
        %swap3A_1114 = vector.shape_cast %swap3A_1113 : vector<1x16xf32> to vector<16xf32>
        %swap3A_1115 = vector.shape_cast %mul3A_1110 : vector<16xf32> to vector<1x16xf32>
        tpu.vector_store %arg11[%swap3A_1111, %swap3A_1112], %swap3A_1115 {strides = array<i32>} : memref<256x128xf32, #tpu.memory_space<vmem>>, vector<1x16xf32>,
        %get3A_1116 = arith.index_cast %add3A_1058 : i32 to index
        %get3A_1117 = arith.constant 80 : index
        %get3A_1118 = tpu.vector_load %arg11[%get3A_1116, %get3A_1117] {strides = array<i32>} : memref<256x128xf32, #tpu.memory_space<vmem>>, vector<1x16xf32>,
        %get3A_1119 = vector.shape_cast %get3A_1118 : vector<1x16xf32> to vector<16xf32>
        %mul3A_1120 = vector.broadcast %squeeze3A_1060 : f32 to vector<16xf32>
        %mul3A_1121 = arith.mulf %get3A_1119, %mul3A_1120 : vector<16xf32>
        %swap3A_1122 = arith.index_cast %add3A_1058 : i32 to index
        %swap3A_1123 = arith.constant 80 : index
        %swap3A_1124 = tpu.vector_load %arg11[%swap3A_1122, %swap3A_1123] {strides = array<i32>} : memref<256x128xf32, #tpu.memory_space<vmem>>, vector<1x16xf32>,
        %swap3A_1125 = vector.shape_cast %swap3A_1124 : vector<1x16xf32> to vector<16xf32>
        %swap3A_1126 = vector.shape_cast %mul3A_1121 : vector<16xf32> to vector<1x16xf32>
        tpu.vector_store %arg11[%swap3A_1122, %swap3A_1123], %swap3A_1126 {strides = array<i32>} : memref<256x128xf32, #tpu.memory_space<vmem>>, vector<1x16xf32>,
        %get3A_1127 = arith.index_cast %add3A_1058 : i32 to index
        %get3A_1128 = arith.constant 96 : index
        %get3A_1129 = tpu.vector_load %arg11[%get3A_1127, %get3A_1128] {strides = array<i32>} : memref<256x128xf32, #tpu.memory_space<vmem>>, vector<1x16xf32>,
        %get3A_1130 = vector.shape_cast %get3A_1129 : vector<1x16xf32> to vector<16xf32>
        %mul3A_1131 = vector.broadcast %squeeze3A_1060 : f32 to vector<16xf32>
        %mul3A_1132 = arith.mulf %get3A_1130, %mul3A_1131 : vector<16xf32>
        %swap3A_1133 = arith.index_cast %add3A_1058 : i32 to index
        %swap3A_1134 = arith.constant 96 : index
        %swap3A_1135 = tpu.vector_load %arg11[%swap3A_1133, %swap3A_1134] {strides = array<i32>} : memref<256x128xf32, #tpu.memory_space<vmem>>, vector<1x16xf32>,
        %swap3A_1136 = vector.shape_cast %swap3A_1135 : vector<1x16xf32> to vector<16xf32>
        %swap3A_1137 = vector.shape_cast %mul3A_1132 : vector<16xf32> to vector<1x16xf32>
        tpu.vector_store %arg11[%swap3A_1133, %swap3A_1134], %swap3A_1137 {strides = array<i32>} : memref<256x128xf32, #tpu.memory_space<vmem>>, vector<1x16xf32>,
        %get3A_1138 = arith.index_cast %add3A_1058 : i32 to index
        %get3A_1139 = arith.constant 112 : index
        %get3A_1140 = tpu.vector_load %arg11[%get3A_1138, %get3A_1139] {strides = array<i32>} : memref<256x128xf32, #tpu.memory_space<vmem>>, vector<1x16xf32>,
        %get3A_1141 = vector.shape_cast %get3A_1140 : vector<1x16xf32> to vector<16xf32>
        %mul3A_1142 = vector.broadcast %squeeze3A_1060 : f32 to vector<16xf32>
        %mul3A_1143 = arith.mulf %get3A_1141, %mul3A_1142 : vector<16xf32>
        %swap3A_1144 = arith.index_cast %add3A_1058 : i32 to index
        %swap3A_1145 = arith.constant 112 : index
        %swap3A_1146 = tpu.vector_load %arg11[%swap3A_1144, %swap3A_1145] {strides = array<i32>} : memref<256x128xf32, #tpu.memory_space<vmem>>, vector<1x16xf32>,
        %swap3A_1147 = vector.shape_cast %swap3A_1146 : vector<1x16xf32> to vector<16xf32>
        %swap3A_1148 = vector.shape_cast %mul3A_1143 : vector<16xf32> to vector<1x16xf32>
        tpu.vector_store %arg11[%swap3A_1144, %swap3A_1145], %swap3A_1148 {strides = array<i32>} : memref<256x128xf32, #tpu.memory_space<vmem>>, vector<1x16xf32>,
        %mul3A_1149 = arith.constant 16 : i32
        %mul3A_1150 = arith.muli %add3A_113, %mul3A_1149 : i32
        %add3A_1151 = arith.constant 11 : i32
        %add3A_1152 = arith.addi %mul3A_1150, %add3A_1151 : i32
        %slice3A_1153 = vector.extract_strided_slice %get3A_117 {offsets = [11], sizes = [1], strides = [1]} : vector<16xf32> to vector<1xf32>
        %squeeze3A_1154 = vector.extract %slice3A_1153[0] : f32 from vector<1xf32>
        %get3A_1155 = arith.index_cast %add3A_1152 : i32 to index
        %get3A_1156 = arith.constant 0 : index
        %get3A_1157 = tpu.vector_load %arg11[%get3A_1155, %get3A_1156] {strides = array<i32>} : memref<256x128xf32, #tpu.memory_space<vmem>>, vector<1x16xf32>,
        %get3A_1158 = vector.shape_cast %get3A_1157 : vector<1x16xf32> to vector<16xf32>
        %mul3A_1159 = vector.broadcast %squeeze3A_1154 : f32 to vector<16xf32>
        %mul3A_1160 = arith.mulf %get3A_1158, %mul3A_1159 : vector<16xf32>
        %swap3A_1161 = arith.index_cast %add3A_1152 : i32 to index
        %swap3A_1162 = arith.constant 0 : index
        %swap3A_1163 = tpu.vector_load %arg11[%swap3A_1161, %swap3A_1162] {strides = array<i32>} : memref<256x128xf32, #tpu.memory_space<vmem>>, vector<1x16xf32>,
        %swap3A_1164 = vector.shape_cast %swap3A_1163 : vector<1x16xf32> to vector<16xf32>
        %swap3A_1165 = vector.shape_cast %mul3A_1160 : vector<16xf32> to vector<1x16xf32>
        tpu.vector_store %arg11[%swap3A_1161, %swap3A_1162], %swap3A_1165 {strides = array<i32>} : memref<256x128xf32, #tpu.memory_space<vmem>>, vector<1x16xf32>,
        %get3A_1166 = arith.index_cast %add3A_1152 : i32 to index
        %get3A_1167 = arith.constant 16 : index
        %get3A_1168 = tpu.vector_load %arg11[%get3A_1166, %get3A_1167] {strides = array<i32>} : memref<256x128xf32, #tpu.memory_space<vmem>>, vector<1x16xf32>,
        %get3A_1169 = vector.shape_cast %get3A_1168 : vector<1x16xf32> to vector<16xf32>
        %mul3A_1170 = vector.broadcast %squeeze3A_1154 : f32 to vector<16xf32>
        %mul3A_1171 = arith.mulf %get3A_1169, %mul3A_1170 : vector<16xf32>
        %swap3A_1172 = arith.index_cast %add3A_1152 : i32 to index
        %swap3A_1173 = arith.constant 16 : index
        %swap3A_1174 = tpu.vector_load %arg11[%swap3A_1172, %swap3A_1173] {strides = array<i32>} : memref<256x128xf32, #tpu.memory_space<vmem>>, vector<1x16xf32>,
        %swap3A_1175 = vector.shape_cast %swap3A_1174 : vector<1x16xf32> to vector<16xf32>
        %swap3A_1176 = vector.shape_cast %mul3A_1171 : vector<16xf32> to vector<1x16xf32>
        tpu.vector_store %arg11[%swap3A_1172, %swap3A_1173], %swap3A_1176 {strides = array<i32>} : memref<256x128xf32, #tpu.memory_space<vmem>>, vector<1x16xf32>,
        %get3A_1177 = arith.index_cast %add3A_1152 : i32 to index
        %get3A_1178 = arith.constant 32 : index
        %get3A_1179 = tpu.vector_load %arg11[%get3A_1177, %get3A_1178] {strides = array<i32>} : memref<256x128xf32, #tpu.memory_space<vmem>>, vector<1x16xf32>,
        %get3A_1180 = vector.shape_cast %get3A_1179 : vector<1x16xf32> to vector<16xf32>
        %mul3A_1181 = vector.broadcast %squeeze3A_1154 : f32 to vector<16xf32>
        %mul3A_1182 = arith.mulf %get3A_1180, %mul3A_1181 : vector<16xf32>
        %swap3A_1183 = arith.index_cast %add3A_1152 : i32 to index
        %swap3A_1184 = arith.constant 32 : index
        %swap3A_1185 = tpu.vector_load %arg11[%swap3A_1183, %swap3A_1184] {strides = array<i32>} : memref<256x128xf32, #tpu.memory_space<vmem>>, vector<1x16xf32>,
        %swap3A_1186 = vector.shape_cast %swap3A_1185 : vector<1x16xf32> to vector<16xf32>
        %swap3A_1187 = vector.shape_cast %mul3A_1182 : vector<16xf32> to vector<1x16xf32>
        tpu.vector_store %arg11[%swap3A_1183, %swap3A_1184], %swap3A_1187 {strides = array<i32>} : memref<256x128xf32, #tpu.memory_space<vmem>>, vector<1x16xf32>,
        %get3A_1188 = arith.index_cast %add3A_1152 : i32 to index
        %get3A_1189 = arith.constant 48 : index
        %get3A_1190 = tpu.vector_load %arg11[%get3A_1188, %get3A_1189] {strides = array<i32>} : memref<256x128xf32, #tpu.memory_space<vmem>>, vector<1x16xf32>,
        %get3A_1191 = vector.shape_cast %get3A_1190 : vector<1x16xf32> to vector<16xf32>
        %mul3A_1192 = vector.broadcast %squeeze3A_1154 : f32 to vector<16xf32>
        %mul3A_1193 = arith.mulf %get3A_1191, %mul3A_1192 : vector<16xf32>
        %swap3A_1194 = arith.index_cast %add3A_1152 : i32 to index
        %swap3A_1195 = arith.constant 48 : index
        %swap3A_1196 = tpu.vector_load %arg11[%swap3A_1194, %swap3A_1195] {strides = array<i32>} : memref<256x128xf32, #tpu.memory_space<vmem>>, vector<1x16xf32>,
        %swap3A_1197 = vector.shape_cast %swap3A_1196 : vector<1x16xf32> to vector<16xf32>
        %swap3A_1198 = vector.shape_cast %mul3A_1193 : vector<16xf32> to vector<1x16xf32>
        tpu.vector_store %arg11[%swap3A_1194, %swap3A_1195], %swap3A_1198 {strides = array<i32>} : memref<256x128xf32, #tpu.memory_space<vmem>>, vector<1x16xf32>,
        %get3A_1199 = arith.index_cast %add3A_1152 : i32 to index
        %get3A_1200 = arith.constant 64 : index
        %get3A_1201 = tpu.vector_load %arg11[%get3A_1199, %get3A_1200] {strides = array<i32>} : memref<256x128xf32, #tpu.memory_space<vmem>>, vector<1x16xf32>,
        %get3A_1202 = vector.shape_cast %get3A_1201 : vector<1x16xf32> to vector<16xf32>
        %mul3A_1203 = vector.broadcast %squeeze3A_1154 : f32 to vector<16xf32>
        %mul3A_1204 = arith.mulf %get3A_1202, %mul3A_1203 : vector<16xf32>
        %swap3A_1205 = arith.index_cast %add3A_1152 : i32 to index
        %swap3A_1206 = arith.constant 64 : index
        %swap3A_1207 = tpu.vector_load %arg11[%swap3A_1205, %swap3A_1206] {strides = array<i32>} : memref<256x128xf32, #tpu.memory_space<vmem>>, vector<1x16xf32>,
        %swap3A_1208 = vector.shape_cast %swap3A_1207 : vector<1x16xf32> to vector<16xf32>
        %swap3A_1209 = vector.shape_cast %mul3A_1204 : vector<16xf32> to vector<1x16xf32>
        tpu.vector_store %arg11[%swap3A_1205, %swap3A_1206], %swap3A_1209 {strides = array<i32>} : memref<256x128xf32, #tpu.memory_space<vmem>>, vector<1x16xf32>,
        %get3A_1210 = arith.index_cast %add3A_1152 : i32 to index
        %get3A_1211 = arith.constant 80 : index
        %get3A_1212 = tpu.vector_load %arg11[%get3A_1210, %get3A_1211] {strides = array<i32>} : memref<256x128xf32, #tpu.memory_space<vmem>>, vector<1x16xf32>,
        %get3A_1213 = vector.shape_cast %get3A_1212 : vector<1x16xf32> to vector<16xf32>
        %mul3A_1214 = vector.broadcast %squeeze3A_1154 : f32 to vector<16xf32>
        %mul3A_1215 = arith.mulf %get3A_1213, %mul3A_1214 : vector<16xf32>
        %swap3A_1216 = arith.index_cast %add3A_1152 : i32 to index
        %swap3A_1217 = arith.constant 80 : index
        %swap3A_1218 = tpu.vector_load %arg11[%swap3A_1216, %swap3A_1217] {strides = array<i32>} : memref<256x128xf32, #tpu.memory_space<vmem>>, vector<1x16xf32>,
        %swap3A_1219 = vector.shape_cast %swap3A_1218 : vector<1x16xf32> to vector<16xf32>
        %swap3A_1220 = vector.shape_cast %mul3A_1215 : vector<16xf32> to vector<1x16xf32>
        tpu.vector_store %arg11[%swap3A_1216, %swap3A_1217], %swap3A_1220 {strides = array<i32>} : memref<256x128xf32, #tpu.memory_space<vmem>>, vector<1x16xf32>,
        %get3A_1221 = arith.index_cast %add3A_1152 : i32 to index
        %get3A_1222 = arith.constant 96 : index
        %get3A_1223 = tpu.vector_load %arg11[%get3A_1221, %get3A_1222] {strides = array<i32>} : memref<256x128xf32, #tpu.memory_space<vmem>>, vector<1x16xf32>,
        %get3A_1224 = vector.shape_cast %get3A_1223 : vector<1x16xf32> to vector<16xf32>
        %mul3A_1225 = vector.broadcast %squeeze3A_1154 : f32 to vector<16xf32>
        %mul3A_1226 = arith.mulf %get3A_1224, %mul3A_1225 : vector<16xf32>
        %swap3A_1227 = arith.index_cast %add3A_1152 : i32 to index
        %swap3A_1228 = arith.constant 96 : index
        %swap3A_1229 = tpu.vector_load %arg11[%swap3A_1227, %swap3A_1228] {strides = array<i32>} : memref<256x128xf32, #tpu.memory_space<vmem>>, vector<1x16xf32>,
        %swap3A_1230 = vector.shape_cast %swap3A_1229 : vector<1x16xf32> to vector<16xf32>
        %swap3A_1231 = vector.shape_cast %mul3A_1226 : vector<16xf32> to vector<1x16xf32>
        tpu.vector_store %arg11[%swap3A_1227, %swap3A_1228], %swap3A_1231 {strides = array<i32>} : memref<256x128xf32, #tpu.memory_space<vmem>>, vector<1x16xf32>,
        %get3A_1232 = arith.index_cast %add3A_1152 : i32 to index
        %get3A_1233 = arith.constant 112 : index
        %get3A_1234 = tpu.vector_load %arg11[%get3A_1232, %get3A_1233] {strides = array<i32>} : memref<256x128xf32, #tpu.memory_space<vmem>>, vector<1x16xf32>,
        %get3A_1235 = vector.shape_cast %get3A_1234 : vector<1x16xf32> to vector<16xf32>
        %mul3A_1236 = vector.broadcast %squeeze3A_1154 : f32 to vector<16xf32>
        %mul3A_1237 = arith.mulf %get3A_1235, %mul3A_1236 : vector<16xf32>
        %swap3A_1238 = arith.index_cast %add3A_1152 : i32 to index
        %swap3A_1239 = arith.constant 112 : index
        %swap3A_1240 = tpu.vector_load %arg11[%swap3A_1238, %swap3A_1239] {strides = array<i32>} : memref<256x128xf32, #tpu.memory_space<vmem>>, vector<1x16xf32>,
        %swap3A_1241 = vector.shape_cast %swap3A_1240 : vector<1x16xf32> to vector<16xf32>
        %swap3A_1242 = vector.shape_cast %mul3A_1237 : vector<16xf32> to vector<1x16xf32>
        tpu.vector_store %arg11[%swap3A_1238, %swap3A_1239], %swap3A_1242 {strides = array<i32>} : memref<256x128xf32, #tpu.memory_space<vmem>>, vector<1x16xf32>,
        %mul3A_1243 = arith.constant 16 : i32
        %mul3A_1244 = arith.muli %add3A_113, %mul3A_1243 : i32
        %add3A_1245 = arith.constant 12 : i32
        %add3A_1246 = arith.addi %mul3A_1244, %add3A_1245 : i32
        %slice3A_1247 = vector.extract_strided_slice %get3A_117 {offsets = [12], sizes = [1], strides = [1]} : vector<16xf32> to vector<1xf32>
        %squeeze3A_1248 = vector.extract %slice3A_1247[0] : f32 from vector<1xf32>
        %get3A_1249 = arith.index_cast %add3A_1246 : i32 to index
        %get3A_1250 = arith.constant 0 : index
        %get3A_1251 = tpu.vector_load %arg11[%get3A_1249, %get3A_1250] {strides = array<i32>} : memref<256x128xf32, #tpu.memory_space<vmem>>, vector<1x16xf32>,
        %get3A_1252 = vector.shape_cast %get3A_1251 : vector<1x16xf32> to vector<16xf32>
        %mul3A_1253 = vector.broadcast %squeeze3A_1248 : f32 to vector<16xf32>
        %mul3A_1254 = arith.mulf %get3A_1252, %mul3A_1253 : vector<16xf32>
        %swap3A_1255 = arith.index_cast %add3A_1246 : i32 to index
        %swap3A_1256 = arith.constant 0 : index
        %swap3A_1257 = tpu.vector_load %arg11[%swap3A_1255, %swap3A_1256] {strides = array<i32>} : memref<256x128xf32, #tpu.memory_space<vmem>>, vector<1x16xf32>,
        %swap3A_1258 = vector.shape_cast %swap3A_1257 : vector<1x16xf32> to vector<16xf32>
        %swap3A_1259 = vector.shape_cast %mul3A_1254 : vector<16xf32> to vector<1x16xf32>
        tpu.vector_store %arg11[%swap3A_1255, %swap3A_1256], %swap3A_1259 {strides = array<i32>} : memref<256x128xf32, #tpu.memory_space<vmem>>, vector<1x16xf32>,
        %get3A_1260 = arith.index_cast %add3A_1246 : i32 to index
        %get3A_1261 = arith.constant 16 : index
        %get3A_1262 = tpu.vector_load %arg11[%get3A_1260, %get3A_1261] {strides = array<i32>} : memref<256x128xf32, #tpu.memory_space<vmem>>, vector<1x16xf32>,
        %get3A_1263 = vector.shape_cast %get3A_1262 : vector<1x16xf32> to vector<16xf32>
        %mul3A_1264 = vector.broadcast %squeeze3A_1248 : f32 to vector<16xf32>
        %mul3A_1265 = arith.mulf %get3A_1263, %mul3A_1264 : vector<16xf32>
        %swap3A_1266 = arith.index_cast %add3A_1246 : i32 to index
        %swap3A_1267 = arith.constant 16 : index
        %swap3A_1268 = tpu.vector_load %arg11[%swap3A_1266, %swap3A_1267] {strides = array<i32>} : memref<256x128xf32, #tpu.memory_space<vmem>>, vector<1x16xf32>,
        %swap3A_1269 = vector.shape_cast %swap3A_1268 : vector<1x16xf32> to vector<16xf32>
        %swap3A_1270 = vector.shape_cast %mul3A_1265 : vector<16xf32> to vector<1x16xf32>
        tpu.vector_store %arg11[%swap3A_1266, %swap3A_1267], %swap3A_1270 {strides = array<i32>} : memref<256x128xf32, #tpu.memory_space<vmem>>, vector<1x16xf32>,
        %get3A_1271 = arith.index_cast %add3A_1246 : i32 to index
        %get3A_1272 = arith.constant 32 : index
        %get3A_1273 = tpu.vector_load %arg11[%get3A_1271, %get3A_1272] {strides = array<i32>} : memref<256x128xf32, #tpu.memory_space<vmem>>, vector<1x16xf32>,
        %get3A_1274 = vector.shape_cast %get3A_1273 : vector<1x16xf32> to vector<16xf32>
        %mul3A_1275 = vector.broadcast %squeeze3A_1248 : f32 to vector<16xf32>
        %mul3A_1276 = arith.mulf %get3A_1274, %mul3A_1275 : vector<16xf32>
        %swap3A_1277 = arith.index_cast %add3A_1246 : i32 to index
        %swap3A_1278 = arith.constant 32 : index
        %swap3A_1279 = tpu.vector_load %arg11[%swap3A_1277, %swap3A_1278] {strides = array<i32>} : memref<256x128xf32, #tpu.memory_space<vmem>>, vector<1x16xf32>,
        %swap3A_1280 = vector.shape_cast %swap3A_1279 : vector<1x16xf32> to vector<16xf32>
        %swap3A_1281 = vector.shape_cast %mul3A_1276 : vector<16xf32> to vector<1x16xf32>
        tpu.vector_store %arg11[%swap3A_1277, %swap3A_1278], %swap3A_1281 {strides = array<i32>} : memref<256x128xf32, #tpu.memory_space<vmem>>, vector<1x16xf32>,
        %get3A_1282 = arith.index_cast %add3A_1246 : i32 to index
        %get3A_1283 = arith.constant 48 : index
        %get3A_1284 = tpu.vector_load %arg11[%get3A_1282, %get3A_1283] {strides = array<i32>} : memref<256x128xf32, #tpu.memory_space<vmem>>, vector<1x16xf32>,
        %get3A_1285 = vector.shape_cast %get3A_1284 : vector<1x16xf32> to vector<16xf32>
        %mul3A_1286 = vector.broadcast %squeeze3A_1248 : f32 to vector<16xf32>
        %mul3A_1287 = arith.mulf %get3A_1285, %mul3A_1286 : vector<16xf32>
        %swap3A_1288 = arith.index_cast %add3A_1246 : i32 to index
        %swap3A_1289 = arith.constant 48 : index
        %swap3A_1290 = tpu.vector_load %arg11[%swap3A_1288, %swap3A_1289] {strides = array<i32>} : memref<256x128xf32, #tpu.memory_space<vmem>>, vector<1x16xf32>,
        %swap3A_1291 = vector.shape_cast %swap3A_1290 : vector<1x16xf32> to vector<16xf32>
        %swap3A_1292 = vector.shape_cast %mul3A_1287 : vector<16xf32> to vector<1x16xf32>
        tpu.vector_store %arg11[%swap3A_1288, %swap3A_1289], %swap3A_1292 {strides = array<i32>} : memref<256x128xf32, #tpu.memory_space<vmem>>, vector<1x16xf32>,
        %get3A_1293 = arith.index_cast %add3A_1246 : i32 to index
        %get3A_1294 = arith.constant 64 : index
        %get3A_1295 = tpu.vector_load %arg11[%get3A_1293, %get3A_1294] {strides = array<i32>} : memref<256x128xf32, #tpu.memory_space<vmem>>, vector<1x16xf32>,
        %get3A_1296 = vector.shape_cast %get3A_1295 : vector<1x16xf32> to vector<16xf32>
        %mul3A_1297 = vector.broadcast %squeeze3A_1248 : f32 to vector<16xf32>
        %mul3A_1298 = arith.mulf %get3A_1296, %mul3A_1297 : vector<16xf32>
        %swap3A_1299 = arith.index_cast %add3A_1246 : i32 to index
        %swap3A_1300 = arith.constant 64 : index
        %swap3A_1301 = tpu.vector_load %arg11[%swap3A_1299, %swap3A_1300] {strides = array<i32>} : memref<256x128xf32, #tpu.memory_space<vmem>>, vector<1x16xf32>,
        %swap3A_1302 = vector.shape_cast %swap3A_1301 : vector<1x16xf32> to vector<16xf32>
        %swap3A_1303 = vector.shape_cast %mul3A_1298 : vector<16xf32> to vector<1x16xf32>
        tpu.vector_store %arg11[%swap3A_1299, %swap3A_1300], %swap3A_1303 {strides = array<i32>} : memref<256x128xf32, #tpu.memory_space<vmem>>, vector<1x16xf32>,
        %get3A_1304 = arith.index_cast %add3A_1246 : i32 to index
        %get3A_1305 = arith.constant 80 : index
        %get3A_1306 = tpu.vector_load %arg11[%get3A_1304, %get3A_1305] {strides = array<i32>} : memref<256x128xf32, #tpu.memory_space<vmem>>, vector<1x16xf32>,
        %get3A_1307 = vector.shape_cast %get3A_1306 : vector<1x16xf32> to vector<16xf32>
        %mul3A_1308 = vector.broadcast %squeeze3A_1248 : f32 to vector<16xf32>
        %mul3A_1309 = arith.mulf %get3A_1307, %mul3A_1308 : vector<16xf32>
        %swap3A_1310 = arith.index_cast %add3A_1246 : i32 to index
        %swap3A_1311 = arith.constant 80 : index
        %swap3A_1312 = tpu.vector_load %arg11[%swap3A_1310, %swap3A_1311] {strides = array<i32>} : memref<256x128xf32, #tpu.memory_space<vmem>>, vector<1x16xf32>,
        %swap3A_1313 = vector.shape_cast %swap3A_1312 : vector<1x16xf32> to vector<16xf32>
        %swap3A_1314 = vector.shape_cast %mul3A_1309 : vector<16xf32> to vector<1x16xf32>
        tpu.vector_store %arg11[%swap3A_1310, %swap3A_1311], %swap3A_1314 {strides = array<i32>} : memref<256x128xf32, #tpu.memory_space<vmem>>, vector<1x16xf32>,
        %get3A_1315 = arith.index_cast %add3A_1246 : i32 to index
        %get3A_1316 = arith.constant 96 : index
        %get3A_1317 = tpu.vector_load %arg11[%get3A_1315, %get3A_1316] {strides = array<i32>} : memref<256x128xf32, #tpu.memory_space<vmem>>, vector<1x16xf32>,
        %get3A_1318 = vector.shape_cast %get3A_1317 : vector<1x16xf32> to vector<16xf32>
        %mul3A_1319 = vector.broadcast %squeeze3A_1248 : f32 to vector<16xf32>
        %mul3A_1320 = arith.mulf %get3A_1318, %mul3A_1319 : vector<16xf32>
        %swap3A_1321 = arith.index_cast %add3A_1246 : i32 to index
        %swap3A_1322 = arith.constant 96 : index
        %swap3A_1323 = tpu.vector_load %arg11[%swap3A_1321, %swap3A_1322] {strides = array<i32>} : memref<256x128xf32, #tpu.memory_space<vmem>>, vector<1x16xf32>,
        %swap3A_1324 = vector.shape_cast %swap3A_1323 : vector<1x16xf32> to vector<16xf32>
        %swap3A_1325 = vector.shape_cast %mul3A_1320 : vector<16xf32> to vector<1x16xf32>
        tpu.vector_store %arg11[%swap3A_1321, %swap3A_1322], %swap3A_1325 {strides = array<i32>} : memref<256x128xf32, #tpu.memory_space<vmem>>, vector<1x16xf32>,
        %get3A_1326 = arith.index_cast %add3A_1246 : i32 to index
        %get3A_1327 = arith.constant 112 : index
        %get3A_1328 = tpu.vector_load %arg11[%get3A_1326, %get3A_1327] {strides = array<i32>} : memref<256x128xf32, #tpu.memory_space<vmem>>, vector<1x16xf32>,
        %get3A_1329 = vector.shape_cast %get3A_1328 : vector<1x16xf32> to vector<16xf32>
        %mul3A_1330 = vector.broadcast %squeeze3A_1248 : f32 to vector<16xf32>
        %mul3A_1331 = arith.mulf %get3A_1329, %mul3A_1330 : vector<16xf32>
        %swap3A_1332 = arith.index_cast %add3A_1246 : i32 to index
        %swap3A_1333 = arith.constant 112 : index
        %swap3A_1334 = tpu.vector_load %arg11[%swap3A_1332, %swap3A_1333] {strides = array<i32>} : memref<256x128xf32, #tpu.memory_space<vmem>>, vector<1x16xf32>,
        %swap3A_1335 = vector.shape_cast %swap3A_1334 : vector<1x16xf32> to vector<16xf32>
        %swap3A_1336 = vector.shape_cast %mul3A_1331 : vector<16xf32> to vector<1x16xf32>
        tpu.vector_store %arg11[%swap3A_1332, %swap3A_1333], %swap3A_1336 {strides = array<i32>} : memref<256x128xf32, #tpu.memory_space<vmem>>, vector<1x16xf32>,
        %mul3A_1337 = arith.constant 16 : i32
        %mul3A_1338 = arith.muli %add3A_113, %mul3A_1337 : i32
        %add3A_1339 = arith.constant 13 : i32
        %add3A_1340 = arith.addi %mul3A_1338, %add3A_1339 : i32
        %slice3A_1341 = vector.extract_strided_slice %get3A_117 {offsets = [13], sizes = [1], strides = [1]} : vector<16xf32> to vector<1xf32>
        %squeeze3A_1342 = vector.extract %slice3A_1341[0] : f32 from vector<1xf32>
        %get3A_1343 = arith.index_cast %add3A_1340 : i32 to index
        %get3A_1344 = arith.constant 0 : index
        %get3A_1345 = tpu.vector_load %arg11[%get3A_1343, %get3A_1344] {strides = array<i32>} : memref<256x128xf32, #tpu.memory_space<vmem>>, vector<1x16xf32>,
        %get3A_1346 = vector.shape_cast %get3A_1345 : vector<1x16xf32> to vector<16xf32>
        %mul3A_1347 = vector.broadcast %squeeze3A_1342 : f32 to vector<16xf32>
        %mul3A_1348 = arith.mulf %get3A_1346, %mul3A_1347 : vector<16xf32>
        %swap3A_1349 = arith.index_cast %add3A_1340 : i32 to index
        %swap3A_1350 = arith.constant 0 : index
        %swap3A_1351 = tpu.vector_load %arg11[%swap3A_1349, %swap3A_1350] {strides = array<i32>} : memref<256x128xf32, #tpu.memory_space<vmem>>, vector<1x16xf32>,
        %swap3A_1352 = vector.shape_cast %swap3A_1351 : vector<1x16xf32> to vector<16xf32>
        %swap3A_1353 = vector.shape_cast %mul3A_1348 : vector<16xf32> to vector<1x16xf32>
        tpu.vector_store %arg11[%swap3A_1349, %swap3A_1350], %swap3A_1353 {strides = array<i32>} : memref<256x128xf32, #tpu.memory_space<vmem>>, vector<1x16xf32>,
        %get3A_1354 = arith.index_cast %add3A_1340 : i32 to index
        %get3A_1355 = arith.constant 16 : index
        %get3A_1356 = tpu.vector_load %arg11[%get3A_1354, %get3A_1355] {strides = array<i32>} : memref<256x128xf32, #tpu.memory_space<vmem>>, vector<1x16xf32>,
        %get3A_1357 = vector.shape_cast %get3A_1356 : vector<1x16xf32> to vector<16xf32>
        %mul3A_1358 = vector.broadcast %squeeze3A_1342 : f32 to vector<16xf32>
        %mul3A_1359 = arith.mulf %get3A_1357, %mul3A_1358 : vector<16xf32>
        %swap3A_1360 = arith.index_cast %add3A_1340 : i32 to index
        %swap3A_1361 = arith.constant 16 : index
        %swap3A_1362 = tpu.vector_load %arg11[%swap3A_1360, %swap3A_1361] {strides = array<i32>} : memref<256x128xf32, #tpu.memory_space<vmem>>, vector<1x16xf32>,
        %swap3A_1363 = vector.shape_cast %swap3A_1362 : vector<1x16xf32> to vector<16xf32>
        %swap3A_1364 = vector.shape_cast %mul3A_1359 : vector<16xf32> to vector<1x16xf32>
        tpu.vector_store %arg11[%swap3A_1360, %swap3A_1361], %swap3A_1364 {strides = array<i32>} : memref<256x128xf32, #tpu.memory_space<vmem>>, vector<1x16xf32>,
        %get3A_1365 = arith.index_cast %add3A_1340 : i32 to index
        %get3A_1366 = arith.constant 32 : index
        %get3A_1367 = tpu.vector_load %arg11[%get3A_1365, %get3A_1366] {strides = array<i32>} : memref<256x128xf32, #tpu.memory_space<vmem>>, vector<1x16xf32>,
        %get3A_1368 = vector.shape_cast %get3A_1367 : vector<1x16xf32> to vector<16xf32>
        %mul3A_1369 = vector.broadcast %squeeze3A_1342 : f32 to vector<16xf32>
        %mul3A_1370 = arith.mulf %get3A_1368, %mul3A_1369 : vector<16xf32>
        %swap3A_1371 = arith.index_cast %add3A_1340 : i32 to index
        %swap3A_1372 = arith.constant 32 : index
        %swap3A_1373 = tpu.vector_load %arg11[%swap3A_1371, %swap3A_1372] {strides = array<i32>} : memref<256x128xf32, #tpu.memory_space<vmem>>, vector<1x16xf32>,
        %swap3A_1374 = vector.shape_cast %swap3A_1373 : vector<1x16xf32> to vector<16xf32>
        %swap3A_1375 = vector.shape_cast %mul3A_1370 : vector<16xf32> to vector<1x16xf32>
        tpu.vector_store %arg11[%swap3A_1371, %swap3A_1372], %swap3A_1375 {strides = array<i32>} : memref<256x128xf32, #tpu.memory_space<vmem>>, vector<1x16xf32>,
        %get3A_1376 = arith.index_cast %add3A_1340 : i32 to index
        %get3A_1377 = arith.constant 48 : index
        %get3A_1378 = tpu.vector_load %arg11[%get3A_1376, %get3A_1377] {strides = array<i32>} : memref<256x128xf32, #tpu.memory_space<vmem>>, vector<1x16xf32>,
        %get3A_1379 = vector.shape_cast %get3A_1378 : vector<1x16xf32> to vector<16xf32>
        %mul3A_1380 = vector.broadcast %squeeze3A_1342 : f32 to vector<16xf32>
        %mul3A_1381 = arith.mulf %get3A_1379, %mul3A_1380 : vector<16xf32>
        %swap3A_1382 = arith.index_cast %add3A_1340 : i32 to index
        %swap3A_1383 = arith.constant 48 : index
        %swap3A_1384 = tpu.vector_load %arg11[%swap3A_1382, %swap3A_1383] {strides = array<i32>} : memref<256x128xf32, #tpu.memory_space<vmem>>, vector<1x16xf32>,
        %swap3A_1385 = vector.shape_cast %swap3A_1384 : vector<1x16xf32> to vector<16xf32>
        %swap3A_1386 = vector.shape_cast %mul3A_1381 : vector<16xf32> to vector<1x16xf32>
        tpu.vector_store %arg11[%swap3A_1382, %swap3A_1383], %swap3A_1386 {strides = array<i32>} : memref<256x128xf32, #tpu.memory_space<vmem>>, vector<1x16xf32>,
        %get3A_1387 = arith.index_cast %add3A_1340 : i32 to index
        %get3A_1388 = arith.constant 64 : index
        %get3A_1389 = tpu.vector_load %arg11[%get3A_1387, %get3A_1388] {strides = array<i32>} : memref<256x128xf32, #tpu.memory_space<vmem>>, vector<1x16xf32>,
        %get3A_1390 = vector.shape_cast %get3A_1389 : vector<1x16xf32> to vector<16xf32>
        %mul3A_1391 = vector.broadcast %squeeze3A_1342 : f32 to vector<16xf32>
        %mul3A_1392 = arith.mulf %get3A_1390, %mul3A_1391 : vector<16xf32>
        %swap3A_1393 = arith.index_cast %add3A_1340 : i32 to index
        %swap3A_1394 = arith.constant 64 : index
        %swap3A_1395 = tpu.vector_load %arg11[%swap3A_1393, %swap3A_1394] {strides = array<i32>} : memref<256x128xf32, #tpu.memory_space<vmem>>, vector<1x16xf32>,
        %swap3A_1396 = vector.shape_cast %swap3A_1395 : vector<1x16xf32> to vector<16xf32>
        %swap3A_1397 = vector.shape_cast %mul3A_1392 : vector<16xf32> to vector<1x16xf32>
        tpu.vector_store %arg11[%swap3A_1393, %swap3A_1394], %swap3A_1397 {strides = array<i32>} : memref<256x128xf32, #tpu.memory_space<vmem>>, vector<1x16xf32>,
        %get3A_1398 = arith.index_cast %add3A_1340 : i32 to index
        %get3A_1399 = arith.constant 80 : index
        %get3A_1400 = tpu.vector_load %arg11[%get3A_1398, %get3A_1399] {strides = array<i32>} : memref<256x128xf32, #tpu.memory_space<vmem>>, vector<1x16xf32>,
        %get3A_1401 = vector.shape_cast %get3A_1400 : vector<1x16xf32> to vector<16xf32>
        %mul3A_1402 = vector.broadcast %squeeze3A_1342 : f32 to vector<16xf32>
        %mul3A_1403 = arith.mulf %get3A_1401, %mul3A_1402 : vector<16xf32>
        %swap3A_1404 = arith.index_cast %add3A_1340 : i32 to index
        %swap3A_1405 = arith.constant 80 : index
        %swap3A_1406 = tpu.vector_load %arg11[%swap3A_1404, %swap3A_1405] {strides = array<i32>} : memref<256x128xf32, #tpu.memory_space<vmem>>, vector<1x16xf32>,
        %swap3A_1407 = vector.shape_cast %swap3A_1406 : vector<1x16xf32> to vector<16xf32>
        %swap3A_1408 = vector.shape_cast %mul3A_1403 : vector<16xf32> to vector<1x16xf32>
        tpu.vector_store %arg11[%swap3A_1404, %swap3A_1405], %swap3A_1408 {strides = array<i32>} : memref<256x128xf32, #tpu.memory_space<vmem>>, vector<1x16xf32>,
        %get3A_1409 = arith.index_cast %add3A_1340 : i32 to index
        %get3A_1410 = arith.constant 96 : index
        %get3A_1411 = tpu.vector_load %arg11[%get3A_1409, %get3A_1410] {strides = array<i32>} : memref<256x128xf32, #tpu.memory_space<vmem>>, vector<1x16xf32>,
        %get3A_1412 = vector.shape_cast %get3A_1411 : vector<1x16xf32> to vector<16xf32>
        %mul3A_1413 = vector.broadcast %squeeze3A_1342 : f32 to vector<16xf32>
        %mul3A_1414 = arith.mulf %get3A_1412, %mul3A_1413 : vector<16xf32>
        %swap3A_1415 = arith.index_cast %add3A_1340 : i32 to index
        %swap3A_1416 = arith.constant 96 : index
        %swap3A_1417 = tpu.vector_load %arg11[%swap3A_1415, %swap3A_1416] {strides = array<i32>} : memref<256x128xf32, #tpu.memory_space<vmem>>, vector<1x16xf32>,
        %swap3A_1418 = vector.shape_cast %swap3A_1417 : vector<1x16xf32> to vector<16xf32>
        %swap3A_1419 = vector.shape_cast %mul3A_1414 : vector<16xf32> to vector<1x16xf32>
        tpu.vector_store %arg11[%swap3A_1415, %swap3A_1416], %swap3A_1419 {strides = array<i32>} : memref<256x128xf32, #tpu.memory_space<vmem>>, vector<1x16xf32>,
        %get3A_1420 = arith.index_cast %add3A_1340 : i32 to index
        %get3A_1421 = arith.constant 112 : index
        %get3A_1422 = tpu.vector_load %arg11[%get3A_1420, %get3A_1421] {strides = array<i32>} : memref<256x128xf32, #tpu.memory_space<vmem>>, vector<1x16xf32>,
        %get3A_1423 = vector.shape_cast %get3A_1422 : vector<1x16xf32> to vector<16xf32>
        %mul3A_1424 = vector.broadcast %squeeze3A_1342 : f32 to vector<16xf32>
        %mul3A_1425 = arith.mulf %get3A_1423, %mul3A_1424 : vector<16xf32>
        %swap3A_1426 = arith.index_cast %add3A_1340 : i32 to index
        %swap3A_1427 = arith.constant 112 : index
        %swap3A_1428 = tpu.vector_load %arg11[%swap3A_1426, %swap3A_1427] {strides = array<i32>} : memref<256x128xf32, #tpu.memory_space<vmem>>, vector<1x16xf32>,
        %swap3A_1429 = vector.shape_cast %swap3A_1428 : vector<1x16xf32> to vector<16xf32>
        %swap3A_1430 = vector.shape_cast %mul3A_1425 : vector<16xf32> to vector<1x16xf32>
        tpu.vector_store %arg11[%swap3A_1426, %swap3A_1427], %swap3A_1430 {strides = array<i32>} : memref<256x128xf32, #tpu.memory_space<vmem>>, vector<1x16xf32>,
        %mul3A_1431 = arith.constant 16 : i32
        %mul3A_1432 = arith.muli %add3A_113, %mul3A_1431 : i32
        %add3A_1433 = arith.constant 14 : i32
        %add3A_1434 = arith.addi %mul3A_1432, %add3A_1433 : i32
        %slice3A_1435 = vector.extract_strided_slice %get3A_117 {offsets = [14], sizes = [1], strides = [1]} : vector<16xf32> to vector<1xf32>
        %squeeze3A_1436 = vector.extract %slice3A_1435[0] : f32 from vector<1xf32>
        %get3A_1437 = arith.index_cast %add3A_1434 : i32 to index
        %get3A_1438 = arith.constant 0 : index
        %get3A_1439 = tpu.vector_load %arg11[%get3A_1437, %get3A_1438] {strides = array<i32>} : memref<256x128xf32, #tpu.memory_space<vmem>>, vector<1x16xf32>,
        %get3A_1440 = vector.shape_cast %get3A_1439 : vector<1x16xf32> to vector<16xf32>
        %mul3A_1441 = vector.broadcast %squeeze3A_1436 : f32 to vector<16xf32>
        %mul3A_1442 = arith.mulf %get3A_1440, %mul3A_1441 : vector<16xf32>
        %swap3A_1443 = arith.index_cast %add3A_1434 : i32 to index
        %swap3A_1444 = arith.constant 0 : index
        %swap3A_1445 = tpu.vector_load %arg11[%swap3A_1443, %swap3A_1444] {strides = array<i32>} : memref<256x128xf32, #tpu.memory_space<vmem>>, vector<1x16xf32>,
        %swap3A_1446 = vector.shape_cast %swap3A_1445 : vector<1x16xf32> to vector<16xf32>
        %swap3A_1447 = vector.shape_cast %mul3A_1442 : vector<16xf32> to vector<1x16xf32>
        tpu.vector_store %arg11[%swap3A_1443, %swap3A_1444], %swap3A_1447 {strides = array<i32>} : memref<256x128xf32, #tpu.memory_space<vmem>>, vector<1x16xf32>,
        %get3A_1448 = arith.index_cast %add3A_1434 : i32 to index
        %get3A_1449 = arith.constant 16 : index
        %get3A_1450 = tpu.vector_load %arg11[%get3A_1448, %get3A_1449] {strides = array<i32>} : memref<256x128xf32, #tpu.memory_space<vmem>>, vector<1x16xf32>,
        %get3A_1451 = vector.shape_cast %get3A_1450 : vector<1x16xf32> to vector<16xf32>
        %mul3A_1452 = vector.broadcast %squeeze3A_1436 : f32 to vector<16xf32>
        %mul3A_1453 = arith.mulf %get3A_1451, %mul3A_1452 : vector<16xf32>
        %swap3A_1454 = arith.index_cast %add3A_1434 : i32 to index
        %swap3A_1455 = arith.constant 16 : index
        %swap3A_1456 = tpu.vector_load %arg11[%swap3A_1454, %swap3A_1455] {strides = array<i32>} : memref<256x128xf32, #tpu.memory_space<vmem>>, vector<1x16xf32>,
        %swap3A_1457 = vector.shape_cast %swap3A_1456 : vector<1x16xf32> to vector<16xf32>
        %swap3A_1458 = vector.shape_cast %mul3A_1453 : vector<16xf32> to vector<1x16xf32>
        tpu.vector_store %arg11[%swap3A_1454, %swap3A_1455], %swap3A_1458 {strides = array<i32>} : memref<256x128xf32, #tpu.memory_space<vmem>>, vector<1x16xf32>,
        %get3A_1459 = arith.index_cast %add3A_1434 : i32 to index
        %get3A_1460 = arith.constant 32 : index
        %get3A_1461 = tpu.vector_load %arg11[%get3A_1459, %get3A_1460] {strides = array<i32>} : memref<256x128xf32, #tpu.memory_space<vmem>>, vector<1x16xf32>,
        %get3A_1462 = vector.shape_cast %get3A_1461 : vector<1x16xf32> to vector<16xf32>
        %mul3A_1463 = vector.broadcast %squeeze3A_1436 : f32 to vector<16xf32>
        %mul3A_1464 = arith.mulf %get3A_1462, %mul3A_1463 : vector<16xf32>
        %swap3A_1465 = arith.index_cast %add3A_1434 : i32 to index
        %swap3A_1466 = arith.constant 32 : index
        %swap3A_1467 = tpu.vector_load %arg11[%swap3A_1465, %swap3A_1466] {strides = array<i32>} : memref<256x128xf32, #tpu.memory_space<vmem>>, vector<1x16xf32>,
        %swap3A_1468 = vector.shape_cast %swap3A_1467 : vector<1x16xf32> to vector<16xf32>
        %swap3A_1469 = vector.shape_cast %mul3A_1464 : vector<16xf32> to vector<1x16xf32>
        tpu.vector_store %arg11[%swap3A_1465, %swap3A_1466], %swap3A_1469 {strides = array<i32>} : memref<256x128xf32, #tpu.memory_space<vmem>>, vector<1x16xf32>,
        %get3A_1470 = arith.index_cast %add3A_1434 : i32 to index
        %get3A_1471 = arith.constant 48 : index
        %get3A_1472 = tpu.vector_load %arg11[%get3A_1470, %get3A_1471] {strides = array<i32>} : memref<256x128xf32, #tpu.memory_space<vmem>>, vector<1x16xf32>,
        %get3A_1473 = vector.shape_cast %get3A_1472 : vector<1x16xf32> to vector<16xf32>
        %mul3A_1474 = vector.broadcast %squeeze3A_1436 : f32 to vector<16xf32>
        %mul3A_1475 = arith.mulf %get3A_1473, %mul3A_1474 : vector<16xf32>
        %swap3A_1476 = arith.index_cast %add3A_1434 : i32 to index
        %swap3A_1477 = arith.constant 48 : index
        %swap3A_1478 = tpu.vector_load %arg11[%swap3A_1476, %swap3A_1477] {strides = array<i32>} : memref<256x128xf32, #tpu.memory_space<vmem>>, vector<1x16xf32>,
        %swap3A_1479 = vector.shape_cast %swap3A_1478 : vector<1x16xf32> to vector<16xf32>
        %swap3A_1480 = vector.shape_cast %mul3A_1475 : vector<16xf32> to vector<1x16xf32>
        tpu.vector_store %arg11[%swap3A_1476, %swap3A_1477], %swap3A_1480 {strides = array<i32>} : memref<256x128xf32, #tpu.memory_space<vmem>>, vector<1x16xf32>,
        %get3A_1481 = arith.index_cast %add3A_1434 : i32 to index
        %get3A_1482 = arith.constant 64 : index
        %get3A_1483 = tpu.vector_load %arg11[%get3A_1481, %get3A_1482] {strides = array<i32>} : memref<256x128xf32, #tpu.memory_space<vmem>>, vector<1x16xf32>,
        %get3A_1484 = vector.shape_cast %get3A_1483 : vector<1x16xf32> to vector<16xf32>
        %mul3A_1485 = vector.broadcast %squeeze3A_1436 : f32 to vector<16xf32>
        %mul3A_1486 = arith.mulf %get3A_1484, %mul3A_1485 : vector<16xf32>
        %swap3A_1487 = arith.index_cast %add3A_1434 : i32 to index
        %swap3A_1488 = arith.constant 64 : index
        %swap3A_1489 = tpu.vector_load %arg11[%swap3A_1487, %swap3A_1488] {strides = array<i32>} : memref<256x128xf32, #tpu.memory_space<vmem>>, vector<1x16xf32>,
        %swap3A_1490 = vector.shape_cast %swap3A_1489 : vector<1x16xf32> to vector<16xf32>
        %swap3A_1491 = vector.shape_cast %mul3A_1486 : vector<16xf32> to vector<1x16xf32>
        tpu.vector_store %arg11[%swap3A_1487, %swap3A_1488], %swap3A_1491 {strides = array<i32>} : memref<256x128xf32, #tpu.memory_space<vmem>>, vector<1x16xf32>,
        %get3A_1492 = arith.index_cast %add3A_1434 : i32 to index
        %get3A_1493 = arith.constant 80 : index
        %get3A_1494 = tpu.vector_load %arg11[%get3A_1492, %get3A_1493] {strides = array<i32>} : memref<256x128xf32, #tpu.memory_space<vmem>>, vector<1x16xf32>,
        %get3A_1495 = vector.shape_cast %get3A_1494 : vector<1x16xf32> to vector<16xf32>
        %mul3A_1496 = vector.broadcast %squeeze3A_1436 : f32 to vector<16xf32>
        %mul3A_1497 = arith.mulf %get3A_1495, %mul3A_1496 : vector<16xf32>
        %swap3A_1498 = arith.index_cast %add3A_1434 : i32 to index
        %swap3A_1499 = arith.constant 80 : index
        %swap3A_1500 = tpu.vector_load %arg11[%swap3A_1498, %swap3A_1499] {strides = array<i32>} : memref<256x128xf32, #tpu.memory_space<vmem>>, vector<1x16xf32>,
        %swap3A_1501 = vector.shape_cast %swap3A_1500 : vector<1x16xf32> to vector<16xf32>
        %swap3A_1502 = vector.shape_cast %mul3A_1497 : vector<16xf32> to vector<1x16xf32>
        tpu.vector_store %arg11[%swap3A_1498, %swap3A_1499], %swap3A_1502 {strides = array<i32>} : memref<256x128xf32, #tpu.memory_space<vmem>>, vector<1x16xf32>,
        %get3A_1503 = arith.index_cast %add3A_1434 : i32 to index
        %get3A_1504 = arith.constant 96 : index
        %get3A_1505 = tpu.vector_load %arg11[%get3A_1503, %get3A_1504] {strides = array<i32>} : memref<256x128xf32, #tpu.memory_space<vmem>>, vector<1x16xf32>,
        %get3A_1506 = vector.shape_cast %get3A_1505 : vector<1x16xf32> to vector<16xf32>
        %mul3A_1507 = vector.broadcast %squeeze3A_1436 : f32 to vector<16xf32>
        %mul3A_1508 = arith.mulf %get3A_1506, %mul3A_1507 : vector<16xf32>
        %swap3A_1509 = arith.index_cast %add3A_1434 : i32 to index
        %swap3A_1510 = arith.constant 96 : index
        %swap3A_1511 = tpu.vector_load %arg11[%swap3A_1509, %swap3A_1510] {strides = array<i32>} : memref<256x128xf32, #tpu.memory_space<vmem>>, vector<1x16xf32>,
        %swap3A_1512 = vector.shape_cast %swap3A_1511 : vector<1x16xf32> to vector<16xf32>
        %swap3A_1513 = vector.shape_cast %mul3A_1508 : vector<16xf32> to vector<1x16xf32>
        tpu.vector_store %arg11[%swap3A_1509, %swap3A_1510], %swap3A_1513 {strides = array<i32>} : memref<256x128xf32, #tpu.memory_space<vmem>>, vector<1x16xf32>,
        %get3A_1514 = arith.index_cast %add3A_1434 : i32 to index
        %get3A_1515 = arith.constant 112 : index
        %get3A_1516 = tpu.vector_load %arg11[%get3A_1514, %get3A_1515] {strides = array<i32>} : memref<256x128xf32, #tpu.memory_space<vmem>>, vector<1x16xf32>,
        %get3A_1517 = vector.shape_cast %get3A_1516 : vector<1x16xf32> to vector<16xf32>
        %mul3A_1518 = vector.broadcast %squeeze3A_1436 : f32 to vector<16xf32>
        %mul3A_1519 = arith.mulf %get3A_1517, %mul3A_1518 : vector<16xf32>
        %swap3A_1520 = arith.index_cast %add3A_1434 : i32 to index
        %swap3A_1521 = arith.constant 112 : index
        %swap3A_1522 = tpu.vector_load %arg11[%swap3A_1520, %swap3A_1521] {strides = array<i32>} : memref<256x128xf32, #tpu.memory_space<vmem>>, vector<1x16xf32>,
        %swap3A_1523 = vector.shape_cast %swap3A_1522 : vector<1x16xf32> to vector<16xf32>
        %swap3A_1524 = vector.shape_cast %mul3A_1519 : vector<16xf32> to vector<1x16xf32>
        tpu.vector_store %arg11[%swap3A_1520, %swap3A_1521], %swap3A_1524 {strides = array<i32>} : memref<256x128xf32, #tpu.memory_space<vmem>>, vector<1x16xf32>,
        %mul3A_1525 = arith.constant 16 : i32
        %mul3A_1526 = arith.muli %add3A_113, %mul3A_1525 : i32
        %add3A_1527 = arith.constant 15 : i32
        %add3A_1528 = arith.addi %mul3A_1526, %add3A_1527 : i32
        %slice3A_1529 = vector.extract_strided_slice %get3A_117 {offsets = [15], sizes = [1], strides = [1]} : vector<16xf32> to vector<1xf32>
        %squeeze3A_1530 = vector.extract %slice3A_1529[0] : f32 from vector<1xf32>
        %get3A_1531 = arith.index_cast %add3A_1528 : i32 to index
        %get3A_1532 = arith.constant 0 : index
        %get3A_1533 = tpu.vector_load %arg11[%get3A_1531, %get3A_1532] {strides = array<i32>} : memref<256x128xf32, #tpu.memory_space<vmem>>, vector<1x16xf32>,
        %get3A_1534 = vector.shape_cast %get3A_1533 : vector<1x16xf32> to vector<16xf32>
        %mul3A_1535 = vector.broadcast %squeeze3A_1530 : f32 to vector<16xf32>
        %mul3A_1536 = arith.mulf %get3A_1534, %mul3A_1535 : vector<16xf32>
        %swap3A_1537 = arith.index_cast %add3A_1528 : i32 to index
        %swap3A_1538 = arith.constant 0 : index
        %swap3A_1539 = tpu.vector_load %arg11[%swap3A_1537, %swap3A_1538] {strides = array<i32>} : memref<256x128xf32, #tpu.memory_space<vmem>>, vector<1x16xf32>,
        %swap3A_1540 = vector.shape_cast %swap3A_1539 : vector<1x16xf32> to vector<16xf32>
        %swap3A_1541 = vector.shape_cast %mul3A_1536 : vector<16xf32> to vector<1x16xf32>
        tpu.vector_store %arg11[%swap3A_1537, %swap3A_1538], %swap3A_1541 {strides = array<i32>} : memref<256x128xf32, #tpu.memory_space<vmem>>, vector<1x16xf32>,
        %get3A_1542 = arith.index_cast %add3A_1528 : i32 to index
        %get3A_1543 = arith.constant 16 : index
        %get3A_1544 = tpu.vector_load %arg11[%get3A_1542, %get3A_1543] {strides = array<i32>} : memref<256x128xf32, #tpu.memory_space<vmem>>, vector<1x16xf32>,
        %get3A_1545 = vector.shape_cast %get3A_1544 : vector<1x16xf32> to vector<16xf32>
        %mul3A_1546 = vector.broadcast %squeeze3A_1530 : f32 to vector<16xf32>
        %mul3A_1547 = arith.mulf %get3A_1545, %mul3A_1546 : vector<16xf32>
        %swap3A_1548 = arith.index_cast %add3A_1528 : i32 to index
        %swap3A_1549 = arith.constant 16 : index
        %swap3A_1550 = tpu.vector_load %arg11[%swap3A_1548, %swap3A_1549] {strides = array<i32>} : memref<256x128xf32, #tpu.memory_space<vmem>>, vector<1x16xf32>,
        %swap3A_1551 = vector.shape_cast %swap3A_1550 : vector<1x16xf32> to vector<16xf32>
        %swap3A_1552 = vector.shape_cast %mul3A_1547 : vector<16xf32> to vector<1x16xf32>
        tpu.vector_store %arg11[%swap3A_1548, %swap3A_1549], %swap3A_1552 {strides = array<i32>} : memref<256x128xf32, #tpu.memory_space<vmem>>, vector<1x16xf32>,
        %get3A_1553 = arith.index_cast %add3A_1528 : i32 to index
        %get3A_1554 = arith.constant 32 : index
        %get3A_1555 = tpu.vector_load %arg11[%get3A_1553, %get3A_1554] {strides = array<i32>} : memref<256x128xf32, #tpu.memory_space<vmem>>, vector<1x16xf32>,
        %get3A_1556 = vector.shape_cast %get3A_1555 : vector<1x16xf32> to vector<16xf32>
        %mul3A_1557 = vector.broadcast %squeeze3A_1530 : f32 to vector<16xf32>
        %mul3A_1558 = arith.mulf %get3A_1556, %mul3A_1557 : vector<16xf32>
        %swap3A_1559 = arith.index_cast %add3A_1528 : i32 to index
        %swap3A_1560 = arith.constant 32 : index
        %swap3A_1561 = tpu.vector_load %arg11[%swap3A_1559, %swap3A_1560] {strides = array<i32>} : memref<256x128xf32, #tpu.memory_space<vmem>>, vector<1x16xf32>,
        %swap3A_1562 = vector.shape_cast %swap3A_1561 : vector<1x16xf32> to vector<16xf32>
        %swap3A_1563 = vector.shape_cast %mul3A_1558 : vector<16xf32> to vector<1x16xf32>
        tpu.vector_store %arg11[%swap3A_1559, %swap3A_1560], %swap3A_1563 {strides = array<i32>} : memref<256x128xf32, #tpu.memory_space<vmem>>, vector<1x16xf32>,
        %get3A_1564 = arith.index_cast %add3A_1528 : i32 to index
        %get3A_1565 = arith.constant 48 : index
        %get3A_1566 = tpu.vector_load %arg11[%get3A_1564, %get3A_1565] {strides = array<i32>} : memref<256x128xf32, #tpu.memory_space<vmem>>, vector<1x16xf32>,
        %get3A_1567 = vector.shape_cast %get3A_1566 : vector<1x16xf32> to vector<16xf32>
        %mul3A_1568 = vector.broadcast %squeeze3A_1530 : f32 to vector<16xf32>
        %mul3A_1569 = arith.mulf %get3A_1567, %mul3A_1568 : vector<16xf32>
        %swap3A_1570 = arith.index_cast %add3A_1528 : i32 to index
        %swap3A_1571 = arith.constant 48 : index
        %swap3A_1572 = tpu.vector_load %arg11[%swap3A_1570, %swap3A_1571] {strides = array<i32>} : memref<256x128xf32, #tpu.memory_space<vmem>>, vector<1x16xf32>,
        %swap3A_1573 = vector.shape_cast %swap3A_1572 : vector<1x16xf32> to vector<16xf32>
        %swap3A_1574 = vector.shape_cast %mul3A_1569 : vector<16xf32> to vector<1x16xf32>
        tpu.vector_store %arg11[%swap3A_1570, %swap3A_1571], %swap3A_1574 {strides = array<i32>} : memref<256x128xf32, #tpu.memory_space<vmem>>, vector<1x16xf32>,
        %get3A_1575 = arith.index_cast %add3A_1528 : i32 to index
        %get3A_1576 = arith.constant 64 : index
        %get3A_1577 = tpu.vector_load %arg11[%get3A_1575, %get3A_1576] {strides = array<i32>} : memref<256x128xf32, #tpu.memory_space<vmem>>, vector<1x16xf32>,
        %get3A_1578 = vector.shape_cast %get3A_1577 : vector<1x16xf32> to vector<16xf32>
        %mul3A_1579 = vector.broadcast %squeeze3A_1530 : f32 to vector<16xf32>
        %mul3A_1580 = arith.mulf %get3A_1578, %mul3A_1579 : vector<16xf32>
        %swap3A_1581 = arith.index_cast %add3A_1528 : i32 to index
        %swap3A_1582 = arith.constant 64 : index
        %swap3A_1583 = tpu.vector_load %arg11[%swap3A_1581, %swap3A_1582] {strides = array<i32>} : memref<256x128xf32, #tpu.memory_space<vmem>>, vector<1x16xf32>,
        %swap3A_1584 = vector.shape_cast %swap3A_1583 : vector<1x16xf32> to vector<16xf32>
        %swap3A_1585 = vector.shape_cast %mul3A_1580 : vector<16xf32> to vector<1x16xf32>
        tpu.vector_store %arg11[%swap3A_1581, %swap3A_1582], %swap3A_1585 {strides = array<i32>} : memref<256x128xf32, #tpu.memory_space<vmem>>, vector<1x16xf32>,
        %get3A_1586 = arith.index_cast %add3A_1528 : i32 to index
        %get3A_1587 = arith.constant 80 : index
        %get3A_1588 = tpu.vector_load %arg11[%get3A_1586, %get3A_1587] {strides = array<i32>} : memref<256x128xf32, #tpu.memory_space<vmem>>, vector<1x16xf32>,
        %get3A_1589 = vector.shape_cast %get3A_1588 : vector<1x16xf32> to vector<16xf32>
        %mul3A_1590 = vector.broadcast %squeeze3A_1530 : f32 to vector<16xf32>
        %mul3A_1591 = arith.mulf %get3A_1589, %mul3A_1590 : vector<16xf32>
        %swap3A_1592 = arith.index_cast %add3A_1528 : i32 to index
        %swap3A_1593 = arith.constant 80 : index
        %swap3A_1594 = tpu.vector_load %arg11[%swap3A_1592, %swap3A_1593] {strides = array<i32>} : memref<256x128xf32, #tpu.memory_space<vmem>>, vector<1x16xf32>,
        %swap3A_1595 = vector.shape_cast %swap3A_1594 : vector<1x16xf32> to vector<16xf32>
        %swap3A_1596 = vector.shape_cast %mul3A_1591 : vector<16xf32> to vector<1x16xf32>
        tpu.vector_store %arg11[%swap3A_1592, %swap3A_1593], %swap3A_1596 {strides = array<i32>} : memref<256x128xf32, #tpu.memory_space<vmem>>, vector<1x16xf32>,
        %get3A_1597 = arith.index_cast %add3A_1528 : i32 to index
        %get3A_1598 = arith.constant 96 : index
        %get3A_1599 = tpu.vector_load %arg11[%get3A_1597, %get3A_1598] {strides = array<i32>} : memref<256x128xf32, #tpu.memory_space<vmem>>, vector<1x16xf32>,
        %get3A_1600 = vector.shape_cast %get3A_1599 : vector<1x16xf32> to vector<16xf32>
        %mul3A_1601 = vector.broadcast %squeeze3A_1530 : f32 to vector<16xf32>
        %mul3A_1602 = arith.mulf %get3A_1600, %mul3A_1601 : vector<16xf32>
        %swap3A_1603 = arith.index_cast %add3A_1528 : i32 to index
        %swap3A_1604 = arith.constant 96 : index
        %swap3A_1605 = tpu.vector_load %arg11[%swap3A_1603, %swap3A_1604] {strides = array<i32>} : memref<256x128xf32, #tpu.memory_space<vmem>>, vector<1x16xf32>,
        %swap3A_1606 = vector.shape_cast %swap3A_1605 : vector<1x16xf32> to vector<16xf32>
        %swap3A_1607 = vector.shape_cast %mul3A_1602 : vector<16xf32> to vector<1x16xf32>
        tpu.vector_store %arg11[%swap3A_1603, %swap3A_1604], %swap3A_1607 {strides = array<i32>} : memref<256x128xf32, #tpu.memory_space<vmem>>, vector<1x16xf32>,
        %get3A_1608 = arith.index_cast %add3A_1528 : i32 to index
        %get3A_1609 = arith.constant 112 : index
        %get3A_1610 = tpu.vector_load %arg11[%get3A_1608, %get3A_1609] {strides = array<i32>} : memref<256x128xf32, #tpu.memory_space<vmem>>, vector<1x16xf32>,
        %get3A_1611 = vector.shape_cast %get3A_1610 : vector<1x16xf32> to vector<16xf32>
        %mul3A_1612 = vector.broadcast %squeeze3A_1530 : f32 to vector<16xf32>
        %mul3A_1613 = arith.mulf %get3A_1611, %mul3A_1612 : vector<16xf32>
        %swap3A_1614 = arith.index_cast %add3A_1528 : i32 to index
        %swap3A_1615 = arith.constant 112 : index
        %swap3A_1616 = tpu.vector_load %arg11[%swap3A_1614, %swap3A_1615] {strides = array<i32>} : memref<256x128xf32, #tpu.memory_space<vmem>>, vector<1x16xf32>,
        %swap3A_1617 = vector.shape_cast %swap3A_1616 : vector<1x16xf32> to vector<16xf32>
        %swap3A_1618 = vector.shape_cast %mul3A_1613 : vector<16xf32> to vector<1x16xf32>
        tpu.vector_store %arg11[%swap3A_1614, %swap3A_1615], %swap3A_1618 {strides = array<i32>} : memref<256x128xf32, #tpu.memory_space<vmem>>, vector<1x16xf32>,
      }
      %scan3A_107 = arith.constant 16 : i32
      %run_scoped3A = arith.constant 0 : i32
      "tpu.region"() ({
        %run_scoped3A_109 = tpu.sem_alloc : memref<!tpu.dma_semaphore, #tpu.memory_space<semaphore_mem>>
        %dma_start3A_110 = arith.constant 0 : i32
        %dma_start3A_111 = arith.constant 0 : i32
        %dma_start3A_112 = tpu.memref_slice %arg11[%dma_start3A_110, %dma_start3A_111] : memref<256x128xf32, #tpu.memory_space<vmem>> -> memref<128x128xf32, #tpu.memory_space<vmem>>
        %dma_start3A_113 = arith.constant 0 : i32
        %dma_start3A_114 = tpu.memref_slice %arg9[%run_scoped3A, %dma_start3A_113] : memref<2x128xi32, #tpu.memory_space<vmem>> -> memref<1x128xi32, #tpu.memory_space<vmem>>
        %dma_start3A_115 = tpu.memref_squeeze %dma_start3A_114 : memref<1x128xi32, #tpu.memory_space<vmem>> -> memref<128xi32, #tpu.memory_space<vmem>>
        %dma_start3A_116 = arith.constant 0 : i32
        %dma_start3A_117 = arith.constant 0 : i32
        %dma_start3A_118 = tpu.memref_slice %arg7[%dma_start3A_116, %dma_start3A_117] : memref<10000x128xf32, #tpu.memory_space<vmem_shared>> -> memref<10000x128xf32, #tpu.memory_space<vmem_shared>>
        tpu.enqueue_indirect_dma source(%dma_start3A_112 : memref<128x128xf32, #tpu.memory_space<vmem>>) target(%dma_start3A_118 : memref<10000x128xf32, #tpu.memory_space<vmem_shared>>) offsets(%dma_start3A_115 : memref<128xi32, #tpu.memory_space<vmem>>) semaphore(%run_scoped3A_109 : memref<!tpu.dma_semaphore, #tpu.memory_space<semaphore_mem>>) {add = true}
        %dma_wait3A_119 = arith.constant 0 : i32
        %dma_wait3A_120 = arith.constant 0 : i32
        %dma_wait3A_121 = tpu.memref_slice %arg11[%dma_wait3A_119, %dma_wait3A_120] : memref<256x128xf32, #tpu.memory_space<vmem>> -> memref<128x128xf32, #tpu.memory_space<vmem>>
        %dma_wait3A_122 = arith.constant 0 : i32
        %dma_wait3A_123 = tpu.memref_slice %arg9[%run_scoped3A, %dma_wait3A_122] : memref<2x128xi32, #tpu.memory_space<vmem>> -> memref<1x128xi32, #tpu.memory_space<vmem>>
        %dma_wait3A_124 = tpu.memref_squeeze %dma_wait3A_123 : memref<1x128xi32, #tpu.memory_space<vmem>> -> memref<128xi32, #tpu.memory_space<vmem>>
        %dma_wait3A_125 = arith.constant 0 : i32
        %dma_wait3A_126 = arith.constant 0 : i32
        %dma_wait3A_127 = tpu.memref_slice %arg7[%dma_wait3A_125, %dma_wait3A_126] : memref<10000x128xf32, #tpu.memory_space<vmem_shared>> -> memref<10000x128xf32, #tpu.memory_space<vmem_shared>>
        tpu.wait_indirect_dma semaphore(%run_scoped3A_109 : memref<!tpu.dma_semaphore, #tpu.memory_space<semaphore_mem>>) src(%dma_wait3A_121 : memref<128x128xf32, #tpu.memory_space<vmem>>) dst(%dma_wait3A_127 : memref<10000x128xf32, #tpu.memory_space<vmem_shared>>)
        tpu.yield
      }) : () -> ()
      %run_scoped3A_108 = arith.constant 1 : i32
      "tpu.region"() ({
        %run_scoped3A_109 = tpu.sem_alloc : memref<!tpu.dma_semaphore, #tpu.memory_space<semaphore_mem>>
        %dma_start3A_110 = arith.constant 128 : i32
        %dma_start3A_111 = arith.constant 0 : i32
        %dma_start3A_112 = tpu.memref_slice %arg11[%dma_start3A_110, %dma_start3A_111] : memref<256x128xf32, #tpu.memory_space<vmem>> -> memref<128x128xf32, #tpu.memory_space<vmem>>
        %dma_start3A_113 = arith.constant 0 : i32
        %dma_start3A_114 = tpu.memref_slice %arg9[%run_scoped3A_108, %dma_start3A_113] : memref<2x128xi32, #tpu.memory_space<vmem>> -> memref<1x128xi32, #tpu.memory_space<vmem>>
        %dma_start3A_115 = tpu.memref_squeeze %dma_start3A_114 : memref<1x128xi32, #tpu.memory_space<vmem>> -> memref<128xi32, #tpu.memory_space<vmem>>
        %dma_start3A_116 = arith.constant 0 : i32
        %dma_start3A_117 = arith.constant 0 : i32
        %dma_start3A_118 = tpu.memref_slice %arg7[%dma_start3A_116, %dma_start3A_117] : memref<10000x128xf32, #tpu.memory_space<vmem_shared>> -> memref<10000x128xf32, #tpu.memory_space<vmem_shared>>
        tpu.enqueue_indirect_dma source(%dma_start3A_112 : memref<128x128xf32, #tpu.memory_space<vmem>>) target(%dma_start3A_118 : memref<10000x128xf32, #tpu.memory_space<vmem_shared>>) offsets(%dma_start3A_115 : memref<128xi32, #tpu.memory_space<vmem>>) semaphore(%run_scoped3A_109 : memref<!tpu.dma_semaphore, #tpu.memory_space<semaphore_mem>>) {add = true}
        %dma_wait3A_119 = arith.constant 128 : i32
        %dma_wait3A_120 = arith.constant 0 : i32
        %dma_wait3A_121 = tpu.memref_slice %arg11[%dma_wait3A_119, %dma_wait3A_120] : memref<256x128xf32, #tpu.memory_space<vmem>> -> memref<128x128xf32, #tpu.memory_space<vmem>>
        %dma_wait3A_122 = arith.constant 0 : i32
        %dma_wait3A_123 = tpu.memref_slice %arg9[%run_scoped3A_108, %dma_wait3A_122] : memref<2x128xi32, #tpu.memory_space<vmem>> -> memref<1x128xi32, #tpu.memory_space<vmem>>
        %dma_wait3A_124 = tpu.memref_squeeze %dma_wait3A_123 : memref<1x128xi32, #tpu.memory_space<vmem>> -> memref<128xi32, #tpu.memory_space<vmem>>
        %dma_wait3A_125 = arith.constant 0 : i32
        %dma_wait3A_126 = arith.constant 0 : i32
        %dma_wait3A_127 = tpu.memref_slice %arg7[%dma_wait3A_125, %dma_wait3A_126] : memref<10000x128xf32, #tpu.memory_space<vmem_shared>> -> memref<10000x128xf32, #tpu.memory_space<vmem_shared>>
        tpu.wait_indirect_dma semaphore(%run_scoped3A_109 : memref<!tpu.dma_semaphore, #tpu.memory_space<semaphore_mem>>) src(%dma_wait3A_121 : memref<128x128xf32, #tpu.memory_space<vmem>>) dst(%dma_wait3A_127 : memref<10000x128xf32, #tpu.memory_space<vmem_shared>>)
        tpu.yield
      }) : () -> ()
    }
    %scan3A_26 = arith.constant 80 : i32
    %barrier3A_27 = arith.constant 0 : index
    tpu.barrier barrier_id(%barrier3A_27)
    %sub3A_28 = arith.constant 0 : i32
    %sub3A_29 = arith.subi %select_n3A, %sub3A_28 : i32
    %sub3A_30 = arith.constant 1 : i32
    %sub3A_31 = arith.constant 1 : i32
    %sub3A_32 = arith.subi %sub3A_30, %sub3A_31 : i32
    %add3A_33 = arith.addi %sub3A_29, %sub3A_32 : i32
    %div3A_34 = arith.constant 1 : i32
    %div3A_35 = arith.divsi %add3A_33, %div3A_34 : i32
    %while3A_36 = arith.constant 1 : i32
    %while3A_37 = arith.constant 0 : i32
    %while3A_38 = arith.constant 0 : i32
    %while3A_39 = arith.subi %div3A_35, %while3A_38 : i32
    %while3A_40 = arith.addi %while3A_38, %while3A_39 : i32
    %while3A_41 = arith.constant 1 : i32
    %while3A_42 = arith.divsi %while3A_39, %while3A_41 : i32
    %while3A_43 = arith.muli %while3A_42, %while3A_41 : i32
    %while3A_44 = arith.addi %while3A_38, %while3A_43 : i32
    %while3A_45 = arith.constant 1 : i32
    scf.for %while3A_47 = %while3A_38 to %while3A_44 step %while3A_45  : i32 {
      %mul3A = arith.muli %while3A_47, %while3A_36 : i32
      %add3A_48 = arith.addi %while3A_37, %mul3A : i32
      %mul3A_49 = arith.constant 16 : i32
      %mul3A_50 = arith.muli %add3A_48, %mul3A_49 : i32
      %add3A_51 = arith.addi %arg1, %mul3A_50 : i32
      %mul3A_52 = arith.constant 80 : i32
      %mul3A_53 = arith.muli %add3A_51, %mul3A_52 : i32
      "tpu.region"() ({
        %run_scoped3A = tpu.sem_alloc : memref<!tpu.dma_semaphore, #tpu.memory_space<semaphore_mem>>
        %dma_start3A = arith.constant 0 : i32
        %dma_start3A_62 = arith.constant 0 : i32
        %dma_start3A_63 = tpu.memref_slice %arg11[%dma_start3A, %dma_start3A_62] : memref<256x128xf32, #tpu.memory_space<vmem>> -> memref<80x128xf32, #tpu.memory_space<vmem>>
        %dma_start3A_64 = arith.constant 0 : i32
        %dma_start3A_65 = tpu.memref_slice %arg7[%mul3A_53, %dma_start3A_64] : memref<10000x128xf32, #tpu.memory_space<vmem_shared>> -> memref<80x128xf32, #tpu.memory_space<vmem_shared>>
        %dma_start3A_66 = arith.constant 0 : i32
        %dma_start3A_67 = arith.constant 0 : i32
        %dma_start3A_68 = tpu.memref_slice %arg11[%dma_start3A_66, %dma_start3A_67] : memref<256x128xf32, #tpu.memory_space<vmem>> -> memref<80x128xf32, #tpu.memory_space<vmem>>
        %dma_start3A_69 = arith.constant 0 : i32
        %dma_start3A_70 = tpu.memref_slice %arg7[%mul3A_53, %dma_start3A_69] : memref<10000x128xf32, #tpu.memory_space<vmem_shared>> -> memref<80x128xf32, #tpu.memory_space<vmem_shared>>
        tpu.enqueue_dma source(%dma_start3A_70 : memref<80x128xf32, #tpu.memory_space<vmem_shared>>) target(%dma_start3A_68 : memref<80x128xf32, #tpu.memory_space<vmem>>) target_semaphore(%run_scoped3A : memref<!tpu.dma_semaphore, #tpu.memory_space<semaphore_mem>>)
        %dma_wait3A = arith.constant 0 : i32
        %dma_wait3A_71 = arith.constant 0 : i32
        %dma_wait3A_72 = tpu.memref_slice %arg11[%dma_wait3A, %dma_wait3A_71] : memref<256x128xf32, #tpu.memory_space<vmem>> -> memref<80x128xf32, #tpu.memory_space<vmem>>
        %dma_wait3A_73 = arith.constant 0 : i32
        %dma_wait3A_74 = tpu.memref_slice %arg7[%mul3A_53, %dma_wait3A_73] : memref<10000x128xf32, #tpu.memory_space<vmem_shared>> -> memref<80x128xf32, #tpu.memory_space<vmem_shared>>
        %dma_wait3A_75 = arith.constant 0 : i32
        %dma_wait3A_76 = arith.constant 0 : i32
        %dma_wait3A_77 = tpu.memref_slice %arg11[%dma_wait3A_75, %dma_wait3A_76] : memref<256x128xf32, #tpu.memory_space<vmem>> -> memref<80x128xf32, #tpu.memory_space<vmem>>
        %dma_wait3A_78 = arith.constant 0 : i32
        %dma_wait3A_79 = tpu.memref_slice %arg7[%mul3A_53, %dma_wait3A_78] : memref<10000x128xf32, #tpu.memory_space<vmem_shared>> -> memref<80x128xf32, #tpu.memory_space<vmem_shared>>
        tpu.wait_dma2 semaphore(%run_scoped3A : memref<!tpu.dma_semaphore, #tpu.memory_space<semaphore_mem>>) src(%dma_wait3A_79 : memref<80x128xf32, #tpu.memory_space<vmem_shared>>) dst(%dma_wait3A_77 : memref<80x128xf32, #tpu.memory_space<vmem>>)
        tpu.yield
      }) : () -> ()
      %scan3A_54 = arith.constant 0 : i32
      %scan3A_55 = arith.constant 80 : i32
      %scan3A_56 = arith.addi %scan3A_54, %scan3A_55 : i32
      %scan3A_57 = arith.constant 1 : i32
      scf.for %scan3A_62 = %scan3A_54 to %scan3A_56 step %scan3A_57  : i32 {
        %mul3A_63 = arith.constant 1 : i32
        %mul3A_64 = arith.muli %scan3A_62, %mul3A_63 : i32
        %add3A_65 = arith.constant 0 : i32
        %add3A_66 = arith.addi %add3A_65, %mul3A_64 : i32
        %get3A = arith.index_cast %add3A_66 : i32 to index
        %get3A_67 = arith.constant 0 : index
        %get3A_68 = tpu.vector_load %arg11[%get3A, %get3A_67] {strides = array<i32>} : memref<256x128xf32, #tpu.memory_space<vmem>>, vector<1x16xf32>,
        %get3A_69 = vector.shape_cast %get3A_68 : vector<1x16xf32> to vector<16xf32>
        %max3A = arith.constant 0.000000e+00 : f32
        %max3A_70 = vector.broadcast %max3A : f32 to vector<16xf32>
        %max3A_71 = arith.maximumf %get3A_69, %max3A_70 : vector<16xf32>
        %swap3A = arith.index_cast %add3A_66 : i32 to index
        %swap3A_72 = arith.constant 0 : index
        %swap3A_73 = tpu.vector_load %arg11[%swap3A, %swap3A_72] {strides = array<i32>} : memref<256x128xf32, #tpu.memory_space<vmem>>, vector<1x16xf32>,
        %swap3A_74 = vector.shape_cast %swap3A_73 : vector<1x16xf32> to vector<16xf32>
        %swap3A_75 = vector.shape_cast %max3A_71 : vector<16xf32> to vector<1x16xf32>
        tpu.vector_store %arg11[%swap3A, %swap3A_72], %swap3A_75 {strides = array<i32>} : memref<256x128xf32, #tpu.memory_space<vmem>>, vector<1x16xf32>,
        %get3A_76 = arith.index_cast %add3A_66 : i32 to index
        %get3A_77 = arith.constant 16 : index
        %get3A_78 = tpu.vector_load %arg11[%get3A_76, %get3A_77] {strides = array<i32>} : memref<256x128xf32, #tpu.memory_space<vmem>>, vector<1x16xf32>,
        %get3A_79 = vector.shape_cast %get3A_78 : vector<1x16xf32> to vector<16xf32>
        %max3A_80 = arith.constant 0.000000e+00 : f32
        %max3A_81 = vector.broadcast %max3A_80 : f32 to vector<16xf32>
        %max3A_82 = arith.maximumf %get3A_79, %max3A_81 : vector<16xf32>
        %swap3A_83 = arith.index_cast %add3A_66 : i32 to index
        %swap3A_84 = arith.constant 16 : index
        %swap3A_85 = tpu.vector_load %arg11[%swap3A_83, %swap3A_84] {strides = array<i32>} : memref<256x128xf32, #tpu.memory_space<vmem>>, vector<1x16xf32>,
        %swap3A_86 = vector.shape_cast %swap3A_85 : vector<1x16xf32> to vector<16xf32>
        %swap3A_87 = vector.shape_cast %max3A_82 : vector<16xf32> to vector<1x16xf32>
        tpu.vector_store %arg11[%swap3A_83, %swap3A_84], %swap3A_87 {strides = array<i32>} : memref<256x128xf32, #tpu.memory_space<vmem>>, vector<1x16xf32>,
        %get3A_88 = arith.index_cast %add3A_66 : i32 to index
        %get3A_89 = arith.constant 32 : index
        %get3A_90 = tpu.vector_load %arg11[%get3A_88, %get3A_89] {strides = array<i32>} : memref<256x128xf32, #tpu.memory_space<vmem>>, vector<1x16xf32>,
        %get3A_91 = vector.shape_cast %get3A_90 : vector<1x16xf32> to vector<16xf32>
        %max3A_92 = arith.constant 0.000000e+00 : f32
        %max3A_93 = vector.broadcast %max3A_92 : f32 to vector<16xf32>
        %max3A_94 = arith.maximumf %get3A_91, %max3A_93 : vector<16xf32>
        %swap3A_95 = arith.index_cast %add3A_66 : i32 to index
        %swap3A_96 = arith.constant 32 : index
        %swap3A_97 = tpu.vector_load %arg11[%swap3A_95, %swap3A_96] {strides = array<i32>} : memref<256x128xf32, #tpu.memory_space<vmem>>, vector<1x16xf32>,
        %swap3A_98 = vector.shape_cast %swap3A_97 : vector<1x16xf32> to vector<16xf32>
        %swap3A_99 = vector.shape_cast %max3A_94 : vector<16xf32> to vector<1x16xf32>
        tpu.vector_store %arg11[%swap3A_95, %swap3A_96], %swap3A_99 {strides = array<i32>} : memref<256x128xf32, #tpu.memory_space<vmem>>, vector<1x16xf32>,
        %get3A_100 = arith.index_cast %add3A_66 : i32 to index
        %get3A_101 = arith.constant 48 : index
        %get3A_102 = tpu.vector_load %arg11[%get3A_100, %get3A_101] {strides = array<i32>} : memref<256x128xf32, #tpu.memory_space<vmem>>, vector<1x16xf32>,
        %get3A_103 = vector.shape_cast %get3A_102 : vector<1x16xf32> to vector<16xf32>
        %max3A_104 = arith.constant 0.000000e+00 : f32
        %max3A_105 = vector.broadcast %max3A_104 : f32 to vector<16xf32>
        %max3A_106 = arith.maximumf %get3A_103, %max3A_105 : vector<16xf32>
        %swap3A_107 = arith.index_cast %add3A_66 : i32 to index
        %swap3A_108 = arith.constant 48 : index
        %swap3A_109 = tpu.vector_load %arg11[%swap3A_107, %swap3A_108] {strides = array<i32>} : memref<256x128xf32, #tpu.memory_space<vmem>>, vector<1x16xf32>,
        %swap3A_110 = vector.shape_cast %swap3A_109 : vector<1x16xf32> to vector<16xf32>
        %swap3A_111 = vector.shape_cast %max3A_106 : vector<16xf32> to vector<1x16xf32>
        tpu.vector_store %arg11[%swap3A_107, %swap3A_108], %swap3A_111 {strides = array<i32>} : memref<256x128xf32, #tpu.memory_space<vmem>>, vector<1x16xf32>,
        %get3A_112 = arith.index_cast %add3A_66 : i32 to index
        %get3A_113 = arith.constant 64 : index
        %get3A_114 = tpu.vector_load %arg11[%get3A_112, %get3A_113] {strides = array<i32>} : memref<256x128xf32, #tpu.memory_space<vmem>>, vector<1x16xf32>,
        %get3A_115 = vector.shape_cast %get3A_114 : vector<1x16xf32> to vector<16xf32>
        %max3A_116 = arith.constant 0.000000e+00 : f32
        %max3A_117 = vector.broadcast %max3A_116 : f32 to vector<16xf32>
        %max3A_118 = arith.maximumf %get3A_115, %max3A_117 : vector<16xf32>
        %swap3A_119 = arith.index_cast %add3A_66 : i32 to index
        %swap3A_120 = arith.constant 64 : index
        %swap3A_121 = tpu.vector_load %arg11[%swap3A_119, %swap3A_120] {strides = array<i32>} : memref<256x128xf32, #tpu.memory_space<vmem>>, vector<1x16xf32>,
        %swap3A_122 = vector.shape_cast %swap3A_121 : vector<1x16xf32> to vector<16xf32>
        %swap3A_123 = vector.shape_cast %max3A_118 : vector<16xf32> to vector<1x16xf32>
        tpu.vector_store %arg11[%swap3A_119, %swap3A_120], %swap3A_123 {strides = array<i32>} : memref<256x128xf32, #tpu.memory_space<vmem>>, vector<1x16xf32>,
        %get3A_124 = arith.index_cast %add3A_66 : i32 to index
        %get3A_125 = arith.constant 80 : index
        %get3A_126 = tpu.vector_load %arg11[%get3A_124, %get3A_125] {strides = array<i32>} : memref<256x128xf32, #tpu.memory_space<vmem>>, vector<1x16xf32>,
        %get3A_127 = vector.shape_cast %get3A_126 : vector<1x16xf32> to vector<16xf32>
        %max3A_128 = arith.constant 0.000000e+00 : f32
        %max3A_129 = vector.broadcast %max3A_128 : f32 to vector<16xf32>
        %max3A_130 = arith.maximumf %get3A_127, %max3A_129 : vector<16xf32>
        %swap3A_131 = arith.index_cast %add3A_66 : i32 to index
        %swap3A_132 = arith.constant 80 : index
        %swap3A_133 = tpu.vector_load %arg11[%swap3A_131, %swap3A_132] {strides = array<i32>} : memref<256x128xf32, #tpu.memory_space<vmem>>, vector<1x16xf32>,
        %swap3A_134 = vector.shape_cast %swap3A_133 : vector<1x16xf32> to vector<16xf32>
        %swap3A_135 = vector.shape_cast %max3A_130 : vector<16xf32> to vector<1x16xf32>
        tpu.vector_store %arg11[%swap3A_131, %swap3A_132], %swap3A_135 {strides = array<i32>} : memref<256x128xf32, #tpu.memory_space<vmem>>, vector<1x16xf32>,
        %get3A_136 = arith.index_cast %add3A_66 : i32 to index
        %get3A_137 = arith.constant 96 : index
        %get3A_138 = tpu.vector_load %arg11[%get3A_136, %get3A_137] {strides = array<i32>} : memref<256x128xf32, #tpu.memory_space<vmem>>, vector<1x16xf32>,
        %get3A_139 = vector.shape_cast %get3A_138 : vector<1x16xf32> to vector<16xf32>
        %max3A_140 = arith.constant 0.000000e+00 : f32
        %max3A_141 = vector.broadcast %max3A_140 : f32 to vector<16xf32>
        %max3A_142 = arith.maximumf %get3A_139, %max3A_141 : vector<16xf32>
        %swap3A_143 = arith.index_cast %add3A_66 : i32 to index
        %swap3A_144 = arith.constant 96 : index
        %swap3A_145 = tpu.vector_load %arg11[%swap3A_143, %swap3A_144] {strides = array<i32>} : memref<256x128xf32, #tpu.memory_space<vmem>>, vector<1x16xf32>,
        %swap3A_146 = vector.shape_cast %swap3A_145 : vector<1x16xf32> to vector<16xf32>
        %swap3A_147 = vector.shape_cast %max3A_142 : vector<16xf32> to vector<1x16xf32>
        tpu.vector_store %arg11[%swap3A_143, %swap3A_144], %swap3A_147 {strides = array<i32>} : memref<256x128xf32, #tpu.memory_space<vmem>>, vector<1x16xf32>,
        %get3A_148 = arith.index_cast %add3A_66 : i32 to index
        %get3A_149 = arith.constant 112 : index
        %get3A_150 = tpu.vector_load %arg11[%get3A_148, %get3A_149] {strides = array<i32>} : memref<256x128xf32, #tpu.memory_space<vmem>>, vector<1x16xf32>,
        %get3A_151 = vector.shape_cast %get3A_150 : vector<1x16xf32> to vector<16xf32>
        %max3A_152 = arith.constant 0.000000e+00 : f32
        %max3A_153 = vector.broadcast %max3A_152 : f32 to vector<16xf32>
        %max3A_154 = arith.maximumf %get3A_151, %max3A_153 : vector<16xf32>
        %swap3A_155 = arith.index_cast %add3A_66 : i32 to index
        %swap3A_156 = arith.constant 112 : index
        %swap3A_157 = tpu.vector_load %arg11[%swap3A_155, %swap3A_156] {strides = array<i32>} : memref<256x128xf32, #tpu.memory_space<vmem>>, vector<1x16xf32>,
        %swap3A_158 = vector.shape_cast %swap3A_157 : vector<1x16xf32> to vector<16xf32>
        %swap3A_159 = vector.shape_cast %max3A_154 : vector<16xf32> to vector<1x16xf32>
        tpu.vector_store %arg11[%swap3A_155, %swap3A_156], %swap3A_159 {strides = array<i32>} : memref<256x128xf32, #tpu.memory_space<vmem>>, vector<1x16xf32>,
      }
      %scan3A_58 = arith.constant 80 : i32
      %mul3A_59 = arith.constant 10000 : i32
      %mul3A_60 = arith.muli %arg0, %mul3A_59 : i32
      %add3A_61 = arith.addi %mul3A_60, %mul3A_53 : i32
      "tpu.region"() ({
        %run_scoped3A = tpu.sem_alloc : memref<!tpu.dma_semaphore, #tpu.memory_space<semaphore_mem>>
        %dma_start3A = arith.constant 0 : i32
        %dma_start3A_62 = arith.constant 0 : i32
        %dma_start3A_63 = tpu.memref_slice %arg11[%dma_start3A, %dma_start3A_62] : memref<256x128xf32, #tpu.memory_space<vmem>> -> memref<80x128xf32, #tpu.memory_space<vmem>>
        %dma_start3A_64 = arith.constant 0 : i32
        %dma_start3A_65 = tpu.memref_slice %arg6[%add3A_61, %dma_start3A_64] : memref<20000x128xf32, #tpu.memory_space<hbm>> -> memref<80x128xf32, #tpu.memory_space<hbm>>
        %dma_start3A_66 = arith.constant 0 : i32
        %dma_start3A_67 = tpu.memref_slice %arg6[%add3A_61, %dma_start3A_66] : memref<20000x128xf32, #tpu.memory_space<hbm>> -> memref<80x128xf32, #tpu.memory_space<hbm>>
        %dma_start3A_68 = arith.constant 0 : i32
        %dma_start3A_69 = arith.constant 0 : i32
        %dma_start3A_70 = tpu.memref_slice %arg11[%dma_start3A_68, %dma_start3A_69] : memref<256x128xf32, #tpu.memory_space<vmem>> -> memref<80x128xf32, #tpu.memory_space<vmem>>
        tpu.enqueue_dma source(%dma_start3A_70 : memref<80x128xf32, #tpu.memory_space<vmem>>) target(%dma_start3A_67 : memref<80x128xf32, #tpu.memory_space<hbm>>) target_semaphore(%run_scoped3A : memref<!tpu.dma_semaphore, #tpu.memory_space<semaphore_mem>>)
        %dma_wait3A = arith.constant 0 : i32
        %dma_wait3A_71 = arith.constant 0 : i32
        %dma_wait3A_72 = tpu.memref_slice %arg11[%dma_wait3A, %dma_wait3A_71] : memref<256x128xf32, #tpu.memory_space<vmem>> -> memref<80x128xf32, #tpu.memory_space<vmem>>
        %dma_wait3A_73 = arith.constant 0 : i32
        %dma_wait3A_74 = tpu.memref_slice %arg6[%add3A_61, %dma_wait3A_73] : memref<20000x128xf32, #tpu.memory_space<hbm>> -> memref<80x128xf32, #tpu.memory_space<hbm>>
        %dma_wait3A_75 = arith.constant 0 : i32
        %dma_wait3A_76 = tpu.memref_slice %arg6[%add3A_61, %dma_wait3A_75] : memref<20000x128xf32, #tpu.memory_space<hbm>> -> memref<80x128xf32, #tpu.memory_space<hbm>>
        %dma_wait3A_77 = arith.constant 0 : i32
        %dma_wait3A_78 = arith.constant 0 : i32
        %dma_wait3A_79 = tpu.memref_slice %arg11[%dma_wait3A_77, %dma_wait3A_78] : memref<256x128xf32, #tpu.memory_space<vmem>> -> memref<80x128xf32, #tpu.memory_space<vmem>>
        tpu.wait_dma2 semaphore(%run_scoped3A : memref<!tpu.dma_semaphore, #tpu.memory_space<semaphore_mem>>) src(%dma_wait3A_79 : memref<80x128xf32, #tpu.memory_space<vmem>>) dst(%dma_wait3A_76 : memref<80x128xf32, #tpu.memory_space<hbm>>)
        tpu.yield
      }) : () -> ()
    }
    %while3A_46 = arith.constant 1 : i32
    scf.for %while3A_47 = %while3A_44 to %while3A_40 step %while3A_46  : i32 {
      %mul3A = arith.muli %while3A_47, %while3A_36 : i32
      %add3A_48 = arith.addi %while3A_37, %mul3A : i32
      %mul3A_49 = arith.constant 16 : i32
      %mul3A_50 = arith.muli %add3A_48, %mul3A_49 : i32
      %add3A_51 = arith.addi %arg1, %mul3A_50 : i32
      %mul3A_52 = arith.constant 80 : i32
      %mul3A_53 = arith.muli %add3A_51, %mul3A_52 : i32
      "tpu.region"() ({
        %run_scoped3A = tpu.sem_alloc : memref<!tpu.dma_semaphore, #tpu.memory_space<semaphore_mem>>
        %dma_start3A = arith.constant 0 : i32
        %dma_start3A_62 = arith.constant 0 : i32
        %dma_start3A_63 = tpu.memref_slice %arg11[%dma_start3A, %dma_start3A_62] : memref<256x128xf32, #tpu.memory_space<vmem>> -> memref<80x128xf32, #tpu.memory_space<vmem>>
        %dma_start3A_64 = arith.constant 0 : i32
        %dma_start3A_65 = tpu.memref_slice %arg7[%mul3A_53, %dma_start3A_64] : memref<10000x128xf32, #tpu.memory_space<vmem_shared>> -> memref<80x128xf32, #tpu.memory_space<vmem_shared>>
        %dma_start3A_66 = arith.constant 0 : i32
        %dma_start3A_67 = arith.constant 0 : i32
        %dma_start3A_68 = tpu.memref_slice %arg11[%dma_start3A_66, %dma_start3A_67] : memref<256x128xf32, #tpu.memory_space<vmem>> -> memref<80x128xf32, #tpu.memory_space<vmem>>
        %dma_start3A_69 = arith.constant 0 : i32
        %dma_start3A_70 = tpu.memref_slice %arg7[%mul3A_53, %dma_start3A_69] : memref<10000x128xf32, #tpu.memory_space<vmem_shared>> -> memref<80x128xf32, #tpu.memory_space<vmem_shared>>
        tpu.enqueue_dma source(%dma_start3A_70 : memref<80x128xf32, #tpu.memory_space<vmem_shared>>) target(%dma_start3A_68 : memref<80x128xf32, #tpu.memory_space<vmem>>) target_semaphore(%run_scoped3A : memref<!tpu.dma_semaphore, #tpu.memory_space<semaphore_mem>>)
        %dma_wait3A = arith.constant 0 : i32
        %dma_wait3A_71 = arith.constant 0 : i32
        %dma_wait3A_72 = tpu.memref_slice %arg11[%dma_wait3A, %dma_wait3A_71] : memref<256x128xf32, #tpu.memory_space<vmem>> -> memref<80x128xf32, #tpu.memory_space<vmem>>
        %dma_wait3A_73 = arith.constant 0 : i32
        %dma_wait3A_74 = tpu.memref_slice %arg7[%mul3A_53, %dma_wait3A_73] : memref<10000x128xf32, #tpu.memory_space<vmem_shared>> -> memref<80x128xf32, #tpu.memory_space<vmem_shared>>
        %dma_wait3A_75 = arith.constant 0 : i32
        %dma_wait3A_76 = arith.constant 0 : i32
        %dma_wait3A_77 = tpu.memref_slice %arg11[%dma_wait3A_75, %dma_wait3A_76] : memref<256x128xf32, #tpu.memory_space<vmem>> -> memref<80x128xf32, #tpu.memory_space<vmem>>
        %dma_wait3A_78 = arith.constant 0 : i32
        %dma_wait3A_79 = tpu.memref_slice %arg7[%mul3A_53, %dma_wait3A_78] : memref<10000x128xf32, #tpu.memory_space<vmem_shared>> -> memref<80x128xf32, #tpu.memory_space<vmem_shared>>
        tpu.wait_dma2 semaphore(%run_scoped3A : memref<!tpu.dma_semaphore, #tpu.memory_space<semaphore_mem>>) src(%dma_wait3A_79 : memref<80x128xf32, #tpu.memory_space<vmem_shared>>) dst(%dma_wait3A_77 : memref<80x128xf32, #tpu.memory_space<vmem>>)
        tpu.yield
      }) : () -> ()
      %scan3A_54 = arith.constant 0 : i32
      %scan3A_55 = arith.constant 80 : i32
      %scan3A_56 = arith.addi %scan3A_54, %scan3A_55 : i32
      %scan3A_57 = arith.constant 1 : i32
      scf.for %scan3A_62 = %scan3A_54 to %scan3A_56 step %scan3A_57  : i32 {
        %mul3A_63 = arith.constant 1 : i32
        %mul3A_64 = arith.muli %scan3A_62, %mul3A_63 : i32
        %add3A_65 = arith.constant 0 : i32
        %add3A_66 = arith.addi %add3A_65, %mul3A_64 : i32
        %get3A = arith.index_cast %add3A_66 : i32 to index
        %get3A_67 = arith.constant 0 : index
        %get3A_68 = tpu.vector_load %arg11[%get3A, %get3A_67] {strides = array<i32>} : memref<256x128xf32, #tpu.memory_space<vmem>>, vector<1x16xf32>,
        %get3A_69 = vector.shape_cast %get3A_68 : vector<1x16xf32> to vector<16xf32>
        %max3A = arith.constant 0.000000e+00 : f32
        %max3A_70 = vector.broadcast %max3A : f32 to vector<16xf32>
        %max3A_71 = arith.maximumf %get3A_69, %max3A_70 : vector<16xf32>
        %swap3A = arith.index_cast %add3A_66 : i32 to index
        %swap3A_72 = arith.constant 0 : index
        %swap3A_73 = tpu.vector_load %arg11[%swap3A, %swap3A_72] {strides = array<i32>} : memref<256x128xf32, #tpu.memory_space<vmem>>, vector<1x16xf32>,
        %swap3A_74 = vector.shape_cast %swap3A_73 : vector<1x16xf32> to vector<16xf32>
        %swap3A_75 = vector.shape_cast %max3A_71 : vector<16xf32> to vector<1x16xf32>
        tpu.vector_store %arg11[%swap3A, %swap3A_72], %swap3A_75 {strides = array<i32>} : memref<256x128xf32, #tpu.memory_space<vmem>>, vector<1x16xf32>,
        %get3A_76 = arith.index_cast %add3A_66 : i32 to index
        %get3A_77 = arith.constant 16 : index
        %get3A_78 = tpu.vector_load %arg11[%get3A_76, %get3A_77] {strides = array<i32>} : memref<256x128xf32, #tpu.memory_space<vmem>>, vector<1x16xf32>,
        %get3A_79 = vector.shape_cast %get3A_78 : vector<1x16xf32> to vector<16xf32>
        %max3A_80 = arith.constant 0.000000e+00 : f32
        %max3A_81 = vector.broadcast %max3A_80 : f32 to vector<16xf32>
        %max3A_82 = arith.maximumf %get3A_79, %max3A_81 : vector<16xf32>
        %swap3A_83 = arith.index_cast %add3A_66 : i32 to index
        %swap3A_84 = arith.constant 16 : index
        %swap3A_85 = tpu.vector_load %arg11[%swap3A_83, %swap3A_84] {strides = array<i32>} : memref<256x128xf32, #tpu.memory_space<vmem>>, vector<1x16xf32>,
        %swap3A_86 = vector.shape_cast %swap3A_85 : vector<1x16xf32> to vector<16xf32>
        %swap3A_87 = vector.shape_cast %max3A_82 : vector<16xf32> to vector<1x16xf32>
        tpu.vector_store %arg11[%swap3A_83, %swap3A_84], %swap3A_87 {strides = array<i32>} : memref<256x128xf32, #tpu.memory_space<vmem>>, vector<1x16xf32>,
        %get3A_88 = arith.index_cast %add3A_66 : i32 to index
        %get3A_89 = arith.constant 32 : index
        %get3A_90 = tpu.vector_load %arg11[%get3A_88, %get3A_89] {strides = array<i32>} : memref<256x128xf32, #tpu.memory_space<vmem>>, vector<1x16xf32>,
        %get3A_91 = vector.shape_cast %get3A_90 : vector<1x16xf32> to vector<16xf32>
        %max3A_92 = arith.constant 0.000000e+00 : f32
        %max3A_93 = vector.broadcast %max3A_92 : f32 to vector<16xf32>
        %max3A_94 = arith.maximumf %get3A_91, %max3A_93 : vector<16xf32>
        %swap3A_95 = arith.index_cast %add3A_66 : i32 to index
        %swap3A_96 = arith.constant 32 : index
        %swap3A_97 = tpu.vector_load %arg11[%swap3A_95, %swap3A_96] {strides = array<i32>} : memref<256x128xf32, #tpu.memory_space<vmem>>, vector<1x16xf32>,
        %swap3A_98 = vector.shape_cast %swap3A_97 : vector<1x16xf32> to vector<16xf32>
        %swap3A_99 = vector.shape_cast %max3A_94 : vector<16xf32> to vector<1x16xf32>
        tpu.vector_store %arg11[%swap3A_95, %swap3A_96], %swap3A_99 {strides = array<i32>} : memref<256x128xf32, #tpu.memory_space<vmem>>, vector<1x16xf32>,
        %get3A_100 = arith.index_cast %add3A_66 : i32 to index
        %get3A_101 = arith.constant 48 : index
        %get3A_102 = tpu.vector_load %arg11[%get3A_100, %get3A_101] {strides = array<i32>} : memref<256x128xf32, #tpu.memory_space<vmem>>, vector<1x16xf32>,
        %get3A_103 = vector.shape_cast %get3A_102 : vector<1x16xf32> to vector<16xf32>
        %max3A_104 = arith.constant 0.000000e+00 : f32
        %max3A_105 = vector.broadcast %max3A_104 : f32 to vector<16xf32>
        %max3A_106 = arith.maximumf %get3A_103, %max3A_105 : vector<16xf32>
        %swap3A_107 = arith.index_cast %add3A_66 : i32 to index
        %swap3A_108 = arith.constant 48 : index
        %swap3A_109 = tpu.vector_load %arg11[%swap3A_107, %swap3A_108] {strides = array<i32>} : memref<256x128xf32, #tpu.memory_space<vmem>>, vector<1x16xf32>,
        %swap3A_110 = vector.shape_cast %swap3A_109 : vector<1x16xf32> to vector<16xf32>
        %swap3A_111 = vector.shape_cast %max3A_106 : vector<16xf32> to vector<1x16xf32>
        tpu.vector_store %arg11[%swap3A_107, %swap3A_108], %swap3A_111 {strides = array<i32>} : memref<256x128xf32, #tpu.memory_space<vmem>>, vector<1x16xf32>,
        %get3A_112 = arith.index_cast %add3A_66 : i32 to index
        %get3A_113 = arith.constant 64 : index
        %get3A_114 = tpu.vector_load %arg11[%get3A_112, %get3A_113] {strides = array<i32>} : memref<256x128xf32, #tpu.memory_space<vmem>>, vector<1x16xf32>,
        %get3A_115 = vector.shape_cast %get3A_114 : vector<1x16xf32> to vector<16xf32>
        %max3A_116 = arith.constant 0.000000e+00 : f32
        %max3A_117 = vector.broadcast %max3A_116 : f32 to vector<16xf32>
        %max3A_118 = arith.maximumf %get3A_115, %max3A_117 : vector<16xf32>
        %swap3A_119 = arith.index_cast %add3A_66 : i32 to index
        %swap3A_120 = arith.constant 64 : index
        %swap3A_121 = tpu.vector_load %arg11[%swap3A_119, %swap3A_120] {strides = array<i32>} : memref<256x128xf32, #tpu.memory_space<vmem>>, vector<1x16xf32>,
        %swap3A_122 = vector.shape_cast %swap3A_121 : vector<1x16xf32> to vector<16xf32>
        %swap3A_123 = vector.shape_cast %max3A_118 : vector<16xf32> to vector<1x16xf32>
        tpu.vector_store %arg11[%swap3A_119, %swap3A_120], %swap3A_123 {strides = array<i32>} : memref<256x128xf32, #tpu.memory_space<vmem>>, vector<1x16xf32>,
        %get3A_124 = arith.index_cast %add3A_66 : i32 to index
        %get3A_125 = arith.constant 80 : index
        %get3A_126 = tpu.vector_load %arg11[%get3A_124, %get3A_125] {strides = array<i32>} : memref<256x128xf32, #tpu.memory_space<vmem>>, vector<1x16xf32>,
        %get3A_127 = vector.shape_cast %get3A_126 : vector<1x16xf32> to vector<16xf32>
        %max3A_128 = arith.constant 0.000000e+00 : f32
        %max3A_129 = vector.broadcast %max3A_128 : f32 to vector<16xf32>
        %max3A_130 = arith.maximumf %get3A_127, %max3A_129 : vector<16xf32>
        %swap3A_131 = arith.index_cast %add3A_66 : i32 to index
        %swap3A_132 = arith.constant 80 : index
        %swap3A_133 = tpu.vector_load %arg11[%swap3A_131, %swap3A_132] {strides = array<i32>} : memref<256x128xf32, #tpu.memory_space<vmem>>, vector<1x16xf32>,
        %swap3A_134 = vector.shape_cast %swap3A_133 : vector<1x16xf32> to vector<16xf32>
        %swap3A_135 = vector.shape_cast %max3A_130 : vector<16xf32> to vector<1x16xf32>
        tpu.vector_store %arg11[%swap3A_131, %swap3A_132], %swap3A_135 {strides = array<i32>} : memref<256x128xf32, #tpu.memory_space<vmem>>, vector<1x16xf32>,
        %get3A_136 = arith.index_cast %add3A_66 : i32 to index
        %get3A_137 = arith.constant 96 : index
        %get3A_138 = tpu.vector_load %arg11[%get3A_136, %get3A_137] {strides = array<i32>} : memref<256x128xf32, #tpu.memory_space<vmem>>, vector<1x16xf32>,
        %get3A_139 = vector.shape_cast %get3A_138 : vector<1x16xf32> to vector<16xf32>
        %max3A_140 = arith.constant 0.000000e+00 : f32
        %max3A_141 = vector.broadcast %max3A_140 : f32 to vector<16xf32>
        %max3A_142 = arith.maximumf %get3A_139, %max3A_141 : vector<16xf32>
        %swap3A_143 = arith.index_cast %add3A_66 : i32 to index
        %swap3A_144 = arith.constant 96 : index
        %swap3A_145 = tpu.vector_load %arg11[%swap3A_143, %swap3A_144] {strides = array<i32>} : memref<256x128xf32, #tpu.memory_space<vmem>>, vector<1x16xf32>,
        %swap3A_146 = vector.shape_cast %swap3A_145 : vector<1x16xf32> to vector<16xf32>
        %swap3A_147 = vector.shape_cast %max3A_142 : vector<16xf32> to vector<1x16xf32>
        tpu.vector_store %arg11[%swap3A_143, %swap3A_144], %swap3A_147 {strides = array<i32>} : memref<256x128xf32, #tpu.memory_space<vmem>>, vector<1x16xf32>,
        %get3A_148 = arith.index_cast %add3A_66 : i32 to index
        %get3A_149 = arith.constant 112 : index
        %get3A_150 = tpu.vector_load %arg11[%get3A_148, %get3A_149] {strides = array<i32>} : memref<256x128xf32, #tpu.memory_space<vmem>>, vector<1x16xf32>,
        %get3A_151 = vector.shape_cast %get3A_150 : vector<1x16xf32> to vector<16xf32>
        %max3A_152 = arith.constant 0.000000e+00 : f32
        %max3A_153 = vector.broadcast %max3A_152 : f32 to vector<16xf32>
        %max3A_154 = arith.maximumf %get3A_151, %max3A_153 : vector<16xf32>
        %swap3A_155 = arith.index_cast %add3A_66 : i32 to index
        %swap3A_156 = arith.constant 112 : index
        %swap3A_157 = tpu.vector_load %arg11[%swap3A_155, %swap3A_156] {strides = array<i32>} : memref<256x128xf32, #tpu.memory_space<vmem>>, vector<1x16xf32>,
        %swap3A_158 = vector.shape_cast %swap3A_157 : vector<1x16xf32> to vector<16xf32>
        %swap3A_159 = vector.shape_cast %max3A_154 : vector<16xf32> to vector<1x16xf32>
        tpu.vector_store %arg11[%swap3A_155, %swap3A_156], %swap3A_159 {strides = array<i32>} : memref<256x128xf32, #tpu.memory_space<vmem>>, vector<1x16xf32>,
      }
      %scan3A_58 = arith.constant 80 : i32
      %mul3A_59 = arith.constant 10000 : i32
      %mul3A_60 = arith.muli %arg0, %mul3A_59 : i32
      %add3A_61 = arith.addi %mul3A_60, %mul3A_53 : i32
      "tpu.region"() ({
        %run_scoped3A = tpu.sem_alloc : memref<!tpu.dma_semaphore, #tpu.memory_space<semaphore_mem>>
        %dma_start3A = arith.constant 0 : i32
        %dma_start3A_62 = arith.constant 0 : i32
        %dma_start3A_63 = tpu.memref_slice %arg11[%dma_start3A, %dma_start3A_62] : memref<256x128xf32, #tpu.memory_space<vmem>> -> memref<80x128xf32, #tpu.memory_space<vmem>>
        %dma_start3A_64 = arith.constant 0 : i32
        %dma_start3A_65 = tpu.memref_slice %arg6[%add3A_61, %dma_start3A_64] : memref<20000x128xf32, #tpu.memory_space<hbm>> -> memref<80x128xf32, #tpu.memory_space<hbm>>
        %dma_start3A_66 = arith.constant 0 : i32
        %dma_start3A_67 = tpu.memref_slice %arg6[%add3A_61, %dma_start3A_66] : memref<20000x128xf32, #tpu.memory_space<hbm>> -> memref<80x128xf32, #tpu.memory_space<hbm>>
        %dma_start3A_68 = arith.constant 0 : i32
        %dma_start3A_69 = arith.constant 0 : i32
        %dma_start3A_70 = tpu.memref_slice %arg11[%dma_start3A_68, %dma_start3A_69] : memref<256x128xf32, #tpu.memory_space<vmem>> -> memref<80x128xf32, #tpu.memory_space<vmem>>
        tpu.enqueue_dma source(%dma_start3A_70 : memref<80x128xf32, #tpu.memory_space<vmem>>) target(%dma_start3A_67 : memref<80x128xf32, #tpu.memory_space<hbm>>) target_semaphore(%run_scoped3A : memref<!tpu.dma_semaphore, #tpu.memory_space<semaphore_mem>>)
        %dma_wait3A = arith.constant 0 : i32
        %dma_wait3A_71 = arith.constant 0 : i32
        %dma_wait3A_72 = tpu.memref_slice %arg11[%dma_wait3A, %dma_wait3A_71] : memref<256x128xf32, #tpu.memory_space<vmem>> -> memref<80x128xf32, #tpu.memory_space<vmem>>
        %dma_wait3A_73 = arith.constant 0 : i32
        %dma_wait3A_74 = tpu.memref_slice %arg6[%add3A_61, %dma_wait3A_73] : memref<20000x128xf32, #tpu.memory_space<hbm>> -> memref<80x128xf32, #tpu.memory_space<hbm>>
        %dma_wait3A_75 = arith.constant 0 : i32
        %dma_wait3A_76 = tpu.memref_slice %arg6[%add3A_61, %dma_wait3A_75] : memref<20000x128xf32, #tpu.memory_space<hbm>> -> memref<80x128xf32, #tpu.memory_space<hbm>>
        %dma_wait3A_77 = arith.constant 0 : i32
        %dma_wait3A_78 = arith.constant 0 : i32
        %dma_wait3A_79 = tpu.memref_slice %arg11[%dma_wait3A_77, %dma_wait3A_78] : memref<256x128xf32, #tpu.memory_space<vmem>> -> memref<80x128xf32, #tpu.memory_space<vmem>>
        tpu.wait_dma2 semaphore(%run_scoped3A : memref<!tpu.dma_semaphore, #tpu.memory_space<semaphore_mem>>) src(%dma_wait3A_79 : memref<80x128xf32, #tpu.memory_space<vmem>>) dst(%dma_wait3A_76 : memref<80x128xf32, #tpu.memory_space<hbm>>)
        tpu.yield
      }) : () -> ()
    }
    return
  }
}

module attributes {stable_mosaic.version = 14 : i64} {
  func.func @_mm_body(%arg0: i32, %arg1: memref<1000x128xf32, #tpu.memory_space<vmem>>, %arg2: memref<128x128xf32, #tpu.memory_space<vmem>>, %arg3: memref<1000x128xf32, #tpu.memory_space<vmem>>) attributes {dimension_semantics = [#tpu.dimension_semantics<arbitrary>], iteration_bounds = array<i64: 20>, scalar_prefetch = 0 : i64, scratch_operands = 0 : i64, tpu.core_type = #tpu.core_type<tc>, window_params = [{transform_indices = @transform_0, window_bounds = array<i64: 1000, 128>}, {pipeline_mode = #tpu.pipeline_mode<synchronous>, transform_indices = @transform_1, window_bounds = array<i64: 128, 128>}, {transform_indices = @transform_2, window_bounds = array<i64: 1000, 128>}]} {
    %get3A = arith.constant 0 : index
    %get3A_0 = arith.constant 0 : index
    %get3A_1 = vector.load %arg1[%get3A, %get3A_0] : memref<1000x128xf32, #tpu.memory_space<vmem>>, vector<1000x128xf32>
    %get3A_2 = arith.constant 0 : index
    %get3A_3 = arith.constant 0 : index
    %get3A_4 = vector.load %arg2[%get3A_2, %get3A_3] : memref<128x128xf32, #tpu.memory_space<vmem>>, vector<128x128xf32>
    %dot_general3A = arith.constant dense<0.000000e+00> : vector<1000x128xf32>
    %dot_general3A_5 = tpu.matmul %get3A_1, %get3A_4, %dot_general3A {dimension_numbers = #tpu.dot_dimension_numbers<[1], [0], [0], [1], [0, 0, 1, 1], [], []>, transpose_lhs_hint = false} : vector<1000x128xf32>, vector<128x128xf32>, vector<1000x128xf32> -> vector<1000x128xf32>
    %swap3A = arith.constant 0 : index
    %swap3A_6 = arith.constant 0 : index
    %swap3A_7 = vector.load %arg3[%swap3A, %swap3A_6] : memref<1000x128xf32, #tpu.memory_space<vmem>>, vector<1000x128xf32>
    tpu.vector_store %arg3[%swap3A, %swap3A_6], %dot_general3A_5 {strides = array<i32>} : memref<1000x128xf32, #tpu.memory_space<vmem>>, vector<1000x128xf32>,
    return
  }
  func.func @transform_0(%arg0: i32) -> (i32, i32) {
    %c0_i32 = arith.constant 0 : i32
    %c0_i32_0 = arith.constant 0 : i32
    return %arg0, %c0_i32 : i32, i32
  }
  func.func @transform_1(%arg0: i32) -> (i32, i32) {
    %c0_i32 = arith.constant 0 : i32
    %c0_i32_0 = arith.constant 0 : i32
    %c0_i32_1 = arith.constant 0 : i32
    return %c0_i32, %c0_i32_0 : i32, i32
  }
  func.func @transform_2(%arg0: i32) -> (i32, i32) {
    %c0_i32 = arith.constant 0 : i32
    %c0_i32_0 = arith.constant 0 : i32
    return %arg0, %c0_i32 : i32, i32
  }
}

</mosaic_0001>

<sc_bundles>
// kernel: kernel.4.cloned.1.call-start
scs
__scs_entry_jumppad:
0x0: {  	(pc) =	sbr.rel $0x88, $3  }
0x1: {  	(tag) =	ssettag $0x0;
	lr =	simm.s32 $0x1  }
0x2: {  	[smem:$0x3F9A] =	sst lr;
	_ =	strace $0xD0000000  }
0x3: {  	_ = 	snop  }
0x4: {  	_ = 	snop  }
0x5: {  	_ = 	snop  }
0x6: {  	_ = 	snop  }
0x7: {  	_ = 	snop  }
__scs_overlays_trampoline_lowered:
0x8: {  	[smem:$0x3FA9] =	sst s0  }
0x9: {  	[smem:$0x3FAA] =	sst s1  }
0xa: {  	[smem:$0x3FAB] =	sst s2  }
0xb: {  	[smem:$0x3FAC] =	sst s3  }
0xc: {  	[smem:$0x3FAD] =	sst s4  }
0xd: {  	[smem:$0x3FAE] =	sst s5  }
0xe: {  	[smem:$0x3FAF] =	sst s6  }
0xf: {  	[smem:$0x3FB0] =	sst s7  }
0x10: {  	[smem:$0x3FB1] =	sst s8  }
0x11: {  	[smem:$0x3FB2] =	sst s9;
	s0 =	simm.s32 @!p0 $0x0  }
0x12: {  	s1 =	sld [smem:$0x3F98];
	s0 =	simm.s32 @p0 $0x1  }
0x13: {  	[smem:$0x3FB3] =	sst s0;
	s0 =	simm.s32 @!p1 $0x0  }
0x14: {  	s2 =	sld [smem:$0x3F97];
	s0 =	simm.s32 @p1 $0x1  }
0x15: {  	[smem:$0x3FB4] =	sst s0;
	s0 =	simm.s32 @!p2 $0x0  }
0x16: {  	s3 =	sld [smem:$0x3FDB];
	s0 =	simm.s32 @p2 $0x1  }
0x17: {  	s4 =	simm.s32 $0x1BF5;
	[smem:$0x3FB6] =	sst s0  }
0x18: {  	s0 =	sld [smem:$0x3F99];
	_ =	swait.ge [sflag:s4], $0x0  }
0x19: {  	s7 =	sld [smem:$0x3F9A]  }
0x1a: {  	s8 =	sadd.s32 $0xFFFFE003, lr  }
0x1b: {  	s9 =	sadd.s32 $0xFFFFFEF7, lr;
	s5 =	simm.s32 $0xFFFFFFFF;
	p2 =	slt.u32 s8, $0xFFFFF086  }
0x1c: {  	p1 =	slt.u32 s9, $0xF7A;
	s5 =	simm.s32 @!p2 $0x0  }
0x1d: {  	s5 =	simm.s32 @p1 $0x1;
	p0 =	seq.s32 s7, s2  }
0x1e: {  	s7 =	smul.u32 @!p0 $0xF7A, s2;
	p2 =	seq.s32 @!p0 s5, $0x0  }
0x1f: {  	s9 =	smul.u32 $0xF7A, s1;
	s8 =	simm.s32 @!p0 $0x1BF5;
	p2 =	por !p2, p0  }
0x20: {  	[sflag:s8] =	ssyncset.s32 @!p0 $0xFFFFF086;
	s6 =	sadd.s32 @!p0 s3, s7;
	s7 =	simm.s32 @!p0 $0x108  }
0x21: {  	s3 =	sadd.s32 s3, s9;
	s6 =	sadd.s32 @!p0 $0x88, s6;
	s7 =	simm.s32 @p2 $0x1082  }
0x22: {  	[simem:s7], [sflag:s8] =	dma.local @!p0 [hbm:s6], $0xF7A  }
0x23: {  	s9 =	sor.u32 $0xD0000000, s2;
	s6 =	simm.s32 $0x108;
	_ =	swait.ge @!p0 [sflag:s8], $0x0  }
0x24: {  	s3 =	sadd.s32 $0x88, s3;
	s6 =	simm.s32 @!p1 $0x1082;
	[sflag:s4] =	ssyncset.s32 $0xFFFFF086  }
0x25: {  	[simem:s6], [sflag:s4] =	dma.local [hbm:s3], $0xF7A  }
0x26: {  	[smem:$0x3F9A] =	sst s1;
	(tag) =	ssettag s2;
	_ =	strace s9  }
0x27: {  	s1 =	sld [smem:$0x3FAA]  }
0x28: {  	s2 =	sld [smem:$0x3FAB]  }
0x29: {  	s4 =	sld [smem:$0x3FAD]  }
0x2a: {  	p0 =	seq.s32 s5, $0x0;
	s5 =	sld [smem:$0x3FAE]  }
0x2b: {  	s6 =	sld [smem:$0x3FAF]  }
0x2c: {  	s7 =	sld [smem:$0x3FB0]  }
0x2d: {  	s3 =	simm.s32 $0x108;
	s8 =	sld [smem:$0x3FB1]  }
0x2e: {  	s3 =	simm.s32 @!p0 $0x1082;
	s9 =	sld [smem:$0x3FB2]  }
0x2f: {  	lr =	sadd.s32 s0, s3;
	s0 =	sld [smem:$0x3FA9]  }
0x30: {  	s3 =	sld [smem:$0x3FAC]  }
0x31: {  	[smem:$0x3FB5] =	sst s10  }
0x32: {  	s10 =	sld [smem:$0x3FB3];
	_ =	sdelay $0x3  }
0x33: {  	p0 =	seq.s32 s10, $0x1;
	s10 =	sld [smem:$0x3FB5];
	_ =	sdelay $0x3  }
0x34: {  	[smem:$0x3FB5] =	sst s10  }
0x35: {  	s10 =	sld [smem:$0x3FB4];
	_ =	sdelay $0x3  }
0x36: {  	p1 =	seq.s32 s10, $0x1;
	s10 =	sld [smem:$0x3FB5];
	_ =	sdelay $0x3  }
0x37: {  	[smem:$0x3FB5] =	sst s10  }
0x38: {  	s10 =	sld [smem:$0x3FB6]  }
0x39: {  	_ = 	snop;
	(pc) =	sbr.ind lr, $3  }
0x3a: {  	_ = 	snop  }
0x3b: {  	_ = 	snop  }
0x3c: {  	p2 =	seq.s32 s10, $0x1;
	s10 =	sld [smem:$0x3FB5]  }
0x3d: {  	_ =	shalt  }
0x3e: {  	_ =	shalt  }
0x3f: {  	_ =	shalt  }
0x40: {  	_ =	shalt  }
0x41: {  	_ =	shalt  }
0x42: {  	_ =	shalt  }
0x43: {  	_ =	shalt  }
0x44: {  	_ =	shalt  }
0x45: {  	_ =	shalt  }
0x46: {  	_ =	shalt  }
0x47: {  	_ =	shalt  }
0x48: {  	_ =	shalt  }
0x49: {  	_ =	shalt  }
0x4a: {  	_ =	shalt  }
0x4b: {  	_ =	shalt  }
0x4c: {  	_ =	shalt  }
0x4d: {  	_ =	shalt  }
0x4e: {  	_ =	shalt  }
0x4f: {  	_ =	shalt  }
0x50: {  	_ =	shalt  }
0x51: {  	_ =	shalt  }
0x52: {  	_ =	shalt  }
0x53: {  	_ =	shalt  }
0x54: {  	_ =	shalt  }
0x55: {  	_ =	shalt  }
0x56: {  	_ =	shalt  }
0x57: {  	_ =	shalt  }
0x58: {  	_ =	shalt  }
0x59: {  	_ =	shalt  }
0x5a: {  	_ =	shalt  }
0x5b: {  	_ =	shalt  }
0x5c: {  	_ =	shalt  }
0x5d: {  	_ =	shalt  }
0x5e: {  	_ =	shalt  }
0x5f: {  	_ =	shalt  }
0x60: {  	_ =	shalt  }
0x61: {  	_ =	shalt  }
0x62: {  	_ =	shalt  }
0x63: {  	_ =	shalt  }
0x64: {  	_ =	shalt  }
0x65: {  	_ =	shalt  }
0x66: {  	_ =	shalt  }
0x67: {  	_ =	shalt  }
0x68: {  	_ =	shalt  }
0x69: {  	_ =	shalt  }
0x6a: {  	_ =	shalt  }
0x6b: {  	_ =	shalt  }
0x6c: {  	_ =	shalt  }
0x6d: {  	_ =	shalt  }
0x6e: {  	_ =	shalt  }
0x6f: {  	_ =	shalt  }
0x70: {  	_ =	shalt  }
0x71: {  	_ =	shalt  }
0x72: {  	_ =	shalt  }
0x73: {  	_ =	shalt  }
0x74: {  	_ =	shalt  }
0x75: {  	_ =	shalt  }
0x76: {  	_ =	shalt  }
0x77: {  	_ =	shalt  }
0x78: {  	_ =	shalt  }
0x79: {  	_ =	shalt  }
0x7a: {  	_ =	shalt  }
0x7b: {  	_ =	shalt  }
0x7c: {  	_ =	shalt  }
0x7d: {  	_ =	shalt  }
0x7e: {  	_ =	shalt  }
0x7f: {  	_ =	shalt  }
0x80: {  	_ =	shalt  }
0x81: {  	_ =	shalt  }
0x82: {  	_ =	shalt  }
0x83: {  	_ =	shalt  }
0x84: {  	_ =	shalt  }
0x85: {  	_ =	shalt  }
0x86: {  	_ =	shalt  }
0x87: {  	_ =	shalt  }
.Lfunc_end0:
.L_simem_size_0:
called_computation_lowered:
.L_overlay_start_0:
0x88: {  	s2 =	sld [smem:$0x3FD9]  }
0x89: {  	s3 =	sld [smem:$0x3FFE];
	_ =	sdelay $0x1  }
0x8a: {  	s1 =	srdreg.scid  }
0x8b: {  	s0 =	sand.u32 $0x1, s1  }
0x8c: {  	s14 =	sshll.u32 s0, $0xA;
	s2 =	sadd.s32 s3, s2  }
0x8d: {  	s2 =	sadd.s32 s2, s14  }
0x8e: {  	[smem:$0x3FC1] =	sst s2  }
0x8f: {  	_ = 	snop  }
0x90: {  	s2 =	sld [smem:$0x3FD0];
	_ =	sdelay $0x2  }
0x91: {  	s15 =	simm.s32 $0xA;
	s4 =	simm.s32 $0x10  }
0x92: {  	[smem:s4], [sflag:s15] =	dma.local [hbm:s2], $0x1  }
0x93: {  	_ =	swait.eq [sflag:s15], $0x1  }
0x94: {  	[sflag:s15] =	ssyncset.done $0x0  }
0x95: {  	s16 =	sld [smem:$0x10];
	[sflag:s15] =	ssyncadd.s32 $0xFFFFFFFF  }
0x96: {  	s17 =	sld [smem:$0x11];
	(tm) =	ssettm $0x1  }
0x97: {  	s18 =	sld [smem:$0x3FFB];
	_ =	sdelay $0x3  }
0x98: {  	_ =	strace s18  }
0x99: {  	s4 =	sld [smem:$0x3FFC];
	_ =	sdelay $0x3  }
0x9a: {  	_ =	strace s4  }
0x9b: {  	s4 =	sld [smem:$0x3FFD];
	_ =	sdelay $0x3  }
0x9c: {  	_ =	strace s4  }
0x9d: {  	_ =	strace $0x8FFFFFFF  }
0x9e: {  	s19 =	sld [smem:$0x3FDB];
	_ =	sdelay $0x1  }
0x9f: {  	s5 =	simm.s32 $_scs_section_size  }
0xa0: {  	s6 =	simm.s32 $_size__tile_overlayer_lowered;
	s7 =	simm.s32 $_tile_overlayer_lowered  }
0xa1: {  	s22 =	simm.s32 $0x1BFF;
	s21 =	sshll.u32 s7, $0x1;
	s4 =	sadd.s32 s5, s19  }
0xa2: {  	s8 =	simm.s32 $0x0;
	s20 =	sshll.u32 s6, $0x1;
	s6 =	sadd.s32 s21, s4  }
0xa3: {  	[timem:s8], [sflag:s22] =	dma.local [hbm:s6], s20  }
0xa4: {  	_ =	swait.ge [sflag:s22], s20  }
0xa5: {  	s5 =	ssub.s32 $0x0, s20;
	[sflag:s22] =	ssyncset.done $0x0  }
0xa6: {  	[sflag:s22] =	ssyncadd.s32 s5;
	_ =	sdelay $0x1  }
0xa7: {  	s23 =	simm.s32 $0x1B8B  }
0xa8: {  	_ =	swait.ge [sflag:s23], $0x1  }
0xa9: {  	[sflag:s23] =	ssyncset.done $0x0  }
0xaa: {  	s25 =	simm.s32 $0x1B8E;
	s24 =	sld [smem:$0x3FFE];
	[sflag:s23] =	ssyncadd.s32 $0xFFFFFFFF  }
0xab: {  	s26 =	simm.s32 $execute0_lowered;
	[smem:$0x3FD2] =	sst s25  }
0xac: {  	s6 =	sshll.u32 s26, $0x1;
	_ =	strace $0x80000046;
	[dreg:$0x1] =	wrdreg $0xFFFFFFFF  }
0xad: {  	s28 =	simm.s32 $_size_execute0_lowered;
	s4 =	sadd.s32 s4, s6;
	[dreg:$0x0] =	wrdreg $0x0  }
0xae: {  	s6 =	sshll.u32 s28, $0x1;
	[dreg:$0x2] =	wrdreg s4  }
0xaf: {  	[dreg:$0x3] =	wrdreg s6  }
0xb0: {  	[dreg:$0x4] =	wrdreg $0xC0  }
0xb1: {  	_ =	task [dreg:s8], $0x5FFFF  }
0xb2: {  	[dreg:$0x1] =	wrdreg $0xFFFFFFFF  }
0xb3: {  	[dreg:$0x0] =	wrdreg $0x60  }
0xb4: {  	[dreg:$0x2] =	wrdreg s24  }
0xb5: {  	[dreg:$0x3] =	wrdreg s17  }
0xb6: {  	[dreg:$0x4] =	wrdreg s16  }
0xb7: {  	[dreg:$0x5] =	wrdreg $0x0  }
0xb8: {  	[dreg:$0x6] =	wrdreg $0x9  }
0xb9: {  	_ =	task.clear_ibuf [dreg:s8], $0x7FFFF;
	_ =	strace $0x90000046  }
0xba: {  	s29 =	simm.s32 $0x9;
	_ =	strace $0x80000048  }
0xbb: {  	_ =	swait.ge [sflag:s29], $0x1  }
0xbc: {  	[sflag:s29] =	ssyncadd.s32 $0xFFFFFFFF  }
0xbd: {  	_ =	strace $0x90000048  }
0xbe: {  	_ =	sfence  }
0xbf: {  	s30 =	sld [smem:$0x0];
	_ =	sdelay $0x2  }
0xc0: {  	s31 =	sshll.u32 s1, $0xD;
	s1 =	sshrl.u32 s1, $0x2  }
0xc1: {  	s3 =	sand.u32 $0x4000, s31;
	s1 =	sadd.s32 s1, s30  }
0xc2: {  	s0 =	sor.u32 s3, s0;
	s1 =	sshll.u32 s1, $0x11  }
0xc3: {  	s0 =	sor.u32 s1, s0  }
0xc4: {  	s0 =	sadd.s32 $0x8F2B, s0  }
0xc5: {  	[sflag:s0] =	ssyncadd.remote.s32 $0x1  }
0xc6: {  	_ =	sfence.sel $0xFFFF  }
0xc7: {  	[dreg:$0x0] =	wrdreg $0xFFFFFFFF;
	(pc) =	sbr.abs _section_cstart, $3  }
0xc8: {  	[dreg:$0x1] =	wrdreg $0xFFFFFFFF  }
0xc9: {  	_ =	task.clear_ibuf [dreg:s8], $0x2FFFF;
	_ =	strace $0x9FFFFFFF  }
0xca: {  	(tm) =	ssettm $0x7FFFFFFF  }
0xcb: {  	_ =	shalt  }
tec
execute0_lowered:
.L_overlay_start_1:
0x0: {  	(tag) =	ssettag $0x1  }
0x1: {  	s9 =	rddreg [dreg:$0x0]  }
0x2: {  	s1 =	rddreg [dreg:$0x1]  }
0x3: {  	s2 =	rddreg [dreg:$0x2]  }
0x4: {  	s3 =	rddreg [dreg:$0x3]  }
0x5: {  	s0 =	rddreg [dreg:$0x4];
	s4 =	simm.s32 $0x0;
	s5 =	srdreg.scid  }
0x6: {  	s16 =	simm.s32 $0x2;
	s17 =	simm.s32 $0x13880;
	s18 =	simm.s32 $0x13980  }
0x7: {  	s19 =	simm.s32 $0x13A80;
	s20 =	simm.s32 $0x80;
	s21 =	simm.s32 $0x13900  }
0x8: {  	s22 =	simm.s32 $0x17B80;
	s23 =	simm.s32 $0x1;
	s24 =	simm.s32 $0x13A00  }
0x9: {  	s25 =	simm.s32 $0x0;
	[smem:$0x7FF] =	sst s4;
	s11 =	sand.u32 $0x1, s5  }
0xa: {  	s6 =	sadd.s32 $0x600, s9;
	s5 =	stileid.u32;
	s10 =	smul.u32 $0x27100, s11  }
0xb: {  	s7 =	sadd.s32 $0x4E800, s9;
	_ =	strace $0x80000047;
	s8 =	smul.u32 $0x50, s5  }
0xc: {  	s12 =	ssub.s32 $0x2, s11;
	p0 =	slt.u32 s5, $0xD;
	s15 =	smul.u32 $0xA000, s5  }
0xd: {  	s14 =	sshrl.u32 s12, $0x1;
	s13 =	sadd.s32 s10, s9;
	s9 =	smul.u32 $0x50000, s11  }
0xe: {  	s10 =	simm.s32 $0x8;
	s14 =	ssub.s32 s12, s14;
	s11 =	smul.u32 $0x500, s11  }
0xf: {  	s31 =	sshrl.u32 s15, $0x2;
	s15 =	simm.s32 $0x13B80;
	s10 =	simm.s32 @!p0 $0x7  }
0x10: {  	v0 =	vimm.f32 $0.0e+00;
	s12 =	sadd.s32 $0x62800, s13;
	s13 =	smax.u32 s14, $0x1;
	s14 =	sadd.s32 s31, s3  }
.LBB2_1:
0x11: {  	s26 =	simm.s32 $0x0;
	s28 =	simm.s32 $0x200  }
.LBB2_2:
0x12: {  	p0 =	sne.s32 s28, $0x9E00;
	[tilespmem:s26+$0x13BF0] =	vst v0  }
0x13: {  	[tilespmem:s26+$0x13B80] =	vst v0  }
0x14: {  	[tilespmem:s26+$0x13B90] =	vst v0  }
.Ltmp0:
0x15: {  	[tilespmem:s26+$0x13BA0] =	vst v0;
	(pc) =	sbr.rel @p0 .LBB2_2-.Ltmp0, $4  }
0x16: {  	[tilespmem:s26+$0x13BB0] =	vst v0  }
0x17: {  	[tilespmem:s26+$0x13BC0] =	vst v0  }
0x18: {  	[tilespmem:s26+$0x13BD0] =	vst v0  }
0x19: {  	[tilespmem:s26+$0x13BE0] =	vst v0;
	s26 =	sshra.s32 s28, $0x2;
	s28 =	sadd.s32 $0x200, s28  }
0x1a: {  	[tilespmem:s26+$0x13BF0] =	vst v0  }
0x1b: {  	[tilespmem:s26+$0x13B80] =	vst v0  }
0x1c: {  	[tilespmem:s26+$0x13B90] =	vst v0  }
0x1d: {  	[tilespmem:s26+$0x13BA0] =	vst v0  }
0x1e: {  	[tilespmem:s26+$0x13BB0] =	vst v0  }
0x1f: {  	[tilespmem:s26+$0x13BC0] =	vst v0;
	p0 =	sne.s32 s10, $0x1  }
.Ltmp1:
0x20: {  	[tilespmem:s26+$0x13BD0] =	vst v0;
	(pc) =	sbr.rel @!p0 .LBB2_5-.Ltmp1, $4  }
0x21: {  	[tilespmem:s26+$0x13BE0] =	vst v0  }
0x22: {  	[spmem:s14] =	stream.linear.scatter [tilespmem:s15], [sflag:$0x2], $0x2800, $0x38;
	[tilespmem:$0x1BB80] =	vst v63  }
0x23: {  	_ =	swait.ge [sflag:s16], $0x2800  }
0x24: {  	s26 =	sadd.s32 $0xFFFFFFFF, s10;
	s28 =	smov.u32 s14;
	[sflag:s16] =	ssyncset.done $0x0  }
.LBB2_4:
0x25: {  	p0 =	sne.s32 s26, $0x1;
	[sflag:s16] =	ssyncadd.s32 $0xFFFFD800;
	s28 =	sadd.s32 $0x28000, s28  }
.Ltmp2:
0x26: {  	s26 =	sadd.s32 $0xFFFFFFFF, s26;
	(pc) =	sbr.rel @p0 .LBB2_4-.Ltmp2, $4  }
0x27: {  	_ = 	snop  }
0x28: {  	[spmem:s28] =	stream.linear.scatter [tilespmem:s15], [sflag:$0x2], $0x2800, $0x38;
	[tilespmem:$0x1BB80] =	vst v63  }
0x29: {  	_ =	swait.ge [sflag:s16], $0x2800  }
0x2a: {  	[sflag:s16] =	ssyncset.done $0x0  }
.LBB2_5:
0x2b: {  	[sflag:s16] =	ssyncadd.s32 $0xFFFFD800  }
0x2c: {  	s26 =	simm.s32 $0x0;
	s28 =	simm.s32 $0x0;
	[bflag:$0x0] =	sbarrier.arrive $0xFFFF  }
.LBB2_6:
0x2d: {  	s29 =	sadd.s32 s8, s28  }
0x2e: {  	s30 =	sadd.s32 s11, s29  }
0x2f: {  	s30 =	sshll.u32 s30, $0x5  }
0x30: {  	s31 =	sadd.s32 s1, s30  }
0x31: {  	[tilespmem:s17], [sflag:$0x2] =	stream.linear.gather [hbm4b:s31+s26], $0x100, $0x38;
	[tilespmem:$0x1BB80] =	vst v63  }
0x32: {  	_ =	swait.ge [sflag:s16], $0x100  }
0x33: {  	[sflag:s16] =	ssyncset.done $0x0  }
0x34: {  	s29 =	sshll.u32 s29, $0x8;
	s30 =	sadd.s32 s2, s30;
	[sflag:s16] =	ssyncadd.s32 $0xFFFFFF00  }
0x35: {  	[tilespmem:s18], [sflag:$0x2] =	stream.linear.gather [hbm4b:s30+s26], $0x100, $0x38;
	[tilespmem:$0x1BB80] =	vst v63  }
0x36: {  	s29 =	sadd.s32 s9, s29;
	_ =	swait.ge [sflag:s16], $0x100  }
0x37: {  	s29 =	sshrl.u32 s29, $0x3;
	[sflag:s16] =	ssyncset.done $0x0  }
0x38: {  	s29 =	sadd.s32 s7, s29;
	[sflag:s16] =	ssyncadd.s32 $0xFFFFFF00  }
0x39: {  	[tilespmem:s19], [sflag:$0x2] =	stream.linear.gather [hbm4b:s29+s26], $0x100, $0x38;
	[tilespmem:$0x1BB80] =	vst v63  }
0x3a: {  	_ =	swait.ge [sflag:s16], $0x100  }
0x3b: {  	[sflag:s16] =	ssyncset.done $0x0  }
0x3c: {  	[sflag:s16] =	ssyncadd.s32 $0xFFFFFF00  }
0x3d: {  	[tilespmem:s15], [sflag:$0x1] =	stream.indirect.gather [hbm4b:s6+s20], $0x80, s17, s20, $0xb8;
	[tilespmem:$0x1BB80] =	vst v63  }
0x3e: {  	_ = 	snop  }
0x3f: {  	[tilespmem:s22], [sflag:$0x1] =	stream.indirect.gather [hbm4b:s6+s20], $0x80, s21, s20, $0xb8;
	[tilespmem:$0x1BB80] =	vst v63  }
0x40: {  	_ =	swait.ge [sflag:s23], $0x4000  }
0x41: {  	[sflag:s23] =	ssyncset.done $0x0  }
0x42: {  	[sflag:s23] =	ssyncadd.s32 $0xFFFFC000  }
0x43: {  	_ =	swait.ge [sflag:s23], $0x4000  }
0x44: {  	s29 =	simm.s32 $0x0;
	[sflag:s23] =	ssyncset.done $0x0  }
0x45: {  	s29 =	sand.u32 $0x3FFFFFF0, s29;
	[sflag:s23] =	ssyncadd.s32 $0xFFFFC000  }
0x46: {  	s30 =	simm.s32 $0x0;
	v1 =	vld [tilespmem:s29+$0x13A80]  }
0x47: {  	s29 =	sand.u32 $0x3FFFF800, s30  }
0x48: {  	v3 =	vld [tilespmem:s29+$0x13BA0]  }
0x49: {  	v4 =	vld [tilespmem:s29+$0x13BB0]  }
0x4a: {  	v10 =	vld [tilespmem:s29+$0x13BE0]  }
0x4b: {  	v11 =	vld [tilespmem:s29+$0x13BF0];
	v2 =	vbroadcast v1, $0x0  }
0x4c: {  	v12 =	vld [tilespmem:s29+$0x13C00]  }
0x4d: {  	v13 =	vld [tilespmem:s29+$0x13C10];
	v3 =	vmul.f32 v3, v2  }
0x4e: {  	v14 =	vld [tilespmem:s29+$0x13C20];
	v4 =	vmul.f32 v4, v2  }
0x4f: {  	v9 =	vld [tilespmem:s29+$0x13C30];
	v23 =	vbroadcast v1, $0x1;
	v22 =	vmul.f32 v10, v2;
	[tilespmem:s29+$0x13BA0] =	vst v3  }
0x50: {  	v7 =	vld [tilespmem:s29+$0x13C40];
	v11 =	vmul.f32 v11, v2;
	[tilespmem:s29+$0x13BB0] =	vst v4  }
0x51: {  	v8 =	vld [tilespmem:s29+$0x13C50];
	v12 =	vmul.f32 v12, v23;
	[tilespmem:s29+$0x13BE0] =	vst v22  }
0x52: {  	v25 =	vld [tilespmem:s29+$0x13C70];
	v13 =	vmul.f32 v13, v23;
	[tilespmem:s29+$0x13BF0] =	vst v11  }
0x53: {  	v26 =	vld [tilespmem:s29+$0x13C80];
	v14 =	vmul.f32 v14, v23;
	[tilespmem:s29+$0x13C00] =	vst v12  }
0x54: {  	v27 =	vld [tilespmem:s29+$0x13C90];
	v9 =	vmul.f32 v9, v23;
	[tilespmem:s29+$0x13C10] =	vst v13  }
0x55: {  	v6 =	vld [tilespmem:s29+$0x140F0];
	v7 =	vmul.f32 v7, v23;
	[tilespmem:s29+$0x13C20] =	vst v14  }
0x56: {  	v24 =	vld [tilespmem:s29+$0x13C60];
	v15 =	vbroadcast v1, $0x2;
	v8 =	vmul.f32 v8, v23;
	[tilespmem:s29+$0x13C30] =	vst v9  }
0x57: {  	v28 =	vld [tilespmem:s29+$0x13CA0];
	v10 =	vmul.f32 v25, v23;
	[tilespmem:s29+$0x13C40] =	vst v7  }
0x58: {  	v29 =	vld [tilespmem:s29+$0x13CB0];
	v5 =	vbroadcast v1, $0xA;
	v32 =	vmul.f32 v26, v15;
	[tilespmem:s29+$0x13C50] =	vst v8  }
0x59: {  	v30 =	vld [tilespmem:s29+$0x13CC0];
	v34 =	vmul.f32 v27, v15;
	[tilespmem:s29+$0x13C70] =	vst v10  }
0x5a: {  	v33 =	vld [tilespmem:s29+$0x13CE0];
	v3 =	vmul.f32 v6, v5;
	[tilespmem:s29+$0x13C80] =	vst v32  }
0x5b: {  	v35 =	vld [tilespmem:s29+$0x13CF0];
	v11 =	vmul.f32 v24, v23;
	[tilespmem:s29+$0x13C90] =	vst v34  }
0x5c: {  	v36 =	vld [tilespmem:s29+$0x13D00];
	v9 =	vmul.f32 v28, v15;
	[tilespmem:s29+$0x140F0] =	vst v3  }
0x5d: {  	v31 =	vld [tilespmem:s29+$0x13CD0];
	v7 =	vmul.f32 v29, v15;
	[tilespmem:s29+$0x13C60] =	vst v11  }
0x5e: {  	v37 =	vld [tilespmem:s29+$0x13D10];
	v8 =	vmul.f32 v30, v15;
	[tilespmem:s29+$0x13CA0] =	vst v9  }
0x5f: {  	v38 =	vld [tilespmem:s29+$0x13D20];
	v41 =	vbroadcast v1, $0x3;
	v10 =	vmul.f32 v33, v15;
	[tilespmem:s29+$0x13CB0] =	vst v7  }
0x60: {  	v39 =	vld [tilespmem:s29+$0x13D30];
	v12 =	vmul.f32 v35, v15;
	[tilespmem:s29+$0x13CC0] =	vst v8  }
0x61: {  	v42 =	vld [tilespmem:s29+$0x13D50];
	v13 =	vmul.f32 v36, v41;
	[tilespmem:s29+$0x13CE0] =	vst v10  }
0x62: {  	v43 =	vld [tilespmem:s29+$0x13D60];
	v11 =	vmul.f32 v31, v15;
	[tilespmem:s29+$0x13CF0] =	vst v12  }
0x63: {  	v44 =	vld [tilespmem:s29+$0x13D70];
	v9 =	vmul.f32 v37, v41;
	[tilespmem:s29+$0x13D00] =	vst v13  }
0x64: {  	v40 =	vld [tilespmem:s29+$0x13D40];
	v7 =	vmul.f32 v38, v41;
	[tilespmem:s29+$0x13CD0] =	vst v11  }
0x65: {  	v45 =	vld [tilespmem:s29+$0x13D80];
	v8 =	vmul.f32 v39, v41;
	[tilespmem:s29+$0x13D10] =	vst v9  }
0x66: {  	v46 =	vld [tilespmem:s29+$0x13D90];
	v10 =	vmul.f32 v42, v41;
	[tilespmem:s29+$0x13D20] =	vst v7  }
0x67: {  	v47 =	vld [tilespmem:s29+$0x13DA0];
	v12 =	vmul.f32 v43, v41;
	[tilespmem:s29+$0x13D30] =	vst v8  }
0x68: {  	v49 =	vld [tilespmem:s29+$0x13DC0];
	v50 =	vbroadcast v1, $0x4;
	v13 =	vmul.f32 v44, v41;
	[tilespmem:s29+$0x13D50] =	vst v10  }
0x69: {  	v51 =	vld [tilespmem:s29+$0x13DD0];
	v11 =	vmul.f32 v40, v41;
	[tilespmem:s29+$0x13D60] =	vst v12  }
0x6a: {  	v52 =	vld [tilespmem:s29+$0x13DE0];
	v9 =	vmul.f32 v45, v50;
	[tilespmem:s29+$0x13D70] =	vst v13  }
0x6b: {  	v48 =	vld [tilespmem:s29+$0x13DB0];
	v7 =	vmul.f32 v46, v50;
	[tilespmem:s29+$0x13D40] =	vst v11  }
0x6c: {  	v53 =	vld [tilespmem:s29+$0x13DF0];
	v8 =	vmul.f32 v47, v50;
	[tilespmem:s29+$0x13D80] =	vst v9  }
0x6d: {  	v54 =	vld [tilespmem:s29+$0x13E00];
	v10 =	vmul.f32 v49, v50;
	[tilespmem:s29+$0x13D90] =	vst v7  }
0x6e: {  	v55 =	vld [tilespmem:s29+$0x13E10];
	v12 =	vmul.f32 v51, v50;
	[tilespmem:s29+$0x13DA0] =	vst v8  }
0x6f: {  	v57 =	vld [tilespmem:s29+$0x13E30];
	v13 =	vmul.f32 v52, v50;
	[tilespmem:s29+$0x13DC0] =	vst v10  }
0x70: {  	v58 =	vld [tilespmem:s29+$0x13E40];
	v59 =	vbroadcast v1, $0x5;
	v11 =	vmul.f32 v48, v50;
	[tilespmem:s29+$0x13DD0] =	vst v12  }
0x71: {  	v60 =	vld [tilespmem:s29+$0x13E50];
	v9 =	vmul.f32 v53, v50;
	[tilespmem:s29+$0x13DE0] =	vst v13  }
0x72: {  	v56 =	vld [tilespmem:s29+$0x13E20];
	v7 =	vmul.f32 v54, v59;
	[tilespmem:s29+$0x13DB0] =	vst v11  }
0x73: {  	v61 =	vld [tilespmem:s29+$0x13E60];
	v8 =	vmul.f32 v55, v59;
	[tilespmem:s29+$0x13DF0] =	vst v9  }
0x74: {  	v62 =	vld [tilespmem:s29+$0x13E70];
	v10 =	vmul.f32 v57, v59;
	[tilespmem:s29+$0x13E00] =	vst v7  }
0x75: {  	v63 =	vld [tilespmem:s29+$0x13E80];
	v12 =	vmul.f32 v58, v59;
	[tilespmem:s29+$0x13E10] =	vst v8  }
0x76: {  	v19 =	vld [tilespmem:s29+$0x13EA0];
	v13 =	vmul.f32 v60, v59;
	[tilespmem:s29+$0x13E30] =	vst v10  }
0x77: {  	v20 =	vld [tilespmem:s29+$0x13EB0];
	v11 =	vmul.f32 v56, v59;
	[tilespmem:s29+$0x13E40] =	vst v12  }
0x78: {  	v21 =	vld [tilespmem:s29+$0x13EC0];
	v22 =	vbroadcast v1, $0x6;
	v9 =	vmul.f32 v61, v59;
	[tilespmem:s29+$0x13E50] =	vst v13  }
0x79: {  	v18 =	vld [tilespmem:s29+$0x13E90];
	v7 =	vmul.f32 v62, v59;
	[tilespmem:s29+$0x13E20] =	vst v11  }
0x7a: {  	v23 =	vld [tilespmem:s29+$0x13ED0];
	v8 =	vmul.f32 v63, v22;
	[tilespmem:s29+$0x13E60] =	vst v9  }
0x7b: {  	v24 =	vld [tilespmem:s29+$0x13EE0];
	v10 =	vmul.f32 v19, v22;
	[tilespmem:s29+$0x13E70] =	vst v7  }
0x7c: {  	v25 =	vld [tilespmem:s29+$0x13EF0];
	v12 =	vmul.f32 v20, v22;
	[tilespmem:s29+$0x13E80] =	vst v8  }
0x7d: {  	v27 =	vld [tilespmem:s29+$0x13F10];
	v13 =	vmul.f32 v21, v22;
	[tilespmem:s29+$0x13EA0] =	vst v10  }
0x7e: {  	v28 =	vld [tilespmem:s29+$0x13F20];
	v11 =	vmul.f32 v18, v22;
	[tilespmem:s29+$0x13EB0] =	vst v12  }
0x7f: {  	v29 =	vld [tilespmem:s29+$0x13F30];
	v9 =	vmul.f32 v23, v22;
	[tilespmem:s29+$0x13EC0] =	vst v13  }
0x80: {  	v31 =	vbroadcast v1, $0x7;
	v53 =	vld [tilespmem:s29+$0x14080];
	v7 =	vmul.f32 v24, v22;
	[tilespmem:s29+$0x13E90] =	vst v11  }
0x81: {  	v57 =	vld [tilespmem:s29+$0x140C0];
	v8 =	vmul.f32 v25, v22;
	[tilespmem:s29+$0x13ED0] =	vst v9  }
0x82: {  	v58 =	vld [tilespmem:s29+$0x140D0];
	v10 =	vmul.f32 v27, v31;
	[tilespmem:s29+$0x13EE0] =	vst v7  }
0x83: {  	v26 =	vld [tilespmem:s29+$0x13F00];
	v12 =	vmul.f32 v28, v31;
	[tilespmem:s29+$0x13EF0] =	vst v8  }
0x84: {  	v30 =	vld [tilespmem:s29+$0x13F40];
	v13 =	vmul.f32 v29, v31;
	[tilespmem:s29+$0x13F10] =	vst v10  }
0x85: {  	v32 =	vld [tilespmem:s29+$0x13F50];
	v59 =	vmul.f32 v53, v5;
	[tilespmem:s29+$0x13F20] =	vst v12  }
0x86: {  	v33 =	vld [tilespmem:s29+$0x13F60];
	v18 =	vmul.f32 v57, v5;
	[tilespmem:s29+$0x13F30] =	vst v13  }
0x87: {  	v35 =	vld [tilespmem:s29+$0x13F80];
	v20 =	vmul.f32 v58, v5;
	[tilespmem:s29+$0x14080] =	vst v59  }
0x88: {  	v36 =	vld [tilespmem:s29+$0x13F90];
	v11 =	vmul.f32 v26, v31;
	[tilespmem:s29+$0x140C0] =	vst v18  }
0x89: {  	v37 =	vld [tilespmem:s29+$0x13FA0];
	v9 =	vmul.f32 v30, v31;
	[tilespmem:s29+$0x140D0] =	vst v20  }
0x8a: {  	v4 =	vld [tilespmem:s29+$0x14100];
	v40 =	vbroadcast v1, $0x8;
	v7 =	vmul.f32 v32, v31;
	[tilespmem:s29+$0x13F00] =	vst v11  }
0x8b: {  	v6 =	vld [tilespmem:s29+$0x14110];
	v8 =	vmul.f32 v33, v31;
	[tilespmem:s29+$0x13F40] =	vst v9  }
0x8c: {  	v3 =	vld [tilespmem:s29+$0x14350];
	v10 =	vmul.f32 v35, v40;
	[tilespmem:s29+$0x13F50] =	vst v7  }
0x8d: {  	v61 =	vld [tilespmem:s29+$0x13B80];
	v23 =	vbroadcast v1, $0xB;
	v12 =	vmul.f32 v36, v40;
	[tilespmem:s29+$0x13F60] =	vst v8  }
0x8e: {  	v34 =	vld [tilespmem:s29+$0x13F70];
	v13 =	vmul.f32 v37, v40;
	[tilespmem:s29+$0x13F80] =	vst v10  }
0x8f: {  	v38 =	vld [tilespmem:s29+$0x13FB0];
	v27 =	vbroadcast v1, $0xF;
	v4 =	vmul.f32 v4, v23;
	[tilespmem:s29+$0x13F90] =	vst v12  }
0x90: {  	v39 =	vld [tilespmem:s29+$0x13FC0];
	v6 =	vmul.f32 v6, v23;
	[tilespmem:s29+$0x13FA0] =	vst v13  }
0x91: {  	v41 =	vld [tilespmem:s29+$0x13FD0];
	v3 =	vmul.f32 v3, v27;
	[tilespmem:s29+$0x14100] =	vst v4  }
0x92: {  	v43 =	vld [tilespmem:s29+$0x13FF0];
	v24 =	vmul.f32 v2, v61;
	[tilespmem:s29+$0x14110] =	vst v6  }
0x93: {  	v44 =	vld [tilespmem:s29+$0x14000];
	v11 =	vmul.f32 v34, v31;
	[tilespmem:s29+$0x14350] =	vst v3  }
0x94: {  	v45 =	vld [tilespmem:s29+$0x14010];
	v9 =	vmul.f32 v38, v40;
	[tilespmem:s29+$0x13B80] =	vst v24  }
0x95: {  	v63 =	vld [tilespmem:s29+$0x13BC0];
	v7 =	vmul.f32 v39, v40;
	[tilespmem:s29+$0x13F70] =	vst v11  }
0x96: {  	v49 =	vbroadcast v1, $0x9;
	v29 =	vld [tilespmem:s29+$0x14170];
	v8 =	vmul.f32 v41, v40;
	[tilespmem:s29+$0x13FB0] =	vst v9  }
0x97: {  	v42 =	vld [tilespmem:s29+$0x13FE0];
	v10 =	vmul.f32 v43, v40;
	[tilespmem:s29+$0x13FC0] =	vst v7  }
0x98: {  	v46 =	vld [tilespmem:s29+$0x14020];
	v12 =	vmul.f32 v44, v49;
	[tilespmem:s29+$0x13FD0] =	vst v8  }
0x99: {  	v47 =	vld [tilespmem:s29+$0x14030];
	v13 =	vmul.f32 v45, v49;
	[tilespmem:s29+$0x13FF0] =	vst v10  }
0x9a: {  	v48 =	vld [tilespmem:s29+$0x14040];
	v3 =	vmul.f32 v63, v2;
	[tilespmem:s29+$0x14000] =	vst v12  }
0x9b: {  	v51 =	vld [tilespmem:s29+$0x14060];
	v6 =	vmul.f32 v29, v23;
	[tilespmem:s29+$0x14010] =	vst v13  }
0x9c: {  	v52 =	vld [tilespmem:s29+$0x14070];
	v11 =	vmul.f32 v42, v40;
	[tilespmem:s29+$0x13BC0] =	vst v3  }
0x9d: {  	v28 =	vld [tilespmem:s29+$0x14160];
	v9 =	vmul.f32 v46, v49;
	[tilespmem:s29+$0x14170] =	vst v6  }
0x9e: {  	v26 =	vld [tilespmem:s29+$0x14150];
	v7 =	vmul.f32 v47, v49;
	[tilespmem:s29+$0x13FE0] =	vst v11  }
0x9f: {  	v30 =	vld [tilespmem:s29+$0x14180];
	v8 =	vmul.f32 v48, v49;
	[tilespmem:s29+$0x14020] =	vst v9  }
0xa0: {  	v50 =	vld [tilespmem:s29+$0x14050];
	v10 =	vmul.f32 v51, v49;
	[tilespmem:s29+$0x14030] =	vst v7  }
0xa1: {  	v54 =	vld [tilespmem:s29+$0x14090];
	v12 =	vmul.f32 v52, v49;
	[tilespmem:s29+$0x14040] =	vst v8  }
0xa2: {  	v55 =	vld [tilespmem:s29+$0x140A0];
	v35 =	vbroadcast v1, $0xC;
	v40 =	vmul.f32 v28, v23;
	[tilespmem:s29+$0x14060] =	vst v10  }
0xa3: {  	v56 =	vld [tilespmem:s29+$0x140B0];
	v32 =	vmul.f32 v26, v23;
	[tilespmem:s29+$0x14070] =	vst v12  }
0xa4: {  	v60 =	vld [tilespmem:s29+$0x140E0];
	v15 =	vmul.f32 v30, v35;
	[tilespmem:s29+$0x14160] =	vst v40  }
0xa5: {  	v62 =	vld [tilespmem:s29+$0x13B90];
	v11 =	vmul.f32 v50, v49;
	[tilespmem:s29+$0x14150] =	vst v32  }
0xa6: {  	v19 =	vld [tilespmem:s29+$0x13BD0];
	v9 =	vmul.f32 v54, v5;
	[tilespmem:s29+$0x14180] =	vst v15  }
0xa7: {  	v33 =	vld [tilespmem:s29+$0x141B0];
	v7 =	vmul.f32 v55, v5;
	[tilespmem:s29+$0x14050] =	vst v11  }
0xa8: {  	v61 =	vld [tilespmem:s29+$0x14370];
	v8 =	vmul.f32 v56, v5;
	[tilespmem:s29+$0x14090] =	vst v9  }
0xa9: {  	v38 =	vld [tilespmem:s29+$0x141F0];
	v5 =	vmul.f32 v60, v5;
	[tilespmem:s29+$0x140A0] =	vst v7  }
0xaa: {  	v21 =	vld [tilespmem:s29+$0x14120];
	v12 =	vmul.f32 v62, v2;
	[tilespmem:s29+$0x140B0] =	vst v8  }
0xab: {  	v22 =	vld [tilespmem:s29+$0x14130];
	v2 =	vmul.f32 v19, v2;
	[tilespmem:s29+$0x140E0] =	vst v5  }
0xac: {  	v25 =	vld [tilespmem:s29+$0x14140];
	v62 =	vmul.f32 v33, v35;
	[tilespmem:s29+$0x13B90] =	vst v12  }
0xad: {  	v31 =	vld [tilespmem:s29+$0x14190];
	v63 =	vmul.f32 v61, v27;
	[tilespmem:s29+$0x13BD0] =	vst v2  }
0xae: {  	v34 =	vld [tilespmem:s29+$0x141C0];
	v15 =	vmul.f32 v38, v35;
	[tilespmem:s29+$0x141B0] =	vst v62  }
0xaf: {  	v41 =	vld [tilespmem:s29+$0x14220];
	v7 =	vmul.f32 v21, v23;
	[tilespmem:s29+$0x14370] =	vst v63  }
0xb0: {  	v46 =	vld [tilespmem:s29+$0x14260];
	v8 =	vmul.f32 v22, v23;
	[tilespmem:s29+$0x141F0] =	vst v15  }
0xb1: {  	v36 =	vld [tilespmem:s29+$0x141D0];
	v5 =	vmul.f32 v25, v23;
	[tilespmem:s29+$0x14120] =	vst v7  }
0xb2: {  	v44 =	vbroadcast v1, $0xD;
	v9 =	vmul.f32 v31, v35;
	v2 =	vld [tilespmem:s29+$0x14210];
	[tilespmem:s29+$0x14130] =	vst v8  }
0xb3: {  	v37 =	vld [tilespmem:s29+$0x141E0];
	v12 =	vmul.f32 v34, v35;
	[tilespmem:s29+$0x14140] =	vst v5  }
0xb4: {  	v39 =	vld [tilespmem:s29+$0x14200];
	v11 =	vmul.f32 v41, v44;
	[tilespmem:s29+$0x14190] =	vst v9  }
0xb5: {  	v42 =	vld [tilespmem:s29+$0x14230];
	v51 =	vmul.f32 v46, v44;
	[tilespmem:s29+$0x141C0] =	vst v12  }
0xb6: {  	v48 =	vld [tilespmem:s29+$0x14290];
	v8 =	vmul.f32 v36, v35;
	[tilespmem:s29+$0x14220] =	vst v11  }
0xb7: {  	v49 =	vld [tilespmem:s29+$0x142A0];
	[tilespmem:s29+$0x14260] =	vst v51;
	v2 =	vmul.f32 v2, v44  }
0xb8: {  	v50 =	vld [tilespmem:s29+$0x142B0];
	v5 =	vmul.f32 v37, v35;
	[tilespmem:s29+$0x141D0] =	vst v8  }
0xb9: {  	v1 =	vbroadcast v1, $0xE;
	v9 =	vmul.f32 v39, v44;
	[tilespmem:s29+$0x14210] =	vst v2;
	v2 =	vld [tilespmem:s29+$0x14280]  }
0xba: {  	v60 =	vld [tilespmem:s29+$0x14360];
	v12 =	vmul.f32 v42, v44;
	[tilespmem:s29+$0x141E0] =	vst v5  }
0xbb: {  	v45 =	vld [tilespmem:s29+$0x14250];
	v11 =	vmul.f32 v48, v1;
	[tilespmem:s29+$0x14200] =	vst v9  }
0xbc: {  	v47 =	vld [tilespmem:s29+$0x14270];
	v10 =	vmul.f32 v49, v1;
	[tilespmem:s29+$0x14230] =	vst v12  }
0xbd: {  	v43 =	vld [tilespmem:s29+$0x14240];
	v6 =	vmul.f32 v50, v1;
	[tilespmem:s29+$0x14290] =	vst v11  }
0xbe: {  	v55 =	vld [tilespmem:s29+$0x14300];
	[tilespmem:s29+$0x142A0] =	vst v10;
	v2 =	vmul.f32 v2, v1  }
0xbf: {  	v57 =	vld [tilespmem:s29+$0x14320];
	v4 =	vmul.f32 v60, v27;
	[tilespmem:s29+$0x142B0] =	vst v6  }
0xc0: {  	v5 =	vmul.f32 v45, v44;
	[tilespmem:s29+$0x14280] =	vst v2;
	v2 =	vld [tilespmem:s29+$0x142F0]  }
0xc1: {  	v52 =	vld [tilespmem:s29+$0x142C0];
	v9 =	vmul.f32 v47, v44;
	[tilespmem:s29+$0x14360] =	vst v4  }
0xc2: {  	v56 =	vld [tilespmem:s29+$0x14310];
	v8 =	vmul.f32 v43, v44;
	[tilespmem:s29+$0x14250] =	vst v5  }
0xc3: {  	v54 =	vld [tilespmem:s29+$0x142E0];
	v11 =	vmul.f32 v55, v27;
	[tilespmem:s29+$0x14270] =	vst v9  }
0xc4: {  	v58 =	vld [tilespmem:s29+$0x14330];
	v6 =	vmul.f32 v57, v27;
	[tilespmem:s29+$0x14240] =	vst v8  }
0xc5: {  	v53 =	vld [tilespmem:s29+$0x142D0];
	[tilespmem:s29+$0x14300] =	vst v11;
	v2 =	vmul.f32 v2, v1  }
0xc6: {  	v59 =	vld [tilespmem:s29+$0x14340];
	v5 =	vmul.f32 v52, v1;
	[tilespmem:s29+$0x14320] =	vst v6  }
0xc7: {  	[tilespmem:s29+$0x142F0] =	vst v2;
	v2 =	vmul.f32 v56, v27  }
0xc8: {  	v3 =	vld [tilespmem:s29+$0x141A0];
	v9 =	vmul.f32 v54, v1;
	[tilespmem:s29+$0x142C0] =	vst v5  }
0xc9: {  	[tilespmem:s29+$0x14310] =	vst v2;
	v2 =	vmul.f32 v58, v27  }
0xca: {  	[tilespmem:s29+$0x142E0] =	vst v9;
	v1 =	vmul.f32 v53, v1  }
0xcb: {  	[tilespmem:s29+$0x14330] =	vst v2;
	v2 =	vmul.f32 v59, v27  }
0xcc: {  	[tilespmem:s29+$0x142D0] =	vst v1  }
0xcd: {  	s30 =	simm.s32 $0x1;
	[tilespmem:s29+$0x14340] =	vst v2;
	v2 =	vmul.f32 v3, v35  }
.LBB2_7:
0xce: {  	s31 =	sshll.u32 s30, $0x4  }
0xcf: {  	p0 =	sne.s32 s30, $0xF;
	[tilespmem:s29+$0x141A0] =	vst v2;
	s29 =	smov.u32 s30;
	s30 =	sadd.s32 $0x1, s30  }
0xd0: {  	s31 =	sand.u32 $0x3FFFFFF0, s31  }
0xd1: {  	s29 =	sshll.u32 s29, $0xB;
	v1 =	vld [tilespmem:s31+$0x13A80]  }
0xd2: {  	s29 =	sand.u32 $0x3FFFF800, s29  }
0xd3: {  	v8 =	vld [tilespmem:s29+$0x13C40]  }
0xd4: {  	v9 =	vld [tilespmem:s29+$0x13C50]  }
0xd5: {  	v10 =	vld [tilespmem:s29+$0x13C30]  }
0xd6: {  	v2 =	vbroadcast v1, $0x0;
	v3 =	vld [tilespmem:s29+$0x13BA0];
	v7 =	vbroadcast v1, $0x4  }
0xd7: {  	v5 =	vld [tilespmem:s29+$0x13BB0]  }
0xd8: {  	v6 =	vld [tilespmem:s29+$0x140F0]  }
0xd9: {  	v11 =	vld [tilespmem:s29+$0x13BE0]  }
0xda: {  	v12 =	vld [tilespmem:s29+$0x13BF0]  }
0xdb: {  	v4 =	vbroadcast v1, $0xA;
	v3 =	vmul.f32 v3, v2;
	v13 =	vld [tilespmem:s29+$0x13C00]  }
0xdc: {  	v5 =	vmul.f32 v5, v2;
	v14 =	vld [tilespmem:s29+$0x13C10]  }
0xdd: {  	[tilespmem:s29+$0x13BA0] =	vst v3;
	v15 =	vld [tilespmem:s29+$0x13C20];
	v3 =	vmul.f32 v6, v4  }
0xde: {  	[tilespmem:s29+$0x13BB0] =	vst v5;
	v6 =	vmul.f32 v11, v2;
	v11 =	vbroadcast v1, $0x1;
	v5 =	vld [tilespmem:s29+$0x14100]  }
0xdf: {  	v12 =	vmul.f32 v12, v2;
	[tilespmem:s29+$0x140F0] =	vst v3;
	v3 =	vld [tilespmem:s29+$0x14350]  }
0xe0: {  	[tilespmem:s29+$0x13BE0] =	vst v6;
	v13 =	vmul.f32 v13, v11;
	v6 =	vld [tilespmem:s29+$0x14110]  }
0xe1: {  	[tilespmem:s29+$0x13BF0] =	vst v12;
	v12 =	vmul.f32 v14, v11;
	v14 =	vld [tilespmem:s29+$0x13C60]  }
0xe2: {  	[tilespmem:s29+$0x13C00] =	vst v13;
	v13 =	vmul.f32 v15, v11;
	v15 =	vld [tilespmem:s29+$0x13C70]  }
0xe3: {  	v10 =	vmul.f32 v10, v11;
	[tilespmem:s29+$0x13C10] =	vst v12;
	v12 =	vld [tilespmem:s29+$0x13C80]  }
0xe4: {  	v8 =	vmul.f32 v8, v11;
	[tilespmem:s29+$0x13C20] =	vst v13;
	v13 =	vld [tilespmem:s29+$0x13C90]  }
0xe5: {  	v9 =	vmul.f32 v9, v11;
	[tilespmem:s29+$0x13C30] =	vst v10;
	v10 =	vld [tilespmem:s29+$0x13CA0]  }
0xe6: {  	[tilespmem:s29+$0x13C40] =	vst v8;
	v8 =	vmul.f32 v14, v11;
	v14 =	vbroadcast v1, $0x2;
	v16 =	vld [tilespmem:s29+$0x13CB0]  }
0xe7: {  	[tilespmem:s29+$0x13C50] =	vst v9;
	v9 =	vmul.f32 v15, v11;
	v11 =	vld [tilespmem:s29+$0x13CC0]  }
0xe8: {  	[tilespmem:s29+$0x13C60] =	vst v8;
	v8 =	vmul.f32 v12, v14;
	v12 =	vld [tilespmem:s29+$0x13CD0]  }
0xe9: {  	[tilespmem:s29+$0x13C70] =	vst v9;
	v9 =	vmul.f32 v13, v14;
	v13 =	vld [tilespmem:s29+$0x13CE0]  }
0xea: {  	[tilespmem:s29+$0x13C80] =	vst v8;
	v8 =	vmul.f32 v10, v14;
	v10 =	vld [tilespmem:s29+$0x13CF0]  }
0xeb: {  	[tilespmem:s29+$0x13C90] =	vst v9;
	v9 =	vmul.f32 v16, v14;
	v15 =	vld [tilespmem:s29+$0x13D00]  }
0xec: {  	[tilespmem:s29+$0x13CA0] =	vst v8;
	v8 =	vmul.f32 v11, v14;
	v11 =	vld [tilespmem:s29+$0x13D10]  }
0xed: {  	[tilespmem:s29+$0x13CB0] =	vst v9;
	v9 =	vmul.f32 v12, v14;
	v12 =	vld [tilespmem:s29+$0x13D20]  }
0xee: {  	[tilespmem:s29+$0x13CC0] =	vst v8;
	v8 =	vmul.f32 v13, v14;
	v13 =	vbroadcast v1, $0x3;
	v16 =	vld [tilespmem:s29+$0x13D30]  }
0xef: {  	[tilespmem:s29+$0x13CD0] =	vst v9;
	v9 =	vmul.f32 v10, v14;
	v10 =	vld [tilespmem:s29+$0x13D40]  }
0xf0: {  	[tilespmem:s29+$0x13CE0] =	vst v8;
	v8 =	vmul.f32 v15, v13;
	v14 =	vld [tilespmem:s29+$0x13D50]  }
0xf1: {  	[tilespmem:s29+$0x13CF0] =	vst v9;
	v9 =	vmul.f32 v11, v13;
	v11 =	vld [tilespmem:s29+$0x13D60]  }
0xf2: {  	[tilespmem:s29+$0x13D00] =	vst v8;
	v8 =	vmul.f32 v12, v13;
	v12 =	vld [tilespmem:s29+$0x13D70]  }
0xf3: {  	[tilespmem:s29+$0x13D10] =	vst v9;
	v9 =	vmul.f32 v16, v13;
	v15 =	vld [tilespmem:s29+$0x13D80]  }
0xf4: {  	[tilespmem:s29+$0x13D20] =	vst v8;
	v8 =	vmul.f32 v10, v13;
	v10 =	vld [tilespmem:s29+$0x13D90]  }
0xf5: {  	[tilespmem:s29+$0x13D30] =	vst v9;
	v9 =	vmul.f32 v14, v13;
	v14 =	vld [tilespmem:s29+$0x13DA0]  }
0xf6: {  	[tilespmem:s29+$0x13D40] =	vst v8;
	v8 =	vmul.f32 v11, v13;
	v11 =	vld [tilespmem:s29+$0x13DB0]  }
0xf7: {  	[tilespmem:s29+$0x13D50] =	vst v9;
	v9 =	vmul.f32 v12, v13;
	v12 =	vld [tilespmem:s29+$0x13DC0]  }
0xf8: {  	[tilespmem:s29+$0x13D60] =	vst v8;
	v8 =	vmul.f32 v15, v7;
	v13 =	vld [tilespmem:s29+$0x13DD0]  }
0xf9: {  	[tilespmem:s29+$0x13D70] =	vst v9;
	v9 =	vmul.f32 v10, v7;
	v10 =	vld [tilespmem:s29+$0x13DE0]  }
0xfa: {  	[tilespmem:s29+$0x13D80] =	vst v8;
	v8 =	vmul.f32 v14, v7;
	v14 =	vld [tilespmem:s29+$0x13DF0]  }
0xfb: {  	[tilespmem:s29+$0x13D90] =	vst v9;
	v9 =	vmul.f32 v11, v7;
	v11 =	vld [tilespmem:s29+$0x13E00]  }
0xfc: {  	[tilespmem:s29+$0x13DA0] =	vst v8;
	v8 =	vmul.f32 v12, v7;
	v12 =	vld [tilespmem:s29+$0x13E10]  }
0xfd: {  	[tilespmem:s29+$0x13DB0] =	vst v9;
	v9 =	vmul.f32 v13, v7;
	v13 =	vld [tilespmem:s29+$0x13E20]  }
0xfe: {  	[tilespmem:s29+$0x13DC0] =	vst v8;
	v8 =	vmul.f32 v10, v7;
	v10 =	vbroadcast v1, $0x5;
	v15 =	vld [tilespmem:s29+$0x13E30]  }
0xff: {  	[tilespmem:s29+$0x13DD0] =	vst v9;
	v7 =	vmul.f32 v14, v7;
	v9 =	vld [tilespmem:s29+$0x13E40]  }
0x100: {  	[tilespmem:s29+$0x13DE0] =	vst v8;
	v8 =	vmul.f32 v11, v10;
	v11 =	vld [tilespmem:s29+$0x13E50]  }
0x101: {  	[tilespmem:s29+$0x13DF0] =	vst v7;
	v7 =	vmul.f32 v12, v10;
	v12 =	vld [tilespmem:s29+$0x13E60]  }
0x102: {  	[tilespmem:s29+$0x13E00] =	vst v8;
	v8 =	vmul.f32 v13, v10;
	v13 =	vld [tilespmem:s29+$0x13E70]  }
0x103: {  	[tilespmem:s29+$0x13E10] =	vst v7;
	v7 =	vmul.f32 v15, v10;
	v14 =	vld [tilespmem:s29+$0x13E80]  }
0x104: {  	[tilespmem:s29+$0x13E20] =	vst v8;
	v8 =	vmul.f32 v9, v10;
	v9 =	vld [tilespmem:s29+$0x13E90]  }
0x105: {  	[tilespmem:s29+$0x13E30] =	vst v7;
	v7 =	vmul.f32 v11, v10;
	v11 =	vld [tilespmem:s29+$0x13EA0]  }
0x106: {  	[tilespmem:s29+$0x13E40] =	vst v8;
	v8 =	vmul.f32 v12, v10;
	v12 =	vbroadcast v1, $0x6;
	v15 =	vld [tilespmem:s29+$0x13EB0]  }
0x107: {  	[tilespmem:s29+$0x13E50] =	vst v7;
	v7 =	vmul.f32 v13, v10;
	v10 =	vld [tilespmem:s29+$0x13EC0]  }
0x108: {  	[tilespmem:s29+$0x13E60] =	vst v8;
	v8 =	vmul.f32 v14, v12;
	v13 =	vld [tilespmem:s29+$0x13ED0]  }
0x109: {  	[tilespmem:s29+$0x13E70] =	vst v7;
	v7 =	vmul.f32 v9, v12;
	v9 =	vld [tilespmem:s29+$0x13EE0]  }
0x10a: {  	[tilespmem:s29+$0x13E80] =	vst v8;
	v8 =	vmul.f32 v11, v12;
	v11 =	vld [tilespmem:s29+$0x13EF0]  }
0x10b: {  	[tilespmem:s29+$0x13E90] =	vst v7;
	v7 =	vmul.f32 v15, v12;
	v14 =	vld [tilespmem:s29+$0x13F00]  }
0x10c: {  	[tilespmem:s29+$0x13EA0] =	vst v8;
	v8 =	vmul.f32 v10, v12;
	v10 =	vld [tilespmem:s29+$0x13F10]  }
0x10d: {  	[tilespmem:s29+$0x13EB0] =	vst v7;
	v7 =	vmul.f32 v13, v12;
	v13 =	vld [tilespmem:s29+$0x13F20]  }
0x10e: {  	[tilespmem:s29+$0x13EC0] =	vst v8;
	v8 =	vmul.f32 v9, v12;
	v9 =	vbroadcast v1, $0x7;
	v15 =	vld [tilespmem:s29+$0x13F30]  }
0x10f: {  	[tilespmem:s29+$0x13ED0] =	vst v7;
	v7 =	vmul.f32 v11, v12;
	v11 =	vld [tilespmem:s29+$0x13F40]  }
0x110: {  	[tilespmem:s29+$0x13EE0] =	vst v8;
	v8 =	vmul.f32 v14, v9;
	v12 =	vld [tilespmem:s29+$0x13F50]  }
0x111: {  	[tilespmem:s29+$0x13EF0] =	vst v7;
	v7 =	vmul.f32 v10, v9;
	v10 =	vld [tilespmem:s29+$0x13F60]  }
0x112: {  	[tilespmem:s29+$0x13F00] =	vst v8;
	v8 =	vmul.f32 v13, v9;
	v13 =	vld [tilespmem:s29+$0x13F70]  }
0x113: {  	[tilespmem:s29+$0x13F10] =	vst v7;
	v7 =	vmul.f32 v15, v9;
	v14 =	vld [tilespmem:s29+$0x13F80]  }
0x114: {  	[tilespmem:s29+$0x13F20] =	vst v8;
	v8 =	vmul.f32 v11, v9;
	v11 =	vld [tilespmem:s29+$0x13F90]  }
0x115: {  	[tilespmem:s29+$0x13F30] =	vst v7;
	v7 =	vmul.f32 v12, v9;
	v12 =	vld [tilespmem:s29+$0x13FA0]  }
0x116: {  	[tilespmem:s29+$0x13F40] =	vst v8;
	v8 =	vmul.f32 v10, v9;
	v10 =	vbroadcast v1, $0x8;
	v15 =	vld [tilespmem:s29+$0x13FB0]  }
0x117: {  	[tilespmem:s29+$0x13F50] =	vst v7;
	v7 =	vmul.f32 v13, v9;
	v9 =	vld [tilespmem:s29+$0x13FC0]  }
0x118: {  	[tilespmem:s29+$0x13F60] =	vst v8;
	v8 =	vmul.f32 v14, v10;
	v13 =	vld [tilespmem:s29+$0x13FD0]  }
0x119: {  	[tilespmem:s29+$0x13F70] =	vst v7;
	v7 =	vmul.f32 v11, v10;
	v11 =	vld [tilespmem:s29+$0x13FE0]  }
0x11a: {  	[tilespmem:s29+$0x13F80] =	vst v8;
	v8 =	vmul.f32 v12, v10;
	v12 =	vld [tilespmem:s29+$0x13FF0]  }
0x11b: {  	[tilespmem:s29+$0x13F90] =	vst v7;
	v7 =	vmul.f32 v15, v10;
	v14 =	vld [tilespmem:s29+$0x14000]  }
0x11c: {  	[tilespmem:s29+$0x13FA0] =	vst v8;
	v8 =	vmul.f32 v9, v10;
	v9 =	vld [tilespmem:s29+$0x14010]  }
0x11d: {  	[tilespmem:s29+$0x13FB0] =	vst v7;
	v7 =	vmul.f32 v13, v10;
	v13 =	vld [tilespmem:s29+$0x14020]  }
0x11e: {  	[tilespmem:s29+$0x13FC0] =	vst v8;
	v8 =	vmul.f32 v11, v10;
	v11 =	vbroadcast v1, $0x9;
	v15 =	vld [tilespmem:s29+$0x14030]  }
0x11f: {  	[tilespmem:s29+$0x13FD0] =	vst v7;
	v7 =	vmul.f32 v12, v10;
	v10 =	vld [tilespmem:s29+$0x14040]  }
0x120: {  	[tilespmem:s29+$0x13FE0] =	vst v8;
	v8 =	vmul.f32 v14, v11;
	v12 =	vld [tilespmem:s29+$0x14050]  }
0x121: {  	[tilespmem:s29+$0x13FF0] =	vst v7;
	v7 =	vmul.f32 v9, v11;
	v9 =	vld [tilespmem:s29+$0x14060]  }
0x122: {  	[tilespmem:s29+$0x14000] =	vst v8;
	v8 =	vmul.f32 v13, v11;
	v13 =	vld [tilespmem:s29+$0x14070]  }
0x123: {  	[tilespmem:s29+$0x14010] =	vst v7;
	v7 =	vmul.f32 v15, v11;
	v14 =	vld [tilespmem:s29+$0x14080]  }
0x124: {  	[tilespmem:s29+$0x14020] =	vst v8;
	v8 =	vmul.f32 v10, v11;
	v10 =	vld [tilespmem:s29+$0x14090]  }
0x125: {  	[tilespmem:s29+$0x14030] =	vst v7;
	v7 =	vmul.f32 v12, v11;
	v12 =	vld [tilespmem:s29+$0x140A0]  }
0x126: {  	[tilespmem:s29+$0x14040] =	vst v8;
	v8 =	vmul.f32 v9, v11;
	v9 =	vld [tilespmem:s29+$0x140B0]  }
0x127: {  	[tilespmem:s29+$0x14050] =	vst v7;
	v7 =	vmul.f32 v13, v11;
	v11 =	vld [tilespmem:s29+$0x140C0]  }
0x128: {  	[tilespmem:s29+$0x14060] =	vst v8;
	v8 =	vmul.f32 v14, v4;
	v13 =	vld [tilespmem:s29+$0x140D0]  }
0x129: {  	[tilespmem:s29+$0x14070] =	vst v7;
	v7 =	vmul.f32 v10, v4;
	v10 =	vld [tilespmem:s29+$0x140E0]  }
0x12a: {  	v14 =	vld [tilespmem:s29+$0x13B80];
	[tilespmem:s29+$0x14080] =	vst v8;
	v8 =	vmul.f32 v12, v4  }
0x12b: {  	v12 =	vld [tilespmem:s29+$0x13B90];
	[tilespmem:s29+$0x14090] =	vst v7;
	v7 =	vmul.f32 v9, v4  }
0x12c: {  	v9 =	vld [tilespmem:s29+$0x13BC0];
	[tilespmem:s29+$0x140A0] =	vst v8;
	v8 =	vmul.f32 v11, v4  }
0x12d: {  	v11 =	vld [tilespmem:s29+$0x13BD0];
	[tilespmem:s29+$0x140B0] =	vst v7;
	v7 =	vmul.f32 v13, v4  }
0x12e: {  	[tilespmem:s29+$0x140C0] =	vst v8;
	v8 =	vmul.f32 v10, v4;
	v10 =	vbroadcast v1, $0xB;
	v13 =	vld [tilespmem:s29+$0x14120]  }
0x12f: {  	v4 =	vbroadcast v1, $0xF;
	v14 =	vmul.f32 v2, v14;
	[tilespmem:s29+$0x140D0] =	vst v7;
	v7 =	vld [tilespmem:s29+$0x14130]  }
0x130: {  	v12 =	vmul.f32 v12, v2;
	[tilespmem:s29+$0x140E0] =	vst v8;
	v5 =	vmul.f32 v5, v10;
	v8 =	vld [tilespmem:s29+$0x14140]  }
0x131: {  	v6 =	vmul.f32 v6, v10;
	[tilespmem:s29+$0x13B80] =	vst v14;
	v9 =	vmul.f32 v9, v2;
	v14 =	vld [tilespmem:s29+$0x14150]  }
0x132: {  	v3 =	vmul.f32 v3, v4;
	v11 =	vmul.f32 v11, v2;
	[tilespmem:s29+$0x14100] =	vst v5;
	v2 =	vld [tilespmem:s29+$0x14160]  }
0x133: {  	[tilespmem:s29+$0x14110] =	vst v6;
	v5 =	vmul.f32 v13, v10;
	v6 =	vld [tilespmem:s29+$0x14170]  }
0x134: {  	v7 =	vmul.f32 v7, v10;
	v13 =	vld [tilespmem:s29+$0x14180];
	[tilespmem:s29+$0x14350] =	vst v3  }
0x135: {  	[tilespmem:s29+$0x13B90] =	vst v12;
	v3 =	vmul.f32 v8, v10;
	v8 =	vld [tilespmem:s29+$0x14190]  }
0x136: {  	[tilespmem:s29+$0x13BC0] =	vst v9;
	v9 =	vmul.f32 v14, v10;
	v12 =	vld [tilespmem:s29+$0x141A0]  }
0x137: {  	v14 =	vbroadcast v1, $0xC;
	[tilespmem:s29+$0x14120] =	vst v5;
	v5 =	vmul.f32 v2, v10;
	v15 =	vld [tilespmem:s29+$0x141B0]  }
0x138: {  	[tilespmem:s29+$0x14150] =	vst v9;
	v6 =	vmul.f32 v6, v10;
	v9 =	vld [tilespmem:s29+$0x141C0]  }
0x139: {  	[tilespmem:s29+$0x14130] =	vst v7;
	v2 =	vmul.f32 v13, v14;
	v7 =	vld [tilespmem:s29+$0x141D0]  }
0x13a: {  	[tilespmem:s29+$0x14140] =	vst v3;
	v3 =	vmul.f32 v8, v14;
	v8 =	vld [tilespmem:s29+$0x141E0]  }
0x13b: {  	[tilespmem:s29+$0x14180] =	vst v2;
	v2 =	vmul.f32 v12, v14;
	v10 =	vld [tilespmem:s29+$0x141F0]  }
0x13c: {  	[tilespmem:s29+$0x14190] =	vst v3;
	v3 =	vld [tilespmem:s29+$0x14200]  }
0x13d: {  	[tilespmem:s29+$0x13BD0] =	vst v11;
	v9 =	vmul.f32 v9, v14;
	v11 =	vld [tilespmem:s29+$0x14210]  }
0x13e: {  	[tilespmem:s29+$0x14160] =	vst v5;
	v5 =	vmul.f32 v7, v14;
	v7 =	vld [tilespmem:s29+$0x14220]  }
0x13f: {  	[tilespmem:s29+$0x141C0] =	vst v9;
	v8 =	vmul.f32 v8, v14;
	v9 =	vbroadcast v1, $0xD;
	v12 =	vld [tilespmem:s29+$0x14230]  }
0x140: {  	[tilespmem:s29+$0x141D0] =	vst v5;
	v5 =	vmul.f32 v10, v14;
	v10 =	vld [tilespmem:s29+$0x14240]  }
0x141: {  	[tilespmem:s29+$0x141E0] =	vst v8;
	v3 =	vmul.f32 v3, v9;
	v8 =	vld [tilespmem:s29+$0x14250]  }
0x142: {  	[tilespmem:s29+$0x141F0] =	vst v5;
	v5 =	vmul.f32 v11, v9;
	v11 =	vld [tilespmem:s29+$0x14260]  }
0x143: {  	[tilespmem:s29+$0x14200] =	vst v3;
	v3 =	vmul.f32 v7, v9;
	v7 =	vld [tilespmem:s29+$0x14270]  }
0x144: {  	[tilespmem:s29+$0x14210] =	vst v5;
	v5 =	vmul.f32 v12, v9;
	v12 =	vld [tilespmem:s29+$0x14280]  }
0x145: {  	[tilespmem:s29+$0x14220] =	vst v3;
	v3 =	vmul.f32 v10, v9;
	v10 =	vld [tilespmem:s29+$0x14290]  }
0x146: {  	[tilespmem:s29+$0x14230] =	vst v5;
	v5 =	vmul.f32 v8, v9;
	v8 =	vld [tilespmem:s29+$0x142A0]  }
0x147: {  	v1 =	vbroadcast v1, $0xE;
	[tilespmem:s29+$0x14170] =	vst v6;
	v6 =	vmul.f32 v11, v9;
	v11 =	vld [tilespmem:s29+$0x142B0]  }
0x148: {  	[tilespmem:s29+$0x14250] =	vst v5;
	v5 =	vmul.f32 v7, v9;
	v7 =	vld [tilespmem:s29+$0x142C0]  }
0x149: {  	[tilespmem:s29+$0x14260] =	vst v6;
	v6 =	vmul.f32 v12, v1;
	v9 =	vld [tilespmem:s29+$0x142D0]  }
0x14a: {  	[tilespmem:s29+$0x14270] =	vst v5;
	v5 =	vmul.f32 v10, v1;
	v10 =	vld [tilespmem:s29+$0x142E0]  }
0x14b: {  	[tilespmem:s29+$0x14280] =	vst v6;
	v6 =	vmul.f32 v8, v1;
	v8 =	vld [tilespmem:s29+$0x142F0]  }
0x14c: {  	[tilespmem:s29+$0x14290] =	vst v5;
	v5 =	vmul.f32 v11, v1;
	v11 =	vld [tilespmem:s29+$0x14300]  }
0x14d: {  	[tilespmem:s29+$0x142A0] =	vst v6;
	v6 =	vmul.f32 v7, v1;
	v7 =	vld [tilespmem:s29+$0x14310]  }
0x14e: {  	[tilespmem:s29+$0x142B0] =	vst v5;
	v5 =	vmul.f32 v9, v1;
	v9 =	vld [tilespmem:s29+$0x14320]  }
0x14f: {  	[tilespmem:s29+$0x142C0] =	vst v6;
	v6 =	vmul.f32 v10, v1;
	v10 =	vld [tilespmem:s29+$0x14330]  }
0x150: {  	[tilespmem:s29+$0x14240] =	vst v3;
	v1 =	vmul.f32 v8, v1;
	v3 =	vld [tilespmem:s29+$0x14340]  }
0x151: {  	[tilespmem:s29+$0x142E0] =	vst v6;
	v6 =	vmul.f32 v11, v4;
	v8 =	vld [tilespmem:s29+$0x14360]  }
0x152: {  	[tilespmem:s29+$0x142F0] =	vst v1;
	v1 =	vmul.f32 v7, v4;
	v7 =	vld [tilespmem:s29+$0x14370]  }
0x153: {  	[tilespmem:s29+$0x14300] =	vst v6;
	v6 =	vmul.f32 v9, v4  }
0x154: {  	[tilespmem:s29+$0x14310] =	vst v1;
	v1 =	vmul.f32 v10, v4  }
0x155: {  	v9 =	vmul.f32 v15, v14;
	[tilespmem:s29+$0x14320] =	vst v6  }
0x156: {  	[tilespmem:s29+$0x14330] =	vst v1;
	v1 =	vmul.f32 v3, v4  }
.Ltmp3:
0x157: {  	[tilespmem:s29+$0x141B0] =	vst v9;
	v3 =	vmul.f32 v7, v4;
	(pc) =	sbr.rel @p0 .LBB2_7-.Ltmp3, $4  }
0x158: {  	[tilespmem:s29+$0x14340] =	vst v1  }
0x159: {  	v1 =	vmul.f32 v8, v4;
	[tilespmem:s29+$0x14370] =	vst v3  }
0x15a: {  	[tilespmem:s29+$0x142D0] =	vst v5  }
0x15b: {  	[tilespmem:s29+$0x14360] =	vst v1  }
0x15c: {  	[tilespmem:s29+$0x141A0] =	vst v2  }
0x15d: {  	[spmem:s3] =	stream.indirect.scatter.add.f32 [tilespmem:s15], [sflag:$0x2], $0x80, s18, s20, $0xb8;
	[tilespmem:$0x1BB80] =	vst v63  }
0x15e: {  	s28 =	sadd.s32 $0x1, s28;
	_ =	swait.ge [sflag:s16], $0x4000  }
0x15f: {  	p0 =	sne.s32 s28, $0x50;
	[sflag:s16] =	ssyncset.done $0x0  }
.Ltmp4:
0x160: {  	[sflag:s16] =	ssyncadd.s32 $0xFFFFC000;
	(pc) =	sbr.rel @p0 .LBB2_6-.Ltmp4, $4  }
0x161: {  	[spmem:s3] =	stream.indirect.scatter.add.f32 [tilespmem:s22], [sflag:$0x2], $0x80, s24, s20, $0xb8;
	[tilespmem:$0x1BB80] =	vst v63  }
0x162: {  	_ =	swait.ge [sflag:s16], $0x4000  }
0x163: {  	[sflag:s16] =	ssyncset.done $0x0  }
0x164: {  	[sflag:s16] =	ssyncadd.s32 $0xFFFFC000  }
0x165: {  	[bflag:$0x0] =	sbarrier.arrive $0xFFFF;
	s26 =	simm.s32 $0x0  }
.LBB2_10:
0x166: {  	s28 =	sshll.u32 s26, $0x4  }
0x167: {  	s28 =	sor.u32 s5, s28  }
0x168: {  	s29 =	smul.u32 $0xA000, s28;
	_ =	sdelay $0x1  }
0x169: {  	s29 =	sshra.s32 s29, $0x2  }
0x16a: {  	s29 =	sadd.s32 s29, s3  }
0x16b: {  	[tilespmem:s15], [sflag:$0x2] =	stream.linear.gather [spmem:s29], $0x2800, $0x38;
	[tilespmem:$0x1BB80] =	vst v63  }
0x16c: {  	_ =	swait.ge [sflag:s16], $0x2800  }
0x16d: {  	[sflag:s16] =	ssyncset.done $0x0  }
0x16e: {  	s29 =	simm.s32 $0x0;
	[sflag:s16] =	ssyncadd.s32 $0xFFFFD800  }
0x16f: {  	v3 =	vld [tilespmem:s29+$0x13B80]  }
0x170: {  	v5 =	vld [tilespmem:s29+$0x13B90]  }
0x171: {  	v4 =	vld [tilespmem:s29+$0x13BA0]  }
0x172: {  	v2 =	vld [tilespmem:s29+$0x13BB0]  }
0x173: {  	v1 =	vld [tilespmem:s29+$0x13BC0]  }
0x174: {  	v6 =	vmax.f32 v3, $0.0e+00;
	v3 =	vld [tilespmem:s29+$0x13BD0]  }
0x175: {  	s30 =	simm.s32 $0x200;
	[tilespmem:s29+$0x13B80] =	vst v6;
	v6 =	vmax.f32 v5, $0.0e+00;
	v5 =	vld [tilespmem:s29+$0x13BE0]  }
.LBB2_11:
0x176: {  	s31 =	sshra.s32 s30, $0x2;
	p0 =	sne.s32 s30, $0x9E00;
	[tilespmem:s29+$0x13B90] =	vst v6;
	v4 =	vmax.f32 v4, $0.0e+00;
	v6 =	vld [tilespmem:s29+$0x13BF0]  }
0x177: {  	v7 =	vld [tilespmem:s31+$0x13B80];
	[tilespmem:s29+$0x13BA0] =	vst v4;
	v2 =	vmax.f32 v2, $0.0e+00  }
0x178: {  	v8 =	vld [tilespmem:s31+$0x13B90];
	[tilespmem:s29+$0x13BB0] =	vst v2;
	v1 =	vmax.f32 v1, $0.0e+00  }
.Ltmp5:
0x179: {  	v4 =	vld [tilespmem:s31+$0x13BA0];
	[tilespmem:s29+$0x13BC0] =	vst v1;
	v1 =	vmax.f32 v3, $0.0e+00;
	(pc) =	sbr.rel @p0 .LBB2_11-.Ltmp5, $4  }
0x17a: {  	v2 =	vld [tilespmem:s31+$0x13BB0];
	[tilespmem:s29+$0x13BD0] =	vst v1;
	v3 =	vmax.f32 v5, $0.0e+00  }
0x17b: {  	v1 =	vld [tilespmem:s31+$0x13BC0];
	[tilespmem:s29+$0x13BE0] =	vst v3;
	v5 =	vmax.f32 v6, $0.0e+00  }
0x17c: {  	v6 =	vmax.f32 v7, $0.0e+00;
	v3 =	vld [tilespmem:s31+$0x13BD0];
	[tilespmem:s29+$0x13BF0] =	vst v5;
	s29 =	smov.u32 s31  }
0x17d: {  	s30 =	sadd.s32 $0x200, s30;
	[tilespmem:s29+$0x13B80] =	vst v6;
	v6 =	vmax.f32 v8, $0.0e+00;
	v5 =	vld [tilespmem:s29+$0x13BE0]  }
0x17e: {  	[tilespmem:s29+$0x13B90] =	vst v6;
	v4 =	vmax.f32 v4, $0.0e+00;
	v63 =	vld [tilespmem:s29+$0x13BF0]  }
0x17f: {  	[tilespmem:s29+$0x13BA0] =	vst v4;
	v2 =	vmax.f32 v2, $0.0e+00  }
0x180: {  	[tilespmem:s29+$0x13BB0] =	vst v2;
	v1 =	vmax.f32 v1, $0.0e+00  }
0x181: {  	[tilespmem:s29+$0x13BC0] =	vst v1;
	v1 =	vmax.f32 v3, $0.0e+00  }
0x182: {  	s28 =	smul.u32 $0x500, s28;
	s26 =	sadd.s32 $0x1, s26;
	[tilespmem:s29+$0x13BD0] =	vst v1;
	v1 =	vmax.f32 v5, $0.0e+00  }
0x183: {  	p0 =	sne.s32 s26, s10;
	[tilespmem:s29+$0x13BE0] =	vst v1;
	v1 =	vmax.f32 v63, $0.0e+00  }
.Ltmp6:
0x184: {  	s28 =	sadd.s32 s12, s28;
	[tilespmem:s29+$0x13BF0] =	vst v1;
	(pc) =	sbr.rel @p0 .LBB2_10-.Ltmp6, $4  }
0x185: {  	[hbm4b:s28+s4] =	stream.linear.scatter [tilespmem:s15], [sflag:$0x2], $0x2800, $0x38;
	[tilespmem:$0x1BB80] =	vst v63  }
0x186: {  	_ =	swait.ge [sflag:s16], $0x2800  }
0x187: {  	[sflag:s16] =	ssyncset.done $0x0  }
0x188: {  	[sflag:s16] =	ssyncadd.s32 $0xFFFFD800  }
0x189: {  	s25 =	sadd.s32 $0x1, s25  }
0x18a: {  	p0 =	sne.s32 s25, s13  }
.Ltmp7:
0x18b: {  	_ = 	snop;
	(pc) =	sbr.rel @p0 .LBB2_1-.Ltmp7, $1  }
0x18c: {  	_ =	sdelay $0x3  }
0x18d: {  	_ =	sfence.sel $0x180000  }
0x18e: {  	[bflag:$0x0] =	sbarrier.arrive $0xFFFF  }
0x18f: {  	p0 =	sne.s32 s5, $0x0;
	_ =	strace $0x90000047  }
0x190: {  	s0 =	sadd.s32 @!p0 $0x100000, s0;
	[bflag:$0x2] =	sbarrier.arrive $0xFFFF  }
0x191: {  	[sflag:s0] =	ssyncadd.tile.s32 @!p0 $0x1;
	_ =	shalt  }
.Lfunc_end2:
_tile_overlayer_lowered:
.L_overlay_start_2:
0x192: {  	(tag) =	ssettag $0x2  }
0x193: {  	s0 =	rddreg [dreg:$0x0];
	s2 =	stileid.u32  }
0x194: {  	s1 =	rddreg [dreg:$0x1];
	p0 =	sne.s32 s2, $0x0  }
0x195: {  	s3 =	rddreg [dreg:$0x2];
	[bflag:$0x3] =	sbarrier.arrive $0xFFFF;
	s2 =	simm.s32 @!p0 $0x1C02  }
0x196: {  	[timem:s3], [sflag:s2] =	dma.local @!p0 [hbm:s0], s1  }
0x197: {  	s0 =	simm.s32 @!p0 $0x2  }
0x198: {  	_ =	swait.ge @!p0 [sflag:s0], s1  }
0x199: {  	s1 =	ssub.s32 @!p0 $0x0, s1;
	[sflag:s0] =	ssyncset.done @!p0 $0x0  }
0x19a: {  	[sflag:s0] =	ssyncadd.s32 @!p0 s1  }
0x19b: {  	[bflag:$0x3] =	sbarrier.arrive $0xFFFF  }
0x19c: {  	_ =	shalt  }

</sc_bundles>
